<compile_context>
chip_gen: v7x
topology: tpu7x:2x2x1
jax: 0.10.2.dev20260603
libtpu: 0.0.44.dev20260713+nightly
codegen_flags: <defaults>
</compile_context>

<pallas_src>
import functools

import jax
import jax.numpy as jnp
from jax import lax
from jax.experimental import pallas as pl
from jax.experimental.pallas import tpu as pltpu
from jax.experimental.pallas import tpu_sc as plsc

_MAX_ANS_LEN = 30
_EPS = 1e-8
_NEG = -10000.0
_SPLIT = 4
_LANES = 256
_HALO = 256
_KNEG = -1.0e15


def _stage1_kernel(idxs_ref, s0_ref, s1_ref, s2_ref, s3_ref,
                   ap_ref, bp_ref, n2p_ref, mo_ref, vm_ref):
    bi = pl.program_id(0)
    refs = (s0_ref, s1_ref, s2_ref, s3_ref)
    CS = s0_ref.shape[2]
    H = s0_ref.shape[3]
    C = _SPLIT * CS // _LANES
    sep0 = idxs_ref[bi, 0]
    sep1 = idxs_ref[bi, 1]

    q = jnp.concatenate(
        [s0_ref[0, 0, 1:2, :], s0_ref[0, 0, pl.ds(sep0 - 1, 1), :]], axis=0)

    dn = (((1,), (1,)), ((), ()))
    ones = jnp.ones((1, H), jnp.float32)
    rows_a, rows_b, rows_n = [], [], []
    for r in refs:
        chunk = r[0, 0]
        ab = lax.dot_general(q, chunk, dimension_numbers=dn,
                             preferred_element_type=jnp.float32)
        n2c = lax.dot_general(ones, chunk * chunk, dimension_numbers=dn,
                              preferred_element_type=jnp.float32)
        for j in range(CS // _LANES):
            rows_a.append(lax.slice(ab, (0, j * _LANES), (1, (j + 1) * _LANES)))
            rows_b.append(lax.slice(ab, (1, j * _LANES), (2, (j + 1) * _LANES)))
            rows_n.append(lax.slice(n2c, (0, j * _LANES), (1, (j + 1) * _LANES)))
    a2 = jnp.concatenate(rows_a, axis=0)
    b2 = jnp.concatenate(rows_b, axis=0)
    n2 = jnp.concatenate(rows_n, axis=0)

    qn = jnp.sqrt(jnp.sum(q * q))
    inv_qn = 1.0 / jnp.maximum(qn, _EPS)

    s_iota = lax.broadcasted_iota(jnp.int32, (C, _LANES), 0)
    l_iota = lax.broadcasted_iota(jnp.int32, (C, _LANES), 1)
    i_idx = s_iota * _LANES + l_iota

    ap_ref[0, 0:C, :] = a2 * inv_qn
    ap_ref[0, C:C + 1, :] = jnp.zeros((1, _LANES), jnp.float32)
    bp_ref[0, 0:C, :] = b2 * inv_qn
    bp_ref[0, C:C + 1, :] = jnp.zeros((1, _LANES), jnp.float32)
    n2p_ref[0, 0:C, :] = n2
    n2p_ref[0, C:C + 1, :] = jnp.ones((1, _LANES), jnp.float32)
    mo_ref[0] = sep1 - i_idx
    vm_ref[0] = ((i_idx > sep0) & (i_idx < sep1)).astype(jnp.int32)


def _newton_rsqrt(d):
    di = lax.bitcast_convert_type(d, jnp.int32)
    magic = jnp.full((16,), 0x5F3759DF, jnp.int32)
    y = lax.bitcast_convert_type(
        magic - lax.shift_right_logical(di, jnp.full((16,), 1, jnp.int32)),
        jnp.float32)
    half = jnp.full((16,), 0.5, jnp.float32)
    three_half = jnp.full((16,), 1.5, jnp.float32)
    for _ in range(3):
        y = y * (three_half - half * d * y * y)
    return y


def _make_sc_select(B, S):
    info = plsc.get_sparse_core_info()
    NC, NS = info.num_cores, info.num_subcores
    NW = NC * NS
    segs_per_ex = NW // B
    seg_len = S // segs_per_ex
    n_vregs = seg_len // 16
    mesh = plsc.VectorSubcoreMesh(core_axis_name="c", subcore_axis_name="s")

    @functools.partial(
        pl.kernel, mesh=mesh,
        out_type=(jax.ShapeDtypeStruct((B * S,), jnp.float32),
                  jax.ShapeDtypeStruct((B * S,), jnp.int32)),
        scratch_types=[
            pltpu.VMEM((seg_len,), jnp.float32),
            pltpu.VMEM((seg_len + 32,), jnp.float32),
            pltpu.VMEM((seg_len + 32,), jnp.float32),
            pltpu.VMEM((seg_len,), jnp.int32),
            pltpu.VMEM((seg_len,), jnp.int32),
            pltpu.VMEM((seg_len,), jnp.float32),
            pltpu.VMEM((seg_len,), jnp.int32),
        ],
    )
    def sc_select(ap_h, bp_h, n2p_h, mo_h, vm_h, mv_h, ei_h,
                  a_v, b_v, n_v, mo_v, vm_v, mvo_v, eio_v):
        wid = lax.axis_index("s") * NC + lax.axis_index("c")
        bex = wid // segs_per_ex
        seg = wid % segs_per_ex
        base = seg * seg_len
        pbase = bex * (S + _HALO) + base
        fbase = bex * S + base
        pltpu.sync_copy(ap_h.at[pl.ds(pbase, seg_len)], a_v)
        pltpu.sync_copy(bp_h.at[pl.ds(pbase, seg_len + 32)], b_v)
        pltpu.sync_copy(n2p_h.at[pl.ds(pbase, seg_len + 32)], n_v)
        pltpu.sync_copy(mo_h.at[pl.ds(fbase, seg_len)], mo_v)
        pltpu.sync_copy(vm_h.at[pl.ds(fbase, seg_len)], vm_v)

        nneg = jnp.full((16,), _KNEG, jnp.float32)
        one = jnp.full((16,), 1.0, jnp.float32)
        neg = jnp.full((16,), _NEG, jnp.float32)
        zero_i = jnp.full((16,), 0, jnp.int32)
        lane = lax.iota(jnp.int32, 16)

        for v in range(n_vregs):
            off = v * 16
            av = a_v[pl.ds(off, 16)]
            ni = n_v[pl.ds(off, 16)]
            mov = mo_v[pl.ds(off, 16)]
            vmv = vm_v[pl.ds(off, 16)]

            def body(o, carry):
                num_best, d_best, bo = carry
                bj = b_v[pl.ds(off + o, 16)]
                nj = n_v[pl.ds(off + o, 16)]
                num = av + bj
                d = ni + nj
                ob = lax.broadcast_in_dim(o, (16,), ())
                valid = mov > ob
                num = jnp.where(valid, num, nneg)
                d = jnp.where(valid, d, one)
                p = num * jnp.abs(num)
                p_best = num_best * jnp.abs(num_best)
                upd = p * d_best > p_best * d
                num_best = jnp.where(upd, num, num_best)
                d_best = jnp.where(upd, d, d_best)
                bo = jnp.where(upd, ob, bo)
                return num_best, d_best, bo

            init = (nneg, one, zero_i)
            num_best, d_best, bo = lax.fori_loop(0, _MAX_ANS_LEN, body, init)

            d = jnp.maximum(d_best, jnp.full((16,), _EPS * _EPS, jnp.float32))
            r = jnp.minimum(_newton_rsqrt(d), jnp.full((16,), 1.0 / _EPS, jnp.float32))
            val = num_best * r
            ivalid = vmv > zero_i
            gi = lane + lax.broadcast_in_dim(base + off, (16,), ())
            mvo_v[pl.ds(off, 16)] = jnp.where(ivalid, val, neg)
            eio_v[pl.ds(off, 16)] = jnp.where(ivalid, gi + bo,
                                              jnp.full((16,), -1, jnp.int32))

        pltpu.sync_copy(mvo_v, mv_h.at[pl.ds(fbase, seg_len)])
        pltpu.sync_copy(eio_v, ei_h.at[pl.ds(fbase, seg_len)])

    return sc_select


@functools.partial(jax.jit, static_argnames=())
def kernel(sequence_outputs, idxs):
    B, S, H = sequence_outputs.shape
    CS = S // _SPLIT
    C = S // _LANES
    out_shape = (
        jax.ShapeDtypeStruct((B, C + 1, _LANES), jnp.float32),
        jax.ShapeDtypeStruct((B, C + 1, _LANES), jnp.float32),
        jax.ShapeDtypeStruct((B, C + 1, _LANES), jnp.float32),
        jax.ShapeDtypeStruct((B, C, _LANES), jnp.int32),
        jax.ShapeDtypeStruct((B, C, _LANES), jnp.int32),
    )
    seq4 = sequence_outputs.reshape(B, _SPLIT, CS, H)
    specs = [
        pl.BlockSpec((1, 1, CS, H), functools.partial(
            lambda k, b: (b, k, 0, 0), k))
        for k in range(_SPLIT)
    ]
    pad_spec = pl.BlockSpec((1, C + 1, _LANES), lambda b: (b, 0, 0))
    reg_spec = pl.BlockSpec((1, C, _LANES), lambda b: (b, 0, 0))
    ap, bp, n2p, mo, vm = pl.pallas_call(
        _stage1_kernel,
        grid=(B,),
        in_specs=[pl.BlockSpec(memory_space=pltpu.SMEM)] + specs,
        out_specs=(pad_spec, pad_spec, pad_spec, reg_spec, reg_spec),
        out_shape=out_shape,
        compiler_params=pltpu.CompilerParams(
            dimension_semantics=("arbitrary",),
        ),
    )(idxs, *([seq4] * _SPLIT))

    sc_select = _make_sc_select(B, S)
    mv, ei = sc_select(ap.reshape(B * (S + _HALO)),
                       bp.reshape(B * (S + _HALO)),
                       n2p.reshape(B * (S + _HALO)),
                       mo.reshape(B * S), vm.reshape(B * S))
    return mv.reshape(B, S), ei.reshape(B, S)

# --- scband reference (transcript-rebuilt; emitter-appended) ---
"""Pipeline reference for scband-dcr-21285857919673 (READ-ONLY COPY).

The authoritative reference and input builder live on the scoring server;
editing this copy changes nothing except your own understanding.
"""

import jax, jax.numpy as jnp
import numpy as np

MAX_ANS_LEN = 30
EPS = 1e-8  # torch.nn.CosineSimilarity default eps
NEG = -10000.0  # initial max_val in the torch loop


def setup_inputs(seed: int = 0) -> dict:
    key = jax.random.key(seed)
    k1, k2, k3 = jax.random.split(key, 3)
    B, S, H = 4, 2048, 768
    seq = jax.random.normal(k1, (B, S, H), dtype=jnp.float32)
    # sep indices: sorted pair per example, sep0 >= 2 so seq[sep0-1] is valid,
    # sep1 > sep0 + 1 so the start-position loop is non-empty.
    sep0 = jax.random.randint(k2, (B, 1), 16, 256)
    sep1 = jax.random.randint(k3, (B, 1), 1024, 2048)
    idxs = jnp.concatenate([sep0, sep1], axis=1).astype(jnp.int32)
    return {"sequence_outputs": seq, "idxs": idxs}


def _per_example(seq, sep):
    # seq: [S, H], sep: [2]
    S = seq.shape[0]
    sep0 = sep[0]
    sep1 = sep[1]
    q1 = seq[1]
    q2 = seq[sep0 - 1]
    # cos(cat(seq[i], seq[j]), cat(q1, q2))
    #   = (seq[i].q1 + seq[j].q2) / (||cat(seq[i],seq[j])|| * ||cat(q1,q2)||)
    a = seq @ q1                       # [S]
    b = seq @ q2                       # [S]
    n2 = jnp.sum(seq * seq, axis=-1)   # [S] squared row norms
    qn = jnp.sqrt(jnp.sum(q1 * q1) + jnp.sum(q2 * q2))
    i_idx = jnp.arange(S)
    o_idx = jnp.arange(MAX_ANS_LEN)
    j_real = i_idx[:, None] + o_idx[None, :]            # [S, L] candidate end idx
    j_idx = jnp.clip(j_real, 0, S - 1)
    num = a[:, None] + b[j_idx]                         # [S, L]
    den = jnp.maximum(jnp.sqrt(n2[:, None] + n2[j_idx]), EPS) * jnp.maximum(qn, EPS)
    sim = num / den
    # inner-loop range: j in [i, min(sep1, i + max_ans_len))
    j_valid = j_real < jnp.minimum(sep1, i_idx[:, None] + MAX_ANS_LEN)
    sim = jnp.where(j_valid, sim, NEG)
    best_o = jnp.argmax(sim, axis=1)                    # first max, like strict '>' loop
    max_val = jnp.take_along_axis(sim, best_o[:, None], axis=1)[:, 0]
    end_ind = i_idx + best_o
    # outer-loop range: i in (sep0, sep1)
    i_valid = (i_idx > sep0) & (i_idx < sep1)
    max_val = jnp.where(i_valid, max_val, NEG)
    end_ind = jnp.where(i_valid, end_ind, -1)
    return max_val, end_ind


def reference(sequence_outputs, idxs):
    # vectorized translation of the per-example / per-start / per-end python loops
    max_vals, end_inds = jax.vmap(_per_example)(sequence_outputs, idxs)
    return max_vals, end_inds

if __name__ == "__main__":
    import jax
    _d = setup_inputs()
    print(jax.jit(kernel)(*tuple(_d.values())))

</pallas_src>

<mosaic_0001>
#map = affine_map<(d0, d1) -> (0)>
module attributes {stable_mosaic.version = 14 : i64} {
  func.func @sc_select(%arg0: i32, %arg1: i32, %arg2: memref<9216xf32, #tpu.memory_space<hbm>>, %arg3: memref<9216xf32, #tpu.memory_space<hbm>>, %arg4: memref<9216xf32, #tpu.memory_space<hbm>>, %arg5: memref<8192xi32, #tpu.memory_space<hbm>>, %arg6: memref<8192xi32, #tpu.memory_space<hbm>>, %arg7: memref<8192xf32, #tpu.memory_space<hbm>>, %arg8: memref<8192xi32, #tpu.memory_space<hbm>>, %arg9: memref<256xf32, #tpu.memory_space<vmem>>, %arg10: memref<288xf32, #tpu.memory_space<vmem>>, %arg11: memref<288xf32, #tpu.memory_space<vmem>>, %arg12: memref<256xi32, #tpu.memory_space<vmem>>, %arg13: memref<256xi32, #tpu.memory_space<vmem>>, %arg14: memref<256xf32, #tpu.memory_space<vmem>>, %arg15: memref<256xi32, #tpu.memory_space<vmem>>) attributes {dimension_semantics = [#tpu.dimension_semantics<core_parallel>, #tpu.dimension_semantics<subcore_parallel>], iteration_bounds = array<i64: 2, 16>, scalar_prefetch = 0 : i64, scratch_operands = 7 : i64, tpu.core_type = #tpu.core_type<sc_vector_subcore>, window_params = [{transform_indices = #map}, {transform_indices = #map}, {transform_indices = #map}, {transform_indices = #map}, {transform_indices = #map}, {transform_indices = #map}, {transform_indices = #map}]} {
    %mul3A = arith.constant 2 : i32
    %mul3A_0 = arith.muli %arg1, %mul3A : i32
    %add3A = arith.addi %mul3A_0, %arg0 : i32
    %jit3A = arith.constant 8 : i32
    %div3A = arith.divsi %add3A, %jit3A : i32
    %sign3A = arith.constant 0 : i32
    %sign3A_1 = arith.cmpi sgt, %add3A, %sign3A : i32
    %sign3A_2 = arith.extui %sign3A_1 : i1 to i32
    %sign3A_3 = arith.constant 0 : i32
    %sign3A_4 = arith.cmpi slt, %add3A, %sign3A_3 : i32
    %sign3A_5 = arith.extui %sign3A_4 : i1 to i32
    %sign3A_6 = arith.subi %sign3A_2, %sign3A_5 : i32
    %sign3A_7 = arith.constant 0 : i32
    %sign3A_8 = arith.cmpi sgt, %jit3A, %sign3A_7 : i32
    %sign3A_9 = arith.extui %sign3A_8 : i1 to i32
    %sign3A_10 = arith.constant 0 : i32
    %sign3A_11 = arith.cmpi slt, %jit3A, %sign3A_10 : i32
    %sign3A_12 = arith.extui %sign3A_11 : i1 to i32
    %sign3A_13 = arith.subi %sign3A_9, %sign3A_12 : i32
    %ne3A = arith.cmpi ne, %sign3A_6, %sign3A_13 : i32
    %rem3A = arith.remsi %add3A, %jit3A : i32
    %ne3A_14 = arith.constant 0 : i32
    %ne3A_15 = arith.cmpi ne, %rem3A, %ne3A_14 : i32
    %and3A = arith.andi %ne3A, %ne3A_15 : i1
    %sub3A = arith.constant 1 : i32
    %sub3A_16 = arith.subi %div3A, %sub3A : i32
    %select_n3A = arith.select %and3A, %sub3A_16, %div3A : i32
    %jit3A_17 = arith.constant 8 : i32
    %eq3A = arith.constant 0 : i32
    %eq3A_18 = arith.cmpi eq, %jit3A_17, %eq3A : i32
    %jit3A_19 = arith.constant 1 : i32
    %select_n3A_20 = arith.select %eq3A_18, %jit3A_19, %jit3A_17 : i32
    %rem3A_21 = arith.remsi %add3A, %select_n3A_20 : i32
    %ne3A_22 = arith.constant 0 : i32
    %ne3A_23 = arith.cmpi ne, %rem3A_21, %ne3A_22 : i32
    %lt3A = arith.constant 0 : i32
    %lt3A_24 = arith.cmpi slt, %rem3A_21, %lt3A : i32
    %lt3A_25 = arith.constant 0 : i32
    %lt3A_26 = arith.cmpi slt, %select_n3A_20, %lt3A_25 : i32
    %ne3A_27 = arith.xori %lt3A_24, %lt3A_26 : i1
    %and3A_28 = arith.andi %ne3A_27, %ne3A_23 : i1
    %add3A_29 = arith.addi %rem3A_21, %select_n3A_20 : i32
    %select_n3A_30 = arith.select %and3A_28, %add3A_29, %rem3A_21 : i32
    %mul3A_31 = arith.constant 256 : i32
    %mul3A_32 = arith.muli %select_n3A_30, %mul3A_31 : i32
    %mul3A_33 = arith.constant 2304 : i32
    %mul3A_34 = arith.muli %select_n3A, %mul3A_33 : i32
    %add3A_35 = arith.addi %mul3A_34, %mul3A_32 : i32
    %mul3A_36 = arith.constant 2048 : i32
    %mul3A_37 = arith.muli %select_n3A, %mul3A_36 : i32
    %add3A_38 = arith.addi %mul3A_37, %mul3A_32 : i32
    "tpu.region"() ({
      %run_scoped3A = tpu.sem_alloc : memref<!tpu.dma_semaphore, #tpu.memory_space<semaphore_mem>>
      %dma_start3A = tpu.memref_slice %arg2[%add3A_35] : memref<9216xf32, #tpu.memory_space<hbm>> -> memref<256xf32, #tpu.memory_space<hbm>>
      %dma_start3A_1158 = tpu.memref_slice %arg2[%add3A_35] : memref<9216xf32, #tpu.memory_space<hbm>> -> memref<256xf32, #tpu.memory_space<hbm>>
      tpu.enqueue_dma source(%dma_start3A_1158 : memref<256xf32, #tpu.memory_space<hbm>>) target(%arg9 : memref<256xf32, #tpu.memory_space<vmem>>) target_semaphore(%run_scoped3A : memref<!tpu.dma_semaphore, #tpu.memory_space<semaphore_mem>>)
      %dma_wait3A = tpu.memref_slice %arg2[%add3A_35] : memref<9216xf32, #tpu.memory_space<hbm>> -> memref<256xf32, #tpu.memory_space<hbm>>
      %dma_wait3A_1159 = tpu.memref_slice %arg2[%add3A_35] : memref<9216xf32, #tpu.memory_space<hbm>> -> memref<256xf32, #tpu.memory_space<hbm>>
      tpu.wait_dma2 semaphore(%run_scoped3A : memref<!tpu.dma_semaphore, #tpu.memory_space<semaphore_mem>>) src(%dma_wait3A_1159 : memref<256xf32, #tpu.memory_space<hbm>>) dst(%arg9 : memref<256xf32, #tpu.memory_space<vmem>>)
      tpu.yield
    }) : () -> ()
    "tpu.region"() ({
      %run_scoped3A = tpu.sem_alloc : memref<!tpu.dma_semaphore, #tpu.memory_space<semaphore_mem>>
      %dma_start3A = tpu.memref_slice %arg3[%add3A_35] : memref<9216xf32, #tpu.memory_space<hbm>> -> memref<288xf32, #tpu.memory_space<hbm>>
      %dma_start3A_1158 = tpu.memref_slice %arg3[%add3A_35] : memref<9216xf32, #tpu.memory_space<hbm>> -> memref<288xf32, #tpu.memory_space<hbm>>
      tpu.enqueue_dma source(%dma_start3A_1158 : memref<288xf32, #tpu.memory_space<hbm>>) target(%arg10 : memref<288xf32, #tpu.memory_space<vmem>>) target_semaphore(%run_scoped3A : memref<!tpu.dma_semaphore, #tpu.memory_space<semaphore_mem>>)
      %dma_wait3A = tpu.memref_slice %arg3[%add3A_35] : memref<9216xf32, #tpu.memory_space<hbm>> -> memref<288xf32, #tpu.memory_space<hbm>>
      %dma_wait3A_1159 = tpu.memref_slice %arg3[%add3A_35] : memref<9216xf32, #tpu.memory_space<hbm>> -> memref<288xf32, #tpu.memory_space<hbm>>
      tpu.wait_dma2 semaphore(%run_scoped3A : memref<!tpu.dma_semaphore, #tpu.memory_space<semaphore_mem>>) src(%dma_wait3A_1159 : memref<288xf32, #tpu.memory_space<hbm>>) dst(%arg10 : memref<288xf32, #tpu.memory_space<vmem>>)
      tpu.yield
    }) : () -> ()
    "tpu.region"() ({
      %run_scoped3A = tpu.sem_alloc : memref<!tpu.dma_semaphore, #tpu.memory_space<semaphore_mem>>
      %dma_start3A = tpu.memref_slice %arg4[%add3A_35] : memref<9216xf32, #tpu.memory_space<hbm>> -> memref<288xf32, #tpu.memory_space<hbm>>
      %dma_start3A_1158 = tpu.memref_slice %arg4[%add3A_35] : memref<9216xf32, #tpu.memory_space<hbm>> -> memref<288xf32, #tpu.memory_space<hbm>>
      tpu.enqueue_dma source(%dma_start3A_1158 : memref<288xf32, #tpu.memory_space<hbm>>) target(%arg11 : memref<288xf32, #tpu.memory_space<vmem>>) target_semaphore(%run_scoped3A : memref<!tpu.dma_semaphore, #tpu.memory_space<semaphore_mem>>)
      %dma_wait3A = tpu.memref_slice %arg4[%add3A_35] : memref<9216xf32, #tpu.memory_space<hbm>> -> memref<288xf32, #tpu.memory_space<hbm>>
      %dma_wait3A_1159 = tpu.memref_slice %arg4[%add3A_35] : memref<9216xf32, #tpu.memory_space<hbm>> -> memref<288xf32, #tpu.memory_space<hbm>>
      tpu.wait_dma2 semaphore(%run_scoped3A : memref<!tpu.dma_semaphore, #tpu.memory_space<semaphore_mem>>) src(%dma_wait3A_1159 : memref<288xf32, #tpu.memory_space<hbm>>) dst(%arg11 : memref<288xf32, #tpu.memory_space<vmem>>)
      tpu.yield
    }) : () -> ()
    "tpu.region"() ({
      %run_scoped3A = tpu.sem_alloc : memref<!tpu.dma_semaphore, #tpu.memory_space<semaphore_mem>>
      %dma_start3A = tpu.memref_slice %arg5[%add3A_38] : memref<8192xi32, #tpu.memory_space<hbm>> -> memref<256xi32, #tpu.memory_space<hbm>>
      %dma_start3A_1158 = tpu.memref_slice %arg5[%add3A_38] : memref<8192xi32, #tpu.memory_space<hbm>> -> memref<256xi32, #tpu.memory_space<hbm>>
      tpu.enqueue_dma source(%dma_start3A_1158 : memref<256xi32, #tpu.memory_space<hbm>>) target(%arg12 : memref<256xi32, #tpu.memory_space<vmem>>) target_semaphore(%run_scoped3A : memref<!tpu.dma_semaphore, #tpu.memory_space<semaphore_mem>>)
      %dma_wait3A = tpu.memref_slice %arg5[%add3A_38] : memref<8192xi32, #tpu.memory_space<hbm>> -> memref<256xi32, #tpu.memory_space<hbm>>
      %dma_wait3A_1159 = tpu.memref_slice %arg5[%add3A_38] : memref<8192xi32, #tpu.memory_space<hbm>> -> memref<256xi32, #tpu.memory_space<hbm>>
      tpu.wait_dma2 semaphore(%run_scoped3A : memref<!tpu.dma_semaphore, #tpu.memory_space<semaphore_mem>>) src(%dma_wait3A_1159 : memref<256xi32, #tpu.memory_space<hbm>>) dst(%arg12 : memref<256xi32, #tpu.memory_space<vmem>>)
      tpu.yield
    }) : () -> ()
    "tpu.region"() ({
      %run_scoped3A = tpu.sem_alloc : memref<!tpu.dma_semaphore, #tpu.memory_space<semaphore_mem>>
      %dma_start3A = tpu.memref_slice %arg6[%add3A_38] : memref<8192xi32, #tpu.memory_space<hbm>> -> memref<256xi32, #tpu.memory_space<hbm>>
      %dma_start3A_1158 = tpu.memref_slice %arg6[%add3A_38] : memref<8192xi32, #tpu.memory_space<hbm>> -> memref<256xi32, #tpu.memory_space<hbm>>
      tpu.enqueue_dma source(%dma_start3A_1158 : memref<256xi32, #tpu.memory_space<hbm>>) target(%arg13 : memref<256xi32, #tpu.memory_space<vmem>>) target_semaphore(%run_scoped3A : memref<!tpu.dma_semaphore, #tpu.memory_space<semaphore_mem>>)
      %dma_wait3A = tpu.memref_slice %arg6[%add3A_38] : memref<8192xi32, #tpu.memory_space<hbm>> -> memref<256xi32, #tpu.memory_space<hbm>>
      %dma_wait3A_1159 = tpu.memref_slice %arg6[%add3A_38] : memref<8192xi32, #tpu.memory_space<hbm>> -> memref<256xi32, #tpu.memory_space<hbm>>
      tpu.wait_dma2 semaphore(%run_scoped3A : memref<!tpu.dma_semaphore, #tpu.memory_space<semaphore_mem>>) src(%dma_wait3A_1159 : memref<256xi32, #tpu.memory_space<hbm>>) dst(%arg13 : memref<256xi32, #tpu.memory_space<vmem>>)
      tpu.yield
    }) : () -> ()
    %broadcast_in_dim3A = arith.constant -9.99999986E+14 : f32
    %broadcast_in_dim3A_39 = vector.broadcast %broadcast_in_dim3A : f32 to vector<16xf32>
    %broadcast_in_dim3A_40 = arith.constant 1.000000e+00 : f32
    %broadcast_in_dim3A_41 = vector.broadcast %broadcast_in_dim3A_40 : f32 to vector<16xf32>
    %broadcast_in_dim3A_42 = arith.constant -1.000000e+04 : f32
    %broadcast_in_dim3A_43 = vector.broadcast %broadcast_in_dim3A_42 : f32 to vector<16xf32>
    %broadcast_in_dim3A_44 = arith.constant 0 : i32
    %broadcast_in_dim3A_45 = vector.broadcast %broadcast_in_dim3A_44 : i32 to vector<16xi32>
    %iota3A = tpu.iota {dimensions = array<i32: 0>} : vector<16xi32>
    %get3A = arith.constant 0 : index
    %get3A_46 = tpu.vector_load %arg9[%get3A] {strides = array<i32>} : memref<256xf32, #tpu.memory_space<vmem>>, vector<16xf32>,
    %get3A_47 = vector.shape_cast %get3A_46 : vector<16xf32> to vector<16xf32>
    %get3A_48 = arith.constant 0 : index
    %get3A_49 = tpu.vector_load %arg11[%get3A_48] {strides = array<i32>} : memref<288xf32, #tpu.memory_space<vmem>>, vector<16xf32>,
    %get3A_50 = vector.shape_cast %get3A_49 : vector<16xf32> to vector<16xf32>
    %get3A_51 = arith.constant 0 : index
    %get3A_52 = tpu.vector_load %arg12[%get3A_51] {strides = array<i32>} : memref<256xi32, #tpu.memory_space<vmem>>, vector<16xi32>,
    %get3A_53 = vector.shape_cast %get3A_52 : vector<16xi32> to vector<16xi32>
    %get3A_54 = arith.constant 0 : index
    %get3A_55 = tpu.vector_load %arg13[%get3A_54] {strides = array<i32>} : memref<256xi32, #tpu.memory_space<vmem>>, vector<16xi32>,
    %get3A_56 = vector.shape_cast %get3A_55 : vector<16xi32> to vector<16xi32>
    %scan3A = arith.constant 0 : i32
    %scan3A_57 = arith.constant 30 : i32
    %scan3A_58 = arith.addi %scan3A, %scan3A_57 : i32
    %scan3A_59 = arith.constant 1 : i32
    %scan3A_60:3 = scf.for %scan3A_1158 = %scan3A to %scan3A_58 step %scan3A_59 iter_args(%scan3A_1159 = %broadcast_in_dim3A_39, %scan3A_1160 = %broadcast_in_dim3A_41, %scan3A_1161 = %broadcast_in_dim3A_45) -> (vector<16xf32>, vector<16xf32>, vector<16xi32>)  : i32 {
      %add3A_1162 = arith.constant 0 : i32
      %add3A_1163 = arith.addi %add3A_1162, %scan3A_1158 : i32
      %get3A_1164 = arith.index_cast %add3A_1163 : i32 to index
      %get3A_1165 = tpu.vector_load %arg10[%get3A_1164] {strides = array<i32>} : memref<288xf32, #tpu.memory_space<vmem>>, vector<16xf32>,
      %get3A_1166 = vector.shape_cast %get3A_1165 : vector<16xf32> to vector<16xf32>
      %add3A_1167 = arith.constant 0 : i32
      %add3A_1168 = arith.addi %add3A_1167, %scan3A_1158 : i32
      %get3A_1169 = arith.index_cast %add3A_1168 : i32 to index
      %get3A_1170 = tpu.vector_load %arg11[%get3A_1169] {strides = array<i32>} : memref<288xf32, #tpu.memory_space<vmem>>, vector<16xf32>,
      %get3A_1171 = vector.shape_cast %get3A_1170 : vector<16xf32> to vector<16xf32>
      %add3A_1172 = arith.addf %get3A_47, %get3A_1166 : vector<16xf32>
      %add3A_1173 = arith.addf %get3A_50, %get3A_1171 : vector<16xf32>
      %broadcast_in_dim3A_1174 = vector.broadcast %scan3A_1158 : i32 to vector<16xi32>
      %gt3A_1175 = arith.cmpi sgt, %get3A_53, %broadcast_in_dim3A_1174 : vector<16xi32>
      %select_n3A_1176 = arith.select %gt3A_1175, %add3A_1172, %broadcast_in_dim3A_39 : vector<16xi1>, vector<16xf32>
      %select_n3A_1177 = arith.select %gt3A_1175, %add3A_1173, %broadcast_in_dim3A_41 : vector<16xi1>, vector<16xf32>
      %abs3A = math.absf %select_n3A_1176 : vector<16xf32>
      %mul3A_1178 = arith.mulf %select_n3A_1176, %abs3A : vector<16xf32>
      %abs3A_1179 = math.absf %scan3A_1159 : vector<16xf32>
      %mul3A_1180 = arith.mulf %scan3A_1159, %abs3A_1179 : vector<16xf32>
      %mul3A_1181 = arith.mulf %mul3A_1178, %scan3A_1160 : vector<16xf32>
      %mul3A_1182 = arith.mulf %mul3A_1180, %select_n3A_1177 : vector<16xf32>
      %gt3A_1183 = arith.cmpf ogt, %mul3A_1181, %mul3A_1182 : vector<16xf32>
      %select_n3A_1184 = arith.select %gt3A_1183, %select_n3A_1176, %scan3A_1159 : vector<16xi1>, vector<16xf32>
      %select_n3A_1185 = arith.select %gt3A_1183, %select_n3A_1177, %scan3A_1160 : vector<16xi1>, vector<16xf32>
      %select_n3A_1186 = arith.select %gt3A_1183, %broadcast_in_dim3A_1174, %scan3A_1161 : vector<16xi1>, vector<16xi32>
      scf.yield %select_n3A_1184, %select_n3A_1185, %select_n3A_1186 : vector<16xf32>, vector<16xf32>, vector<16xi32>
    }
    %scan3A_61 = arith.constant 30 : i32
    %broadcast_in_dim3A_62 = arith.constant 1.000000e-16 : f32
    %broadcast_in_dim3A_63 = vector.broadcast %broadcast_in_dim3A_62 : f32 to vector<16xf32>
    %max3A = arith.maximumf %scan3A_60#1, %broadcast_in_dim3A_63 : vector<16xf32>
    %bitcast_convert_type3A = tpu.bitcast %max3A : vector<16xf32> -> vector<16xi32>
    %broadcast_in_dim3A_64 = arith.constant 1597463007 : i32
    %broadcast_in_dim3A_65 = vector.broadcast %broadcast_in_dim3A_64 : i32 to vector<16xi32>
    %broadcast_in_dim3A_66 = arith.constant 1 : i32
    %broadcast_in_dim3A_67 = vector.broadcast %broadcast_in_dim3A_66 : i32 to vector<16xi32>
    %shift_right_logical3A = arith.shrui %bitcast_convert_type3A, %broadcast_in_dim3A_67 : vector<16xi32>
    %sub3A_68 = arith.subi %broadcast_in_dim3A_65, %shift_right_logical3A : vector<16xi32>
    %bitcast_convert_type3A_69 = tpu.bitcast %sub3A_68 : vector<16xi32> -> vector<16xf32>
    %broadcast_in_dim3A_70 = arith.constant 5.000000e-01 : f32
    %broadcast_in_dim3A_71 = vector.broadcast %broadcast_in_dim3A_70 : f32 to vector<16xf32>
    %broadcast_in_dim3A_72 = arith.constant 1.500000e+00 : f32
    %broadcast_in_dim3A_73 = vector.broadcast %broadcast_in_dim3A_72 : f32 to vector<16xf32>
    %mul3A_74 = arith.mulf %broadcast_in_dim3A_71, %max3A : vector<16xf32>
    %mul3A_75 = arith.mulf %mul3A_74, %bitcast_convert_type3A_69 : vector<16xf32>
    %mul3A_76 = arith.mulf %mul3A_75, %bitcast_convert_type3A_69 : vector<16xf32>
    %sub3A_77 = arith.subf %broadcast_in_dim3A_73, %mul3A_76 : vector<16xf32>
    %mul3A_78 = arith.mulf %bitcast_convert_type3A_69, %sub3A_77 : vector<16xf32>
    %mul3A_79 = arith.mulf %broadcast_in_dim3A_71, %max3A : vector<16xf32>
    %mul3A_80 = arith.mulf %mul3A_79, %mul3A_78 : vector<16xf32>
    %mul3A_81 = arith.mulf %mul3A_80, %mul3A_78 : vector<16xf32>
    %sub3A_82 = arith.subf %broadcast_in_dim3A_73, %mul3A_81 : vector<16xf32>
    %mul3A_83 = arith.mulf %mul3A_78, %sub3A_82 : vector<16xf32>
    %mul3A_84 = arith.mulf %broadcast_in_dim3A_71, %max3A : vector<16xf32>
    %mul3A_85 = arith.mulf %mul3A_84, %mul3A_83 : vector<16xf32>
    %mul3A_86 = arith.mulf %mul3A_85, %mul3A_83 : vector<16xf32>
    %sub3A_87 = arith.subf %broadcast_in_dim3A_73, %mul3A_86 : vector<16xf32>
    %mul3A_88 = arith.mulf %mul3A_83, %sub3A_87 : vector<16xf32>
    %broadcast_in_dim3A_89 = arith.constant 1.000000e+08 : f32
    %broadcast_in_dim3A_90 = vector.broadcast %broadcast_in_dim3A_89 : f32 to vector<16xf32>
    %min3A = arith.minimumf %mul3A_88, %broadcast_in_dim3A_90 : vector<16xf32>
    %mul3A_91 = arith.mulf %scan3A_60#0, %min3A : vector<16xf32>
    %gt3A = arith.cmpi sgt, %get3A_56, %broadcast_in_dim3A_45 : vector<16xi32>
    %add3A_92 = arith.constant 0 : i32
    %add3A_93 = arith.addi %mul3A_32, %add3A_92 : i32
    %broadcast_in_dim3A_94 = vector.broadcast %add3A_93 : i32 to vector<16xi32>
    %add3A_95 = arith.addi %iota3A, %broadcast_in_dim3A_94 : vector<16xi32>
    %select_n3A_96 = arith.select %gt3A, %mul3A_91, %broadcast_in_dim3A_43 : vector<16xi1>, vector<16xf32>
    %swap3A = arith.constant 0 : index
    %swap3A_97 = tpu.vector_load %arg14[%swap3A] {strides = array<i32>} : memref<256xf32, #tpu.memory_space<vmem>>, vector<16xf32>,
    %swap3A_98 = vector.shape_cast %swap3A_97 : vector<16xf32> to vector<16xf32>
    %swap3A_99 = vector.shape_cast %select_n3A_96 : vector<16xf32> to vector<16xf32>
    tpu.vector_store %arg14[%swap3A], %swap3A_99 {strides = array<i32>} : memref<256xf32, #tpu.memory_space<vmem>>, vector<16xf32>,
    %add3A_100 = arith.addi %add3A_95, %scan3A_60#2 : vector<16xi32>
    %broadcast_in_dim3A_101 = arith.constant -1 : i32
    %broadcast_in_dim3A_102 = vector.broadcast %broadcast_in_dim3A_101 : i32 to vector<16xi32>
    %select_n3A_103 = arith.select %gt3A, %add3A_100, %broadcast_in_dim3A_102 : vector<16xi1>, vector<16xi32>
    %swap3A_104 = arith.constant 0 : index
    %swap3A_105 = tpu.vector_load %arg15[%swap3A_104] {strides = array<i32>} : memref<256xi32, #tpu.memory_space<vmem>>, vector<16xi32>,
    %swap3A_106 = vector.shape_cast %swap3A_105 : vector<16xi32> to vector<16xi32>
    %swap3A_107 = vector.shape_cast %select_n3A_103 : vector<16xi32> to vector<16xi32>
    tpu.vector_store %arg15[%swap3A_104], %swap3A_107 {strides = array<i32>} : memref<256xi32, #tpu.memory_space<vmem>>, vector<16xi32>,
    %get3A_108 = arith.constant 16 : index
    %get3A_109 = tpu.vector_load %arg9[%get3A_108] {strides = array<i32>} : memref<256xf32, #tpu.memory_space<vmem>>, vector<16xf32>,
    %get3A_110 = vector.shape_cast %get3A_109 : vector<16xf32> to vector<16xf32>
    %get3A_111 = arith.constant 16 : index
    %get3A_112 = tpu.vector_load %arg11[%get3A_111] {strides = array<i32>} : memref<288xf32, #tpu.memory_space<vmem>>, vector<16xf32>,
    %get3A_113 = vector.shape_cast %get3A_112 : vector<16xf32> to vector<16xf32>
    %get3A_114 = arith.constant 16 : index
    %get3A_115 = tpu.vector_load %arg12[%get3A_114] {strides = array<i32>} : memref<256xi32, #tpu.memory_space<vmem>>, vector<16xi32>,
    %get3A_116 = vector.shape_cast %get3A_115 : vector<16xi32> to vector<16xi32>
    %get3A_117 = arith.constant 16 : index
    %get3A_118 = tpu.vector_load %arg13[%get3A_117] {strides = array<i32>} : memref<256xi32, #tpu.memory_space<vmem>>, vector<16xi32>,
    %get3A_119 = vector.shape_cast %get3A_118 : vector<16xi32> to vector<16xi32>
    %scan3A_120 = arith.constant 0 : i32
    %scan3A_121 = arith.constant 30 : i32
    %scan3A_122 = arith.addi %scan3A_120, %scan3A_121 : i32
    %scan3A_123 = arith.constant 1 : i32
    %scan3A_124:3 = scf.for %scan3A_1158 = %scan3A_120 to %scan3A_122 step %scan3A_123 iter_args(%scan3A_1159 = %broadcast_in_dim3A_39, %scan3A_1160 = %broadcast_in_dim3A_41, %scan3A_1161 = %broadcast_in_dim3A_45) -> (vector<16xf32>, vector<16xf32>, vector<16xi32>)  : i32 {
      %add3A_1162 = arith.constant 16 : i32
      %add3A_1163 = arith.addi %add3A_1162, %scan3A_1158 : i32
      %get3A_1164 = arith.index_cast %add3A_1163 : i32 to index
      %get3A_1165 = tpu.vector_load %arg10[%get3A_1164] {strides = array<i32>} : memref<288xf32, #tpu.memory_space<vmem>>, vector<16xf32>,
      %get3A_1166 = vector.shape_cast %get3A_1165 : vector<16xf32> to vector<16xf32>
      %add3A_1167 = arith.constant 16 : i32
      %add3A_1168 = arith.addi %add3A_1167, %scan3A_1158 : i32
      %get3A_1169 = arith.index_cast %add3A_1168 : i32 to index
      %get3A_1170 = tpu.vector_load %arg11[%get3A_1169] {strides = array<i32>} : memref<288xf32, #tpu.memory_space<vmem>>, vector<16xf32>,
      %get3A_1171 = vector.shape_cast %get3A_1170 : vector<16xf32> to vector<16xf32>
      %add3A_1172 = arith.addf %get3A_110, %get3A_1166 : vector<16xf32>
      %add3A_1173 = arith.addf %get3A_113, %get3A_1171 : vector<16xf32>
      %broadcast_in_dim3A_1174 = vector.broadcast %scan3A_1158 : i32 to vector<16xi32>
      %gt3A_1175 = arith.cmpi sgt, %get3A_116, %broadcast_in_dim3A_1174 : vector<16xi32>
      %select_n3A_1176 = arith.select %gt3A_1175, %add3A_1172, %broadcast_in_dim3A_39 : vector<16xi1>, vector<16xf32>
      %select_n3A_1177 = arith.select %gt3A_1175, %add3A_1173, %broadcast_in_dim3A_41 : vector<16xi1>, vector<16xf32>
      %abs3A = math.absf %select_n3A_1176 : vector<16xf32>
      %mul3A_1178 = arith.mulf %select_n3A_1176, %abs3A : vector<16xf32>
      %abs3A_1179 = math.absf %scan3A_1159 : vector<16xf32>
      %mul3A_1180 = arith.mulf %scan3A_1159, %abs3A_1179 : vector<16xf32>
      %mul3A_1181 = arith.mulf %mul3A_1178, %scan3A_1160 : vector<16xf32>
      %mul3A_1182 = arith.mulf %mul3A_1180, %select_n3A_1177 : vector<16xf32>
      %gt3A_1183 = arith.cmpf ogt, %mul3A_1181, %mul3A_1182 : vector<16xf32>
      %select_n3A_1184 = arith.select %gt3A_1183, %select_n3A_1176, %scan3A_1159 : vector<16xi1>, vector<16xf32>
      %select_n3A_1185 = arith.select %gt3A_1183, %select_n3A_1177, %scan3A_1160 : vector<16xi1>, vector<16xf32>
      %select_n3A_1186 = arith.select %gt3A_1183, %broadcast_in_dim3A_1174, %scan3A_1161 : vector<16xi1>, vector<16xi32>
      scf.yield %select_n3A_1184, %select_n3A_1185, %select_n3A_1186 : vector<16xf32>, vector<16xf32>, vector<16xi32>
    }
    %scan3A_125 = arith.constant 30 : i32
    %broadcast_in_dim3A_126 = arith.constant 1.000000e-16 : f32
    %broadcast_in_dim3A_127 = vector.broadcast %broadcast_in_dim3A_126 : f32 to vector<16xf32>
    %max3A_128 = arith.maximumf %scan3A_124#1, %broadcast_in_dim3A_127 : vector<16xf32>
    %bitcast_convert_type3A_129 = tpu.bitcast %max3A_128 : vector<16xf32> -> vector<16xi32>
    %broadcast_in_dim3A_130 = arith.constant 1597463007 : i32
    %broadcast_in_dim3A_131 = vector.broadcast %broadcast_in_dim3A_130 : i32 to vector<16xi32>
    %broadcast_in_dim3A_132 = arith.constant 1 : i32
    %broadcast_in_dim3A_133 = vector.broadcast %broadcast_in_dim3A_132 : i32 to vector<16xi32>
    %shift_right_logical3A_134 = arith.shrui %bitcast_convert_type3A_129, %broadcast_in_dim3A_133 : vector<16xi32>
    %sub3A_135 = arith.subi %broadcast_in_dim3A_131, %shift_right_logical3A_134 : vector<16xi32>
    %bitcast_convert_type3A_136 = tpu.bitcast %sub3A_135 : vector<16xi32> -> vector<16xf32>
    %broadcast_in_dim3A_137 = arith.constant 5.000000e-01 : f32
    %broadcast_in_dim3A_138 = vector.broadcast %broadcast_in_dim3A_137 : f32 to vector<16xf32>
    %broadcast_in_dim3A_139 = arith.constant 1.500000e+00 : f32
    %broadcast_in_dim3A_140 = vector.broadcast %broadcast_in_dim3A_139 : f32 to vector<16xf32>
    %mul3A_141 = arith.mulf %broadcast_in_dim3A_138, %max3A_128 : vector<16xf32>
    %mul3A_142 = arith.mulf %mul3A_141, %bitcast_convert_type3A_136 : vector<16xf32>
    %mul3A_143 = arith.mulf %mul3A_142, %bitcast_convert_type3A_136 : vector<16xf32>
    %sub3A_144 = arith.subf %broadcast_in_dim3A_140, %mul3A_143 : vector<16xf32>
    %mul3A_145 = arith.mulf %bitcast_convert_type3A_136, %sub3A_144 : vector<16xf32>
    %mul3A_146 = arith.mulf %broadcast_in_dim3A_138, %max3A_128 : vector<16xf32>
    %mul3A_147 = arith.mulf %mul3A_146, %mul3A_145 : vector<16xf32>
    %mul3A_148 = arith.mulf %mul3A_147, %mul3A_145 : vector<16xf32>
    %sub3A_149 = arith.subf %broadcast_in_dim3A_140, %mul3A_148 : vector<16xf32>
    %mul3A_150 = arith.mulf %mul3A_145, %sub3A_149 : vector<16xf32>
    %mul3A_151 = arith.mulf %broadcast_in_dim3A_138, %max3A_128 : vector<16xf32>
    %mul3A_152 = arith.mulf %mul3A_151, %mul3A_150 : vector<16xf32>
    %mul3A_153 = arith.mulf %mul3A_152, %mul3A_150 : vector<16xf32>
    %sub3A_154 = arith.subf %broadcast_in_dim3A_140, %mul3A_153 : vector<16xf32>
    %mul3A_155 = arith.mulf %mul3A_150, %sub3A_154 : vector<16xf32>
    %broadcast_in_dim3A_156 = arith.constant 1.000000e+08 : f32
    %broadcast_in_dim3A_157 = vector.broadcast %broadcast_in_dim3A_156 : f32 to vector<16xf32>
    %min3A_158 = arith.minimumf %mul3A_155, %broadcast_in_dim3A_157 : vector<16xf32>
    %mul3A_159 = arith.mulf %scan3A_124#0, %min3A_158 : vector<16xf32>
    %gt3A_160 = arith.cmpi sgt, %get3A_119, %broadcast_in_dim3A_45 : vector<16xi32>
    %add3A_161 = arith.constant 16 : i32
    %add3A_162 = arith.addi %mul3A_32, %add3A_161 : i32
    %broadcast_in_dim3A_163 = vector.broadcast %add3A_162 : i32 to vector<16xi32>
    %add3A_164 = arith.addi %iota3A, %broadcast_in_dim3A_163 : vector<16xi32>
    %select_n3A_165 = arith.select %gt3A_160, %mul3A_159, %broadcast_in_dim3A_43 : vector<16xi1>, vector<16xf32>
    %swap3A_166 = arith.constant 16 : index
    %swap3A_167 = tpu.vector_load %arg14[%swap3A_166] {strides = array<i32>} : memref<256xf32, #tpu.memory_space<vmem>>, vector<16xf32>,
    %swap3A_168 = vector.shape_cast %swap3A_167 : vector<16xf32> to vector<16xf32>
    %swap3A_169 = vector.shape_cast %select_n3A_165 : vector<16xf32> to vector<16xf32>
    tpu.vector_store %arg14[%swap3A_166], %swap3A_169 {strides = array<i32>} : memref<256xf32, #tpu.memory_space<vmem>>, vector<16xf32>,
    %add3A_170 = arith.addi %add3A_164, %scan3A_124#2 : vector<16xi32>
    %broadcast_in_dim3A_171 = arith.constant -1 : i32
    %broadcast_in_dim3A_172 = vector.broadcast %broadcast_in_dim3A_171 : i32 to vector<16xi32>
    %select_n3A_173 = arith.select %gt3A_160, %add3A_170, %broadcast_in_dim3A_172 : vector<16xi1>, vector<16xi32>
    %swap3A_174 = arith.constant 16 : index
    %swap3A_175 = tpu.vector_load %arg15[%swap3A_174] {strides = array<i32>} : memref<256xi32, #tpu.memory_space<vmem>>, vector<16xi32>,
    %swap3A_176 = vector.shape_cast %swap3A_175 : vector<16xi32> to vector<16xi32>
    %swap3A_177 = vector.shape_cast %select_n3A_173 : vector<16xi32> to vector<16xi32>
    tpu.vector_store %arg15[%swap3A_174], %swap3A_177 {strides = array<i32>} : memref<256xi32, #tpu.memory_space<vmem>>, vector<16xi32>,
    %get3A_178 = arith.constant 32 : index
    %get3A_179 = tpu.vector_load %arg9[%get3A_178] {strides = array<i32>} : memref<256xf32, #tpu.memory_space<vmem>>, vector<16xf32>,
    %get3A_180 = vector.shape_cast %get3A_179 : vector<16xf32> to vector<16xf32>
    %get3A_181 = arith.constant 32 : index
    %get3A_182 = tpu.vector_load %arg11[%get3A_181] {strides = array<i32>} : memref<288xf32, #tpu.memory_space<vmem>>, vector<16xf32>,
    %get3A_183 = vector.shape_cast %get3A_182 : vector<16xf32> to vector<16xf32>
    %get3A_184 = arith.constant 32 : index
    %get3A_185 = tpu.vector_load %arg12[%get3A_184] {strides = array<i32>} : memref<256xi32, #tpu.memory_space<vmem>>, vector<16xi32>,
    %get3A_186 = vector.shape_cast %get3A_185 : vector<16xi32> to vector<16xi32>
    %get3A_187 = arith.constant 32 : index
    %get3A_188 = tpu.vector_load %arg13[%get3A_187] {strides = array<i32>} : memref<256xi32, #tpu.memory_space<vmem>>, vector<16xi32>,
    %get3A_189 = vector.shape_cast %get3A_188 : vector<16xi32> to vector<16xi32>
    %scan3A_190 = arith.constant 0 : i32
    %scan3A_191 = arith.constant 30 : i32
    %scan3A_192 = arith.addi %scan3A_190, %scan3A_191 : i32
    %scan3A_193 = arith.constant 1 : i32
    %scan3A_194:3 = scf.for %scan3A_1158 = %scan3A_190 to %scan3A_192 step %scan3A_193 iter_args(%scan3A_1159 = %broadcast_in_dim3A_39, %scan3A_1160 = %broadcast_in_dim3A_41, %scan3A_1161 = %broadcast_in_dim3A_45) -> (vector<16xf32>, vector<16xf32>, vector<16xi32>)  : i32 {
      %add3A_1162 = arith.constant 32 : i32
      %add3A_1163 = arith.addi %add3A_1162, %scan3A_1158 : i32
      %get3A_1164 = arith.index_cast %add3A_1163 : i32 to index
      %get3A_1165 = tpu.vector_load %arg10[%get3A_1164] {strides = array<i32>} : memref<288xf32, #tpu.memory_space<vmem>>, vector<16xf32>,
      %get3A_1166 = vector.shape_cast %get3A_1165 : vector<16xf32> to vector<16xf32>
      %add3A_1167 = arith.constant 32 : i32
      %add3A_1168 = arith.addi %add3A_1167, %scan3A_1158 : i32
      %get3A_1169 = arith.index_cast %add3A_1168 : i32 to index
      %get3A_1170 = tpu.vector_load %arg11[%get3A_1169] {strides = array<i32>} : memref<288xf32, #tpu.memory_space<vmem>>, vector<16xf32>,
      %get3A_1171 = vector.shape_cast %get3A_1170 : vector<16xf32> to vector<16xf32>
      %add3A_1172 = arith.addf %get3A_180, %get3A_1166 : vector<16xf32>
      %add3A_1173 = arith.addf %get3A_183, %get3A_1171 : vector<16xf32>
      %broadcast_in_dim3A_1174 = vector.broadcast %scan3A_1158 : i32 to vector<16xi32>
      %gt3A_1175 = arith.cmpi sgt, %get3A_186, %broadcast_in_dim3A_1174 : vector<16xi32>
      %select_n3A_1176 = arith.select %gt3A_1175, %add3A_1172, %broadcast_in_dim3A_39 : vector<16xi1>, vector<16xf32>
      %select_n3A_1177 = arith.select %gt3A_1175, %add3A_1173, %broadcast_in_dim3A_41 : vector<16xi1>, vector<16xf32>
      %abs3A = math.absf %select_n3A_1176 : vector<16xf32>
      %mul3A_1178 = arith.mulf %select_n3A_1176, %abs3A : vector<16xf32>
      %abs3A_1179 = math.absf %scan3A_1159 : vector<16xf32>
      %mul3A_1180 = arith.mulf %scan3A_1159, %abs3A_1179 : vector<16xf32>
      %mul3A_1181 = arith.mulf %mul3A_1178, %scan3A_1160 : vector<16xf32>
      %mul3A_1182 = arith.mulf %mul3A_1180, %select_n3A_1177 : vector<16xf32>
      %gt3A_1183 = arith.cmpf ogt, %mul3A_1181, %mul3A_1182 : vector<16xf32>
      %select_n3A_1184 = arith.select %gt3A_1183, %select_n3A_1176, %scan3A_1159 : vector<16xi1>, vector<16xf32>
      %select_n3A_1185 = arith.select %gt3A_1183, %select_n3A_1177, %scan3A_1160 : vector<16xi1>, vector<16xf32>
      %select_n3A_1186 = arith.select %gt3A_1183, %broadcast_in_dim3A_1174, %scan3A_1161 : vector<16xi1>, vector<16xi32>
      scf.yield %select_n3A_1184, %select_n3A_1185, %select_n3A_1186 : vector<16xf32>, vector<16xf32>, vector<16xi32>
    }
    %scan3A_195 = arith.constant 30 : i32
    %broadcast_in_dim3A_196 = arith.constant 1.000000e-16 : f32
    %broadcast_in_dim3A_197 = vector.broadcast %broadcast_in_dim3A_196 : f32 to vector<16xf32>
    %max3A_198 = arith.maximumf %scan3A_194#1, %broadcast_in_dim3A_197 : vector<16xf32>
    %bitcast_convert_type3A_199 = tpu.bitcast %max3A_198 : vector<16xf32> -> vector<16xi32>
    %broadcast_in_dim3A_200 = arith.constant 1597463007 : i32
    %broadcast_in_dim3A_201 = vector.broadcast %broadcast_in_dim3A_200 : i32 to vector<16xi32>
    %broadcast_in_dim3A_202 = arith.constant 1 : i32
    %broadcast_in_dim3A_203 = vector.broadcast %broadcast_in_dim3A_202 : i32 to vector<16xi32>
    %shift_right_logical3A_204 = arith.shrui %bitcast_convert_type3A_199, %broadcast_in_dim3A_203 : vector<16xi32>
    %sub3A_205 = arith.subi %broadcast_in_dim3A_201, %shift_right_logical3A_204 : vector<16xi32>
    %bitcast_convert_type3A_206 = tpu.bitcast %sub3A_205 : vector<16xi32> -> vector<16xf32>
    %broadcast_in_dim3A_207 = arith.constant 5.000000e-01 : f32
    %broadcast_in_dim3A_208 = vector.broadcast %broadcast_in_dim3A_207 : f32 to vector<16xf32>
    %broadcast_in_dim3A_209 = arith.constant 1.500000e+00 : f32
    %broadcast_in_dim3A_210 = vector.broadcast %broadcast_in_dim3A_209 : f32 to vector<16xf32>
    %mul3A_211 = arith.mulf %broadcast_in_dim3A_208, %max3A_198 : vector<16xf32>
    %mul3A_212 = arith.mulf %mul3A_211, %bitcast_convert_type3A_206 : vector<16xf32>
    %mul3A_213 = arith.mulf %mul3A_212, %bitcast_convert_type3A_206 : vector<16xf32>
    %sub3A_214 = arith.subf %broadcast_in_dim3A_210, %mul3A_213 : vector<16xf32>
    %mul3A_215 = arith.mulf %bitcast_convert_type3A_206, %sub3A_214 : vector<16xf32>
    %mul3A_216 = arith.mulf %broadcast_in_dim3A_208, %max3A_198 : vector<16xf32>
    %mul3A_217 = arith.mulf %mul3A_216, %mul3A_215 : vector<16xf32>
    %mul3A_218 = arith.mulf %mul3A_217, %mul3A_215 : vector<16xf32>
    %sub3A_219 = arith.subf %broadcast_in_dim3A_210, %mul3A_218 : vector<16xf32>
    %mul3A_220 = arith.mulf %mul3A_215, %sub3A_219 : vector<16xf32>
    %mul3A_221 = arith.mulf %broadcast_in_dim3A_208, %max3A_198 : vector<16xf32>
    %mul3A_222 = arith.mulf %mul3A_221, %mul3A_220 : vector<16xf32>
    %mul3A_223 = arith.mulf %mul3A_222, %mul3A_220 : vector<16xf32>
    %sub3A_224 = arith.subf %broadcast_in_dim3A_210, %mul3A_223 : vector<16xf32>
    %mul3A_225 = arith.mulf %mul3A_220, %sub3A_224 : vector<16xf32>
    %broadcast_in_dim3A_226 = arith.constant 1.000000e+08 : f32
    %broadcast_in_dim3A_227 = vector.broadcast %broadcast_in_dim3A_226 : f32 to vector<16xf32>
    %min3A_228 = arith.minimumf %mul3A_225, %broadcast_in_dim3A_227 : vector<16xf32>
    %mul3A_229 = arith.mulf %scan3A_194#0, %min3A_228 : vector<16xf32>
    %gt3A_230 = arith.cmpi sgt, %get3A_189, %broadcast_in_dim3A_45 : vector<16xi32>
    %add3A_231 = arith.constant 32 : i32
    %add3A_232 = arith.addi %mul3A_32, %add3A_231 : i32
    %broadcast_in_dim3A_233 = vector.broadcast %add3A_232 : i32 to vector<16xi32>
    %add3A_234 = arith.addi %iota3A, %broadcast_in_dim3A_233 : vector<16xi32>
    %select_n3A_235 = arith.select %gt3A_230, %mul3A_229, %broadcast_in_dim3A_43 : vector<16xi1>, vector<16xf32>
    %swap3A_236 = arith.constant 32 : index
    %swap3A_237 = tpu.vector_load %arg14[%swap3A_236] {strides = array<i32>} : memref<256xf32, #tpu.memory_space<vmem>>, vector<16xf32>,
    %swap3A_238 = vector.shape_cast %swap3A_237 : vector<16xf32> to vector<16xf32>
    %swap3A_239 = vector.shape_cast %select_n3A_235 : vector<16xf32> to vector<16xf32>
    tpu.vector_store %arg14[%swap3A_236], %swap3A_239 {strides = array<i32>} : memref<256xf32, #tpu.memory_space<vmem>>, vector<16xf32>,
    %add3A_240 = arith.addi %add3A_234, %scan3A_194#2 : vector<16xi32>
    %broadcast_in_dim3A_241 = arith.constant -1 : i32
    %broadcast_in_dim3A_242 = vector.broadcast %broadcast_in_dim3A_241 : i32 to vector<16xi32>
    %select_n3A_243 = arith.select %gt3A_230, %add3A_240, %broadcast_in_dim3A_242 : vector<16xi1>, vector<16xi32>
    %swap3A_244 = arith.constant 32 : index
    %swap3A_245 = tpu.vector_load %arg15[%swap3A_244] {strides = array<i32>} : memref<256xi32, #tpu.memory_space<vmem>>, vector<16xi32>,
    %swap3A_246 = vector.shape_cast %swap3A_245 : vector<16xi32> to vector<16xi32>
    %swap3A_247 = vector.shape_cast %select_n3A_243 : vector<16xi32> to vector<16xi32>
    tpu.vector_store %arg15[%swap3A_244], %swap3A_247 {strides = array<i32>} : memref<256xi32, #tpu.memory_space<vmem>>, vector<16xi32>,
    %get3A_248 = arith.constant 48 : index
    %get3A_249 = tpu.vector_load %arg9[%get3A_248] {strides = array<i32>} : memref<256xf32, #tpu.memory_space<vmem>>, vector<16xf32>,
    %get3A_250 = vector.shape_cast %get3A_249 : vector<16xf32> to vector<16xf32>
    %get3A_251 = arith.constant 48 : index
    %get3A_252 = tpu.vector_load %arg11[%get3A_251] {strides = array<i32>} : memref<288xf32, #tpu.memory_space<vmem>>, vector<16xf32>,
    %get3A_253 = vector.shape_cast %get3A_252 : vector<16xf32> to vector<16xf32>
    %get3A_254 = arith.constant 48 : index
    %get3A_255 = tpu.vector_load %arg12[%get3A_254] {strides = array<i32>} : memref<256xi32, #tpu.memory_space<vmem>>, vector<16xi32>,
    %get3A_256 = vector.shape_cast %get3A_255 : vector<16xi32> to vector<16xi32>
    %get3A_257 = arith.constant 48 : index
    %get3A_258 = tpu.vector_load %arg13[%get3A_257] {strides = array<i32>} : memref<256xi32, #tpu.memory_space<vmem>>, vector<16xi32>,
    %get3A_259 = vector.shape_cast %get3A_258 : vector<16xi32> to vector<16xi32>
    %scan3A_260 = arith.constant 0 : i32
    %scan3A_261 = arith.constant 30 : i32
    %scan3A_262 = arith.addi %scan3A_260, %scan3A_261 : i32
    %scan3A_263 = arith.constant 1 : i32
    %scan3A_264:3 = scf.for %scan3A_1158 = %scan3A_260 to %scan3A_262 step %scan3A_263 iter_args(%scan3A_1159 = %broadcast_in_dim3A_39, %scan3A_1160 = %broadcast_in_dim3A_41, %scan3A_1161 = %broadcast_in_dim3A_45) -> (vector<16xf32>, vector<16xf32>, vector<16xi32>)  : i32 {
      %add3A_1162 = arith.constant 48 : i32
      %add3A_1163 = arith.addi %add3A_1162, %scan3A_1158 : i32
      %get3A_1164 = arith.index_cast %add3A_1163 : i32 to index
      %get3A_1165 = tpu.vector_load %arg10[%get3A_1164] {strides = array<i32>} : memref<288xf32, #tpu.memory_space<vmem>>, vector<16xf32>,
      %get3A_1166 = vector.shape_cast %get3A_1165 : vector<16xf32> to vector<16xf32>
      %add3A_1167 = arith.constant 48 : i32
      %add3A_1168 = arith.addi %add3A_1167, %scan3A_1158 : i32
      %get3A_1169 = arith.index_cast %add3A_1168 : i32 to index
      %get3A_1170 = tpu.vector_load %arg11[%get3A_1169] {strides = array<i32>} : memref<288xf32, #tpu.memory_space<vmem>>, vector<16xf32>,
      %get3A_1171 = vector.shape_cast %get3A_1170 : vector<16xf32> to vector<16xf32>
      %add3A_1172 = arith.addf %get3A_250, %get3A_1166 : vector<16xf32>
      %add3A_1173 = arith.addf %get3A_253, %get3A_1171 : vector<16xf32>
      %broadcast_in_dim3A_1174 = vector.broadcast %scan3A_1158 : i32 to vector<16xi32>
      %gt3A_1175 = arith.cmpi sgt, %get3A_256, %broadcast_in_dim3A_1174 : vector<16xi32>
      %select_n3A_1176 = arith.select %gt3A_1175, %add3A_1172, %broadcast_in_dim3A_39 : vector<16xi1>, vector<16xf32>
      %select_n3A_1177 = arith.select %gt3A_1175, %add3A_1173, %broadcast_in_dim3A_41 : vector<16xi1>, vector<16xf32>
      %abs3A = math.absf %select_n3A_1176 : vector<16xf32>
      %mul3A_1178 = arith.mulf %select_n3A_1176, %abs3A : vector<16xf32>
      %abs3A_1179 = math.absf %scan3A_1159 : vector<16xf32>
      %mul3A_1180 = arith.mulf %scan3A_1159, %abs3A_1179 : vector<16xf32>
      %mul3A_1181 = arith.mulf %mul3A_1178, %scan3A_1160 : vector<16xf32>
      %mul3A_1182 = arith.mulf %mul3A_1180, %select_n3A_1177 : vector<16xf32>
      %gt3A_1183 = arith.cmpf ogt, %mul3A_1181, %mul3A_1182 : vector<16xf32>
      %select_n3A_1184 = arith.select %gt3A_1183, %select_n3A_1176, %scan3A_1159 : vector<16xi1>, vector<16xf32>
      %select_n3A_1185 = arith.select %gt3A_1183, %select_n3A_1177, %scan3A_1160 : vector<16xi1>, vector<16xf32>
      %select_n3A_1186 = arith.select %gt3A_1183, %broadcast_in_dim3A_1174, %scan3A_1161 : vector<16xi1>, vector<16xi32>
      scf.yield %select_n3A_1184, %select_n3A_1185, %select_n3A_1186 : vector<16xf32>, vector<16xf32>, vector<16xi32>
    }
    %scan3A_265 = arith.constant 30 : i32
    %broadcast_in_dim3A_266 = arith.constant 1.000000e-16 : f32
    %broadcast_in_dim3A_267 = vector.broadcast %broadcast_in_dim3A_266 : f32 to vector<16xf32>
    %max3A_268 = arith.maximumf %scan3A_264#1, %broadcast_in_dim3A_267 : vector<16xf32>
    %bitcast_convert_type3A_269 = tpu.bitcast %max3A_268 : vector<16xf32> -> vector<16xi32>
    %broadcast_in_dim3A_270 = arith.constant 1597463007 : i32
    %broadcast_in_dim3A_271 = vector.broadcast %broadcast_in_dim3A_270 : i32 to vector<16xi32>
    %broadcast_in_dim3A_272 = arith.constant 1 : i32
    %broadcast_in_dim3A_273 = vector.broadcast %broadcast_in_dim3A_272 : i32 to vector<16xi32>
    %shift_right_logical3A_274 = arith.shrui %bitcast_convert_type3A_269, %broadcast_in_dim3A_273 : vector<16xi32>
    %sub3A_275 = arith.subi %broadcast_in_dim3A_271, %shift_right_logical3A_274 : vector<16xi32>
    %bitcast_convert_type3A_276 = tpu.bitcast %sub3A_275 : vector<16xi32> -> vector<16xf32>
    %broadcast_in_dim3A_277 = arith.constant 5.000000e-01 : f32
    %broadcast_in_dim3A_278 = vector.broadcast %broadcast_in_dim3A_277 : f32 to vector<16xf32>
    %broadcast_in_dim3A_279 = arith.constant 1.500000e+00 : f32
    %broadcast_in_dim3A_280 = vector.broadcast %broadcast_in_dim3A_279 : f32 to vector<16xf32>
    %mul3A_281 = arith.mulf %broadcast_in_dim3A_278, %max3A_268 : vector<16xf32>
    %mul3A_282 = arith.mulf %mul3A_281, %bitcast_convert_type3A_276 : vector<16xf32>
    %mul3A_283 = arith.mulf %mul3A_282, %bitcast_convert_type3A_276 : vector<16xf32>
    %sub3A_284 = arith.subf %broadcast_in_dim3A_280, %mul3A_283 : vector<16xf32>
    %mul3A_285 = arith.mulf %bitcast_convert_type3A_276, %sub3A_284 : vector<16xf32>
    %mul3A_286 = arith.mulf %broadcast_in_dim3A_278, %max3A_268 : vector<16xf32>
    %mul3A_287 = arith.mulf %mul3A_286, %mul3A_285 : vector<16xf32>
    %mul3A_288 = arith.mulf %mul3A_287, %mul3A_285 : vector<16xf32>
    %sub3A_289 = arith.subf %broadcast_in_dim3A_280, %mul3A_288 : vector<16xf32>
    %mul3A_290 = arith.mulf %mul3A_285, %sub3A_289 : vector<16xf32>
    %mul3A_291 = arith.mulf %broadcast_in_dim3A_278, %max3A_268 : vector<16xf32>
    %mul3A_292 = arith.mulf %mul3A_291, %mul3A_290 : vector<16xf32>
    %mul3A_293 = arith.mulf %mul3A_292, %mul3A_290 : vector<16xf32>
    %sub3A_294 = arith.subf %broadcast_in_dim3A_280, %mul3A_293 : vector<16xf32>
    %mul3A_295 = arith.mulf %mul3A_290, %sub3A_294 : vector<16xf32>
    %broadcast_in_dim3A_296 = arith.constant 1.000000e+08 : f32
    %broadcast_in_dim3A_297 = vector.broadcast %broadcast_in_dim3A_296 : f32 to vector<16xf32>
    %min3A_298 = arith.minimumf %mul3A_295, %broadcast_in_dim3A_297 : vector<16xf32>
    %mul3A_299 = arith.mulf %scan3A_264#0, %min3A_298 : vector<16xf32>
    %gt3A_300 = arith.cmpi sgt, %get3A_259, %broadcast_in_dim3A_45 : vector<16xi32>
    %add3A_301 = arith.constant 48 : i32
    %add3A_302 = arith.addi %mul3A_32, %add3A_301 : i32
    %broadcast_in_dim3A_303 = vector.broadcast %add3A_302 : i32 to vector<16xi32>
    %add3A_304 = arith.addi %iota3A, %broadcast_in_dim3A_303 : vector<16xi32>
    %select_n3A_305 = arith.select %gt3A_300, %mul3A_299, %broadcast_in_dim3A_43 : vector<16xi1>, vector<16xf32>
    %swap3A_306 = arith.constant 48 : index
    %swap3A_307 = tpu.vector_load %arg14[%swap3A_306] {strides = array<i32>} : memref<256xf32, #tpu.memory_space<vmem>>, vector<16xf32>,
    %swap3A_308 = vector.shape_cast %swap3A_307 : vector<16xf32> to vector<16xf32>
    %swap3A_309 = vector.shape_cast %select_n3A_305 : vector<16xf32> to vector<16xf32>
    tpu.vector_store %arg14[%swap3A_306], %swap3A_309 {strides = array<i32>} : memref<256xf32, #tpu.memory_space<vmem>>, vector<16xf32>,
    %add3A_310 = arith.addi %add3A_304, %scan3A_264#2 : vector<16xi32>
    %broadcast_in_dim3A_311 = arith.constant -1 : i32
    %broadcast_in_dim3A_312 = vector.broadcast %broadcast_in_dim3A_311 : i32 to vector<16xi32>
    %select_n3A_313 = arith.select %gt3A_300, %add3A_310, %broadcast_in_dim3A_312 : vector<16xi1>, vector<16xi32>
    %swap3A_314 = arith.constant 48 : index
    %swap3A_315 = tpu.vector_load %arg15[%swap3A_314] {strides = array<i32>} : memref<256xi32, #tpu.memory_space<vmem>>, vector<16xi32>,
    %swap3A_316 = vector.shape_cast %swap3A_315 : vector<16xi32> to vector<16xi32>
    %swap3A_317 = vector.shape_cast %select_n3A_313 : vector<16xi32> to vector<16xi32>
    tpu.vector_store %arg15[%swap3A_314], %swap3A_317 {strides = array<i32>} : memref<256xi32, #tpu.memory_space<vmem>>, vector<16xi32>,
    %get3A_318 = arith.constant 64 : index
    %get3A_319 = tpu.vector_load %arg9[%get3A_318] {strides = array<i32>} : memref<256xf32, #tpu.memory_space<vmem>>, vector<16xf32>,
    %get3A_320 = vector.shape_cast %get3A_319 : vector<16xf32> to vector<16xf32>
    %get3A_321 = arith.constant 64 : index
    %get3A_322 = tpu.vector_load %arg11[%get3A_321] {strides = array<i32>} : memref<288xf32, #tpu.memory_space<vmem>>, vector<16xf32>,
    %get3A_323 = vector.shape_cast %get3A_322 : vector<16xf32> to vector<16xf32>
    %get3A_324 = arith.constant 64 : index
    %get3A_325 = tpu.vector_load %arg12[%get3A_324] {strides = array<i32>} : memref<256xi32, #tpu.memory_space<vmem>>, vector<16xi32>,
    %get3A_326 = vector.shape_cast %get3A_325 : vector<16xi32> to vector<16xi32>
    %get3A_327 = arith.constant 64 : index
    %get3A_328 = tpu.vector_load %arg13[%get3A_327] {strides = array<i32>} : memref<256xi32, #tpu.memory_space<vmem>>, vector<16xi32>,
    %get3A_329 = vector.shape_cast %get3A_328 : vector<16xi32> to vector<16xi32>
    %scan3A_330 = arith.constant 0 : i32
    %scan3A_331 = arith.constant 30 : i32
    %scan3A_332 = arith.addi %scan3A_330, %scan3A_331 : i32
    %scan3A_333 = arith.constant 1 : i32
    %scan3A_334:3 = scf.for %scan3A_1158 = %scan3A_330 to %scan3A_332 step %scan3A_333 iter_args(%scan3A_1159 = %broadcast_in_dim3A_39, %scan3A_1160 = %broadcast_in_dim3A_41, %scan3A_1161 = %broadcast_in_dim3A_45) -> (vector<16xf32>, vector<16xf32>, vector<16xi32>)  : i32 {
      %add3A_1162 = arith.constant 64 : i32
      %add3A_1163 = arith.addi %add3A_1162, %scan3A_1158 : i32
      %get3A_1164 = arith.index_cast %add3A_1163 : i32 to index
      %get3A_1165 = tpu.vector_load %arg10[%get3A_1164] {strides = array<i32>} : memref<288xf32, #tpu.memory_space<vmem>>, vector<16xf32>,
      %get3A_1166 = vector.shape_cast %get3A_1165 : vector<16xf32> to vector<16xf32>
      %add3A_1167 = arith.constant 64 : i32
      %add3A_1168 = arith.addi %add3A_1167, %scan3A_1158 : i32
      %get3A_1169 = arith.index_cast %add3A_1168 : i32 to index
      %get3A_1170 = tpu.vector_load %arg11[%get3A_1169] {strides = array<i32>} : memref<288xf32, #tpu.memory_space<vmem>>, vector<16xf32>,
      %get3A_1171 = vector.shape_cast %get3A_1170 : vector<16xf32> to vector<16xf32>
      %add3A_1172 = arith.addf %get3A_320, %get3A_1166 : vector<16xf32>
      %add3A_1173 = arith.addf %get3A_323, %get3A_1171 : vector<16xf32>
      %broadcast_in_dim3A_1174 = vector.broadcast %scan3A_1158 : i32 to vector<16xi32>
      %gt3A_1175 = arith.cmpi sgt, %get3A_326, %broadcast_in_dim3A_1174 : vector<16xi32>
      %select_n3A_1176 = arith.select %gt3A_1175, %add3A_1172, %broadcast_in_dim3A_39 : vector<16xi1>, vector<16xf32>
      %select_n3A_1177 = arith.select %gt3A_1175, %add3A_1173, %broadcast_in_dim3A_41 : vector<16xi1>, vector<16xf32>
      %abs3A = math.absf %select_n3A_1176 : vector<16xf32>
      %mul3A_1178 = arith.mulf %select_n3A_1176, %abs3A : vector<16xf32>
      %abs3A_1179 = math.absf %scan3A_1159 : vector<16xf32>
      %mul3A_1180 = arith.mulf %scan3A_1159, %abs3A_1179 : vector<16xf32>
      %mul3A_1181 = arith.mulf %mul3A_1178, %scan3A_1160 : vector<16xf32>
      %mul3A_1182 = arith.mulf %mul3A_1180, %select_n3A_1177 : vector<16xf32>
      %gt3A_1183 = arith.cmpf ogt, %mul3A_1181, %mul3A_1182 : vector<16xf32>
      %select_n3A_1184 = arith.select %gt3A_1183, %select_n3A_1176, %scan3A_1159 : vector<16xi1>, vector<16xf32>
      %select_n3A_1185 = arith.select %gt3A_1183, %select_n3A_1177, %scan3A_1160 : vector<16xi1>, vector<16xf32>
      %select_n3A_1186 = arith.select %gt3A_1183, %broadcast_in_dim3A_1174, %scan3A_1161 : vector<16xi1>, vector<16xi32>
      scf.yield %select_n3A_1184, %select_n3A_1185, %select_n3A_1186 : vector<16xf32>, vector<16xf32>, vector<16xi32>
    }
    %scan3A_335 = arith.constant 30 : i32
    %broadcast_in_dim3A_336 = arith.constant 1.000000e-16 : f32
    %broadcast_in_dim3A_337 = vector.broadcast %broadcast_in_dim3A_336 : f32 to vector<16xf32>
    %max3A_338 = arith.maximumf %scan3A_334#1, %broadcast_in_dim3A_337 : vector<16xf32>
    %bitcast_convert_type3A_339 = tpu.bitcast %max3A_338 : vector<16xf32> -> vector<16xi32>
    %broadcast_in_dim3A_340 = arith.constant 1597463007 : i32
    %broadcast_in_dim3A_341 = vector.broadcast %broadcast_in_dim3A_340 : i32 to vector<16xi32>
    %broadcast_in_dim3A_342 = arith.constant 1 : i32
    %broadcast_in_dim3A_343 = vector.broadcast %broadcast_in_dim3A_342 : i32 to vector<16xi32>
    %shift_right_logical3A_344 = arith.shrui %bitcast_convert_type3A_339, %broadcast_in_dim3A_343 : vector<16xi32>
    %sub3A_345 = arith.subi %broadcast_in_dim3A_341, %shift_right_logical3A_344 : vector<16xi32>
    %bitcast_convert_type3A_346 = tpu.bitcast %sub3A_345 : vector<16xi32> -> vector<16xf32>
    %broadcast_in_dim3A_347 = arith.constant 5.000000e-01 : f32
    %broadcast_in_dim3A_348 = vector.broadcast %broadcast_in_dim3A_347 : f32 to vector<16xf32>
    %broadcast_in_dim3A_349 = arith.constant 1.500000e+00 : f32
    %broadcast_in_dim3A_350 = vector.broadcast %broadcast_in_dim3A_349 : f32 to vector<16xf32>
    %mul3A_351 = arith.mulf %broadcast_in_dim3A_348, %max3A_338 : vector<16xf32>
    %mul3A_352 = arith.mulf %mul3A_351, %bitcast_convert_type3A_346 : vector<16xf32>
    %mul3A_353 = arith.mulf %mul3A_352, %bitcast_convert_type3A_346 : vector<16xf32>
    %sub3A_354 = arith.subf %broadcast_in_dim3A_350, %mul3A_353 : vector<16xf32>
    %mul3A_355 = arith.mulf %bitcast_convert_type3A_346, %sub3A_354 : vector<16xf32>
    %mul3A_356 = arith.mulf %broadcast_in_dim3A_348, %max3A_338 : vector<16xf32>
    %mul3A_357 = arith.mulf %mul3A_356, %mul3A_355 : vector<16xf32>
    %mul3A_358 = arith.mulf %mul3A_357, %mul3A_355 : vector<16xf32>
    %sub3A_359 = arith.subf %broadcast_in_dim3A_350, %mul3A_358 : vector<16xf32>
    %mul3A_360 = arith.mulf %mul3A_355, %sub3A_359 : vector<16xf32>
    %mul3A_361 = arith.mulf %broadcast_in_dim3A_348, %max3A_338 : vector<16xf32>
    %mul3A_362 = arith.mulf %mul3A_361, %mul3A_360 : vector<16xf32>
    %mul3A_363 = arith.mulf %mul3A_362, %mul3A_360 : vector<16xf32>
    %sub3A_364 = arith.subf %broadcast_in_dim3A_350, %mul3A_363 : vector<16xf32>
    %mul3A_365 = arith.mulf %mul3A_360, %sub3A_364 : vector<16xf32>
    %broadcast_in_dim3A_366 = arith.constant 1.000000e+08 : f32
    %broadcast_in_dim3A_367 = vector.broadcast %broadcast_in_dim3A_366 : f32 to vector<16xf32>
    %min3A_368 = arith.minimumf %mul3A_365, %broadcast_in_dim3A_367 : vector<16xf32>
    %mul3A_369 = arith.mulf %scan3A_334#0, %min3A_368 : vector<16xf32>
    %gt3A_370 = arith.cmpi sgt, %get3A_329, %broadcast_in_dim3A_45 : vector<16xi32>
    %add3A_371 = arith.constant 64 : i32
    %add3A_372 = arith.addi %mul3A_32, %add3A_371 : i32
    %broadcast_in_dim3A_373 = vector.broadcast %add3A_372 : i32 to vector<16xi32>
    %add3A_374 = arith.addi %iota3A, %broadcast_in_dim3A_373 : vector<16xi32>
    %select_n3A_375 = arith.select %gt3A_370, %mul3A_369, %broadcast_in_dim3A_43 : vector<16xi1>, vector<16xf32>
    %swap3A_376 = arith.constant 64 : index
    %swap3A_377 = tpu.vector_load %arg14[%swap3A_376] {strides = array<i32>} : memref<256xf32, #tpu.memory_space<vmem>>, vector<16xf32>,
    %swap3A_378 = vector.shape_cast %swap3A_377 : vector<16xf32> to vector<16xf32>
    %swap3A_379 = vector.shape_cast %select_n3A_375 : vector<16xf32> to vector<16xf32>
    tpu.vector_store %arg14[%swap3A_376], %swap3A_379 {strides = array<i32>} : memref<256xf32, #tpu.memory_space<vmem>>, vector<16xf32>,
    %add3A_380 = arith.addi %add3A_374, %scan3A_334#2 : vector<16xi32>
    %broadcast_in_dim3A_381 = arith.constant -1 : i32
    %broadcast_in_dim3A_382 = vector.broadcast %broadcast_in_dim3A_381 : i32 to vector<16xi32>
    %select_n3A_383 = arith.select %gt3A_370, %add3A_380, %broadcast_in_dim3A_382 : vector<16xi1>, vector<16xi32>
    %swap3A_384 = arith.constant 64 : index
    %swap3A_385 = tpu.vector_load %arg15[%swap3A_384] {strides = array<i32>} : memref<256xi32, #tpu.memory_space<vmem>>, vector<16xi32>,
    %swap3A_386 = vector.shape_cast %swap3A_385 : vector<16xi32> to vector<16xi32>
    %swap3A_387 = vector.shape_cast %select_n3A_383 : vector<16xi32> to vector<16xi32>
    tpu.vector_store %arg15[%swap3A_384], %swap3A_387 {strides = array<i32>} : memref<256xi32, #tpu.memory_space<vmem>>, vector<16xi32>,
    %get3A_388 = arith.constant 80 : index
    %get3A_389 = tpu.vector_load %arg9[%get3A_388] {strides = array<i32>} : memref<256xf32, #tpu.memory_space<vmem>>, vector<16xf32>,
    %get3A_390 = vector.shape_cast %get3A_389 : vector<16xf32> to vector<16xf32>
    %get3A_391 = arith.constant 80 : index
    %get3A_392 = tpu.vector_load %arg11[%get3A_391] {strides = array<i32>} : memref<288xf32, #tpu.memory_space<vmem>>, vector<16xf32>,
    %get3A_393 = vector.shape_cast %get3A_392 : vector<16xf32> to vector<16xf32>
    %get3A_394 = arith.constant 80 : index
    %get3A_395 = tpu.vector_load %arg12[%get3A_394] {strides = array<i32>} : memref<256xi32, #tpu.memory_space<vmem>>, vector<16xi32>,
    %get3A_396 = vector.shape_cast %get3A_395 : vector<16xi32> to vector<16xi32>
    %get3A_397 = arith.constant 80 : index
    %get3A_398 = tpu.vector_load %arg13[%get3A_397] {strides = array<i32>} : memref<256xi32, #tpu.memory_space<vmem>>, vector<16xi32>,
    %get3A_399 = vector.shape_cast %get3A_398 : vector<16xi32> to vector<16xi32>
    %scan3A_400 = arith.constant 0 : i32
    %scan3A_401 = arith.constant 30 : i32
    %scan3A_402 = arith.addi %scan3A_400, %scan3A_401 : i32
    %scan3A_403 = arith.constant 1 : i32
    %scan3A_404:3 = scf.for %scan3A_1158 = %scan3A_400 to %scan3A_402 step %scan3A_403 iter_args(%scan3A_1159 = %broadcast_in_dim3A_39, %scan3A_1160 = %broadcast_in_dim3A_41, %scan3A_1161 = %broadcast_in_dim3A_45) -> (vector<16xf32>, vector<16xf32>, vector<16xi32>)  : i32 {
      %add3A_1162 = arith.constant 80 : i32
      %add3A_1163 = arith.addi %add3A_1162, %scan3A_1158 : i32
      %get3A_1164 = arith.index_cast %add3A_1163 : i32 to index
      %get3A_1165 = tpu.vector_load %arg10[%get3A_1164] {strides = array<i32>} : memref<288xf32, #tpu.memory_space<vmem>>, vector<16xf32>,
      %get3A_1166 = vector.shape_cast %get3A_1165 : vector<16xf32> to vector<16xf32>
      %add3A_1167 = arith.constant 80 : i32
      %add3A_1168 = arith.addi %add3A_1167, %scan3A_1158 : i32
      %get3A_1169 = arith.index_cast %add3A_1168 : i32 to index
      %get3A_1170 = tpu.vector_load %arg11[%get3A_1169] {strides = array<i32>} : memref<288xf32, #tpu.memory_space<vmem>>, vector<16xf32>,
      %get3A_1171 = vector.shape_cast %get3A_1170 : vector<16xf32> to vector<16xf32>
      %add3A_1172 = arith.addf %get3A_390, %get3A_1166 : vector<16xf32>
      %add3A_1173 = arith.addf %get3A_393, %get3A_1171 : vector<16xf32>
      %broadcast_in_dim3A_1174 = vector.broadcast %scan3A_1158 : i32 to vector<16xi32>
      %gt3A_1175 = arith.cmpi sgt, %get3A_396, %broadcast_in_dim3A_1174 : vector<16xi32>
      %select_n3A_1176 = arith.select %gt3A_1175, %add3A_1172, %broadcast_in_dim3A_39 : vector<16xi1>, vector<16xf32>
      %select_n3A_1177 = arith.select %gt3A_1175, %add3A_1173, %broadcast_in_dim3A_41 : vector<16xi1>, vector<16xf32>
      %abs3A = math.absf %select_n3A_1176 : vector<16xf32>
      %mul3A_1178 = arith.mulf %select_n3A_1176, %abs3A : vector<16xf32>
      %abs3A_1179 = math.absf %scan3A_1159 : vector<16xf32>
      %mul3A_1180 = arith.mulf %scan3A_1159, %abs3A_1179 : vector<16xf32>
      %mul3A_1181 = arith.mulf %mul3A_1178, %scan3A_1160 : vector<16xf32>
      %mul3A_1182 = arith.mulf %mul3A_1180, %select_n3A_1177 : vector<16xf32>
      %gt3A_1183 = arith.cmpf ogt, %mul3A_1181, %mul3A_1182 : vector<16xf32>
      %select_n3A_1184 = arith.select %gt3A_1183, %select_n3A_1176, %scan3A_1159 : vector<16xi1>, vector<16xf32>
      %select_n3A_1185 = arith.select %gt3A_1183, %select_n3A_1177, %scan3A_1160 : vector<16xi1>, vector<16xf32>
      %select_n3A_1186 = arith.select %gt3A_1183, %broadcast_in_dim3A_1174, %scan3A_1161 : vector<16xi1>, vector<16xi32>
      scf.yield %select_n3A_1184, %select_n3A_1185, %select_n3A_1186 : vector<16xf32>, vector<16xf32>, vector<16xi32>
    }
    %scan3A_405 = arith.constant 30 : i32
    %broadcast_in_dim3A_406 = arith.constant 1.000000e-16 : f32
    %broadcast_in_dim3A_407 = vector.broadcast %broadcast_in_dim3A_406 : f32 to vector<16xf32>
    %max3A_408 = arith.maximumf %scan3A_404#1, %broadcast_in_dim3A_407 : vector<16xf32>
    %bitcast_convert_type3A_409 = tpu.bitcast %max3A_408 : vector<16xf32> -> vector<16xi32>
    %broadcast_in_dim3A_410 = arith.constant 1597463007 : i32
    %broadcast_in_dim3A_411 = vector.broadcast %broadcast_in_dim3A_410 : i32 to vector<16xi32>
    %broadcast_in_dim3A_412 = arith.constant 1 : i32
    %broadcast_in_dim3A_413 = vector.broadcast %broadcast_in_dim3A_412 : i32 to vector<16xi32>
    %shift_right_logical3A_414 = arith.shrui %bitcast_convert_type3A_409, %broadcast_in_dim3A_413 : vector<16xi32>
    %sub3A_415 = arith.subi %broadcast_in_dim3A_411, %shift_right_logical3A_414 : vector<16xi32>
    %bitcast_convert_type3A_416 = tpu.bitcast %sub3A_415 : vector<16xi32> -> vector<16xf32>
    %broadcast_in_dim3A_417 = arith.constant 5.000000e-01 : f32
    %broadcast_in_dim3A_418 = vector.broadcast %broadcast_in_dim3A_417 : f32 to vector<16xf32>
    %broadcast_in_dim3A_419 = arith.constant 1.500000e+00 : f32
    %broadcast_in_dim3A_420 = vector.broadcast %broadcast_in_dim3A_419 : f32 to vector<16xf32>
    %mul3A_421 = arith.mulf %broadcast_in_dim3A_418, %max3A_408 : vector<16xf32>
    %mul3A_422 = arith.mulf %mul3A_421, %bitcast_convert_type3A_416 : vector<16xf32>
    %mul3A_423 = arith.mulf %mul3A_422, %bitcast_convert_type3A_416 : vector<16xf32>
    %sub3A_424 = arith.subf %broadcast_in_dim3A_420, %mul3A_423 : vector<16xf32>
    %mul3A_425 = arith.mulf %bitcast_convert_type3A_416, %sub3A_424 : vector<16xf32>
    %mul3A_426 = arith.mulf %broadcast_in_dim3A_418, %max3A_408 : vector<16xf32>
    %mul3A_427 = arith.mulf %mul3A_426, %mul3A_425 : vector<16xf32>
    %mul3A_428 = arith.mulf %mul3A_427, %mul3A_425 : vector<16xf32>
    %sub3A_429 = arith.subf %broadcast_in_dim3A_420, %mul3A_428 : vector<16xf32>
    %mul3A_430 = arith.mulf %mul3A_425, %sub3A_429 : vector<16xf32>
    %mul3A_431 = arith.mulf %broadcast_in_dim3A_418, %max3A_408 : vector<16xf32>
    %mul3A_432 = arith.mulf %mul3A_431, %mul3A_430 : vector<16xf32>
    %mul3A_433 = arith.mulf %mul3A_432, %mul3A_430 : vector<16xf32>
    %sub3A_434 = arith.subf %broadcast_in_dim3A_420, %mul3A_433 : vector<16xf32>
    %mul3A_435 = arith.mulf %mul3A_430, %sub3A_434 : vector<16xf32>
    %broadcast_in_dim3A_436 = arith.constant 1.000000e+08 : f32
    %broadcast_in_dim3A_437 = vector.broadcast %broadcast_in_dim3A_436 : f32 to vector<16xf32>
    %min3A_438 = arith.minimumf %mul3A_435, %broadcast_in_dim3A_437 : vector<16xf32>
    %mul3A_439 = arith.mulf %scan3A_404#0, %min3A_438 : vector<16xf32>
    %gt3A_440 = arith.cmpi sgt, %get3A_399, %broadcast_in_dim3A_45 : vector<16xi32>
    %add3A_441 = arith.constant 80 : i32
    %add3A_442 = arith.addi %mul3A_32, %add3A_441 : i32
    %broadcast_in_dim3A_443 = vector.broadcast %add3A_442 : i32 to vector<16xi32>
    %add3A_444 = arith.addi %iota3A, %broadcast_in_dim3A_443 : vector<16xi32>
    %select_n3A_445 = arith.select %gt3A_440, %mul3A_439, %broadcast_in_dim3A_43 : vector<16xi1>, vector<16xf32>
    %swap3A_446 = arith.constant 80 : index
    %swap3A_447 = tpu.vector_load %arg14[%swap3A_446] {strides = array<i32>} : memref<256xf32, #tpu.memory_space<vmem>>, vector<16xf32>,
    %swap3A_448 = vector.shape_cast %swap3A_447 : vector<16xf32> to vector<16xf32>
    %swap3A_449 = vector.shape_cast %select_n3A_445 : vector<16xf32> to vector<16xf32>
    tpu.vector_store %arg14[%swap3A_446], %swap3A_449 {strides = array<i32>} : memref<256xf32, #tpu.memory_space<vmem>>, vector<16xf32>,
    %add3A_450 = arith.addi %add3A_444, %scan3A_404#2 : vector<16xi32>
    %broadcast_in_dim3A_451 = arith.constant -1 : i32
    %broadcast_in_dim3A_452 = vector.broadcast %broadcast_in_dim3A_451 : i32 to vector<16xi32>
    %select_n3A_453 = arith.select %gt3A_440, %add3A_450, %broadcast_in_dim3A_452 : vector<16xi1>, vector<16xi32>
    %swap3A_454 = arith.constant 80 : index
    %swap3A_455 = tpu.vector_load %arg15[%swap3A_454] {strides = array<i32>} : memref<256xi32, #tpu.memory_space<vmem>>, vector<16xi32>,
    %swap3A_456 = vector.shape_cast %swap3A_455 : vector<16xi32> to vector<16xi32>
    %swap3A_457 = vector.shape_cast %select_n3A_453 : vector<16xi32> to vector<16xi32>
    tpu.vector_store %arg15[%swap3A_454], %swap3A_457 {strides = array<i32>} : memref<256xi32, #tpu.memory_space<vmem>>, vector<16xi32>,
    %get3A_458 = arith.constant 96 : index
    %get3A_459 = tpu.vector_load %arg9[%get3A_458] {strides = array<i32>} : memref<256xf32, #tpu.memory_space<vmem>>, vector<16xf32>,
    %get3A_460 = vector.shape_cast %get3A_459 : vector<16xf32> to vector<16xf32>
    %get3A_461 = arith.constant 96 : index
    %get3A_462 = tpu.vector_load %arg11[%get3A_461] {strides = array<i32>} : memref<288xf32, #tpu.memory_space<vmem>>, vector<16xf32>,
    %get3A_463 = vector.shape_cast %get3A_462 : vector<16xf32> to vector<16xf32>
    %get3A_464 = arith.constant 96 : index
    %get3A_465 = tpu.vector_load %arg12[%get3A_464] {strides = array<i32>} : memref<256xi32, #tpu.memory_space<vmem>>, vector<16xi32>,
    %get3A_466 = vector.shape_cast %get3A_465 : vector<16xi32> to vector<16xi32>
    %get3A_467 = arith.constant 96 : index
    %get3A_468 = tpu.vector_load %arg13[%get3A_467] {strides = array<i32>} : memref<256xi32, #tpu.memory_space<vmem>>, vector<16xi32>,
    %get3A_469 = vector.shape_cast %get3A_468 : vector<16xi32> to vector<16xi32>
    %scan3A_470 = arith.constant 0 : i32
    %scan3A_471 = arith.constant 30 : i32
    %scan3A_472 = arith.addi %scan3A_470, %scan3A_471 : i32
    %scan3A_473 = arith.constant 1 : i32
    %scan3A_474:3 = scf.for %scan3A_1158 = %scan3A_470 to %scan3A_472 step %scan3A_473 iter_args(%scan3A_1159 = %broadcast_in_dim3A_39, %scan3A_1160 = %broadcast_in_dim3A_41, %scan3A_1161 = %broadcast_in_dim3A_45) -> (vector<16xf32>, vector<16xf32>, vector<16xi32>)  : i32 {
      %add3A_1162 = arith.constant 96 : i32
      %add3A_1163 = arith.addi %add3A_1162, %scan3A_1158 : i32
      %get3A_1164 = arith.index_cast %add3A_1163 : i32 to index
      %get3A_1165 = tpu.vector_load %arg10[%get3A_1164] {strides = array<i32>} : memref<288xf32, #tpu.memory_space<vmem>>, vector<16xf32>,
      %get3A_1166 = vector.shape_cast %get3A_1165 : vector<16xf32> to vector<16xf32>
      %add3A_1167 = arith.constant 96 : i32
      %add3A_1168 = arith.addi %add3A_1167, %scan3A_1158 : i32
      %get3A_1169 = arith.index_cast %add3A_1168 : i32 to index
      %get3A_1170 = tpu.vector_load %arg11[%get3A_1169] {strides = array<i32>} : memref<288xf32, #tpu.memory_space<vmem>>, vector<16xf32>,
      %get3A_1171 = vector.shape_cast %get3A_1170 : vector<16xf32> to vector<16xf32>
      %add3A_1172 = arith.addf %get3A_460, %get3A_1166 : vector<16xf32>
      %add3A_1173 = arith.addf %get3A_463, %get3A_1171 : vector<16xf32>
      %broadcast_in_dim3A_1174 = vector.broadcast %scan3A_1158 : i32 to vector<16xi32>
      %gt3A_1175 = arith.cmpi sgt, %get3A_466, %broadcast_in_dim3A_1174 : vector<16xi32>
      %select_n3A_1176 = arith.select %gt3A_1175, %add3A_1172, %broadcast_in_dim3A_39 : vector<16xi1>, vector<16xf32>
      %select_n3A_1177 = arith.select %gt3A_1175, %add3A_1173, %broadcast_in_dim3A_41 : vector<16xi1>, vector<16xf32>
      %abs3A = math.absf %select_n3A_1176 : vector<16xf32>
      %mul3A_1178 = arith.mulf %select_n3A_1176, %abs3A : vector<16xf32>
      %abs3A_1179 = math.absf %scan3A_1159 : vector<16xf32>
      %mul3A_1180 = arith.mulf %scan3A_1159, %abs3A_1179 : vector<16xf32>
      %mul3A_1181 = arith.mulf %mul3A_1178, %scan3A_1160 : vector<16xf32>
      %mul3A_1182 = arith.mulf %mul3A_1180, %select_n3A_1177 : vector<16xf32>
      %gt3A_1183 = arith.cmpf ogt, %mul3A_1181, %mul3A_1182 : vector<16xf32>
      %select_n3A_1184 = arith.select %gt3A_1183, %select_n3A_1176, %scan3A_1159 : vector<16xi1>, vector<16xf32>
      %select_n3A_1185 = arith.select %gt3A_1183, %select_n3A_1177, %scan3A_1160 : vector<16xi1>, vector<16xf32>
      %select_n3A_1186 = arith.select %gt3A_1183, %broadcast_in_dim3A_1174, %scan3A_1161 : vector<16xi1>, vector<16xi32>
      scf.yield %select_n3A_1184, %select_n3A_1185, %select_n3A_1186 : vector<16xf32>, vector<16xf32>, vector<16xi32>
    }
    %scan3A_475 = arith.constant 30 : i32
    %broadcast_in_dim3A_476 = arith.constant 1.000000e-16 : f32
    %broadcast_in_dim3A_477 = vector.broadcast %broadcast_in_dim3A_476 : f32 to vector<16xf32>
    %max3A_478 = arith.maximumf %scan3A_474#1, %broadcast_in_dim3A_477 : vector<16xf32>
    %bitcast_convert_type3A_479 = tpu.bitcast %max3A_478 : vector<16xf32> -> vector<16xi32>
    %broadcast_in_dim3A_480 = arith.constant 1597463007 : i32
    %broadcast_in_dim3A_481 = vector.broadcast %broadcast_in_dim3A_480 : i32 to vector<16xi32>
    %broadcast_in_dim3A_482 = arith.constant 1 : i32
    %broadcast_in_dim3A_483 = vector.broadcast %broadcast_in_dim3A_482 : i32 to vector<16xi32>
    %shift_right_logical3A_484 = arith.shrui %bitcast_convert_type3A_479, %broadcast_in_dim3A_483 : vector<16xi32>
    %sub3A_485 = arith.subi %broadcast_in_dim3A_481, %shift_right_logical3A_484 : vector<16xi32>
    %bitcast_convert_type3A_486 = tpu.bitcast %sub3A_485 : vector<16xi32> -> vector<16xf32>
    %broadcast_in_dim3A_487 = arith.constant 5.000000e-01 : f32
    %broadcast_in_dim3A_488 = vector.broadcast %broadcast_in_dim3A_487 : f32 to vector<16xf32>
    %broadcast_in_dim3A_489 = arith.constant 1.500000e+00 : f32
    %broadcast_in_dim3A_490 = vector.broadcast %broadcast_in_dim3A_489 : f32 to vector<16xf32>
    %mul3A_491 = arith.mulf %broadcast_in_dim3A_488, %max3A_478 : vector<16xf32>
    %mul3A_492 = arith.mulf %mul3A_491, %bitcast_convert_type3A_486 : vector<16xf32>
    %mul3A_493 = arith.mulf %mul3A_492, %bitcast_convert_type3A_486 : vector<16xf32>
    %sub3A_494 = arith.subf %broadcast_in_dim3A_490, %mul3A_493 : vector<16xf32>
    %mul3A_495 = arith.mulf %bitcast_convert_type3A_486, %sub3A_494 : vector<16xf32>
    %mul3A_496 = arith.mulf %broadcast_in_dim3A_488, %max3A_478 : vector<16xf32>
    %mul3A_497 = arith.mulf %mul3A_496, %mul3A_495 : vector<16xf32>
    %mul3A_498 = arith.mulf %mul3A_497, %mul3A_495 : vector<16xf32>
    %sub3A_499 = arith.subf %broadcast_in_dim3A_490, %mul3A_498 : vector<16xf32>
    %mul3A_500 = arith.mulf %mul3A_495, %sub3A_499 : vector<16xf32>
    %mul3A_501 = arith.mulf %broadcast_in_dim3A_488, %max3A_478 : vector<16xf32>
    %mul3A_502 = arith.mulf %mul3A_501, %mul3A_500 : vector<16xf32>
    %mul3A_503 = arith.mulf %mul3A_502, %mul3A_500 : vector<16xf32>
    %sub3A_504 = arith.subf %broadcast_in_dim3A_490, %mul3A_503 : vector<16xf32>
    %mul3A_505 = arith.mulf %mul3A_500, %sub3A_504 : vector<16xf32>
    %broadcast_in_dim3A_506 = arith.constant 1.000000e+08 : f32
    %broadcast_in_dim3A_507 = vector.broadcast %broadcast_in_dim3A_506 : f32 to vector<16xf32>
    %min3A_508 = arith.minimumf %mul3A_505, %broadcast_in_dim3A_507 : vector<16xf32>
    %mul3A_509 = arith.mulf %scan3A_474#0, %min3A_508 : vector<16xf32>
    %gt3A_510 = arith.cmpi sgt, %get3A_469, %broadcast_in_dim3A_45 : vector<16xi32>
    %add3A_511 = arith.constant 96 : i32
    %add3A_512 = arith.addi %mul3A_32, %add3A_511 : i32
    %broadcast_in_dim3A_513 = vector.broadcast %add3A_512 : i32 to vector<16xi32>
    %add3A_514 = arith.addi %iota3A, %broadcast_in_dim3A_513 : vector<16xi32>
    %select_n3A_515 = arith.select %gt3A_510, %mul3A_509, %broadcast_in_dim3A_43 : vector<16xi1>, vector<16xf32>
    %swap3A_516 = arith.constant 96 : index
    %swap3A_517 = tpu.vector_load %arg14[%swap3A_516] {strides = array<i32>} : memref<256xf32, #tpu.memory_space<vmem>>, vector<16xf32>,
    %swap3A_518 = vector.shape_cast %swap3A_517 : vector<16xf32> to vector<16xf32>
    %swap3A_519 = vector.shape_cast %select_n3A_515 : vector<16xf32> to vector<16xf32>
    tpu.vector_store %arg14[%swap3A_516], %swap3A_519 {strides = array<i32>} : memref<256xf32, #tpu.memory_space<vmem>>, vector<16xf32>,
    %add3A_520 = arith.addi %add3A_514, %scan3A_474#2 : vector<16xi32>
    %broadcast_in_dim3A_521 = arith.constant -1 : i32
    %broadcast_in_dim3A_522 = vector.broadcast %broadcast_in_dim3A_521 : i32 to vector<16xi32>
    %select_n3A_523 = arith.select %gt3A_510, %add3A_520, %broadcast_in_dim3A_522 : vector<16xi1>, vector<16xi32>
    %swap3A_524 = arith.constant 96 : index
    %swap3A_525 = tpu.vector_load %arg15[%swap3A_524] {strides = array<i32>} : memref<256xi32, #tpu.memory_space<vmem>>, vector<16xi32>,
    %swap3A_526 = vector.shape_cast %swap3A_525 : vector<16xi32> to vector<16xi32>
    %swap3A_527 = vector.shape_cast %select_n3A_523 : vector<16xi32> to vector<16xi32>
    tpu.vector_store %arg15[%swap3A_524], %swap3A_527 {strides = array<i32>} : memref<256xi32, #tpu.memory_space<vmem>>, vector<16xi32>,
    %get3A_528 = arith.constant 112 : index
    %get3A_529 = tpu.vector_load %arg9[%get3A_528] {strides = array<i32>} : memref<256xf32, #tpu.memory_space<vmem>>, vector<16xf32>,
    %get3A_530 = vector.shape_cast %get3A_529 : vector<16xf32> to vector<16xf32>
    %get3A_531 = arith.constant 112 : index
    %get3A_532 = tpu.vector_load %arg11[%get3A_531] {strides = array<i32>} : memref<288xf32, #tpu.memory_space<vmem>>, vector<16xf32>,
    %get3A_533 = vector.shape_cast %get3A_532 : vector<16xf32> to vector<16xf32>
    %get3A_534 = arith.constant 112 : index
    %get3A_535 = tpu.vector_load %arg12[%get3A_534] {strides = array<i32>} : memref<256xi32, #tpu.memory_space<vmem>>, vector<16xi32>,
    %get3A_536 = vector.shape_cast %get3A_535 : vector<16xi32> to vector<16xi32>
    %get3A_537 = arith.constant 112 : index
    %get3A_538 = tpu.vector_load %arg13[%get3A_537] {strides = array<i32>} : memref<256xi32, #tpu.memory_space<vmem>>, vector<16xi32>,
    %get3A_539 = vector.shape_cast %get3A_538 : vector<16xi32> to vector<16xi32>
    %scan3A_540 = arith.constant 0 : i32
    %scan3A_541 = arith.constant 30 : i32
    %scan3A_542 = arith.addi %scan3A_540, %scan3A_541 : i32
    %scan3A_543 = arith.constant 1 : i32
    %scan3A_544:3 = scf.for %scan3A_1158 = %scan3A_540 to %scan3A_542 step %scan3A_543 iter_args(%scan3A_1159 = %broadcast_in_dim3A_39, %scan3A_1160 = %broadcast_in_dim3A_41, %scan3A_1161 = %broadcast_in_dim3A_45) -> (vector<16xf32>, vector<16xf32>, vector<16xi32>)  : i32 {
      %add3A_1162 = arith.constant 112 : i32
      %add3A_1163 = arith.addi %add3A_1162, %scan3A_1158 : i32
      %get3A_1164 = arith.index_cast %add3A_1163 : i32 to index
      %get3A_1165 = tpu.vector_load %arg10[%get3A_1164] {strides = array<i32>} : memref<288xf32, #tpu.memory_space<vmem>>, vector<16xf32>,
      %get3A_1166 = vector.shape_cast %get3A_1165 : vector<16xf32> to vector<16xf32>
      %add3A_1167 = arith.constant 112 : i32
      %add3A_1168 = arith.addi %add3A_1167, %scan3A_1158 : i32
      %get3A_1169 = arith.index_cast %add3A_1168 : i32 to index
      %get3A_1170 = tpu.vector_load %arg11[%get3A_1169] {strides = array<i32>} : memref<288xf32, #tpu.memory_space<vmem>>, vector<16xf32>,
      %get3A_1171 = vector.shape_cast %get3A_1170 : vector<16xf32> to vector<16xf32>
      %add3A_1172 = arith.addf %get3A_530, %get3A_1166 : vector<16xf32>
      %add3A_1173 = arith.addf %get3A_533, %get3A_1171 : vector<16xf32>
      %broadcast_in_dim3A_1174 = vector.broadcast %scan3A_1158 : i32 to vector<16xi32>
      %gt3A_1175 = arith.cmpi sgt, %get3A_536, %broadcast_in_dim3A_1174 : vector<16xi32>
      %select_n3A_1176 = arith.select %gt3A_1175, %add3A_1172, %broadcast_in_dim3A_39 : vector<16xi1>, vector<16xf32>
      %select_n3A_1177 = arith.select %gt3A_1175, %add3A_1173, %broadcast_in_dim3A_41 : vector<16xi1>, vector<16xf32>
      %abs3A = math.absf %select_n3A_1176 : vector<16xf32>
      %mul3A_1178 = arith.mulf %select_n3A_1176, %abs3A : vector<16xf32>
      %abs3A_1179 = math.absf %scan3A_1159 : vector<16xf32>
      %mul3A_1180 = arith.mulf %scan3A_1159, %abs3A_1179 : vector<16xf32>
      %mul3A_1181 = arith.mulf %mul3A_1178, %scan3A_1160 : vector<16xf32>
      %mul3A_1182 = arith.mulf %mul3A_1180, %select_n3A_1177 : vector<16xf32>
      %gt3A_1183 = arith.cmpf ogt, %mul3A_1181, %mul3A_1182 : vector<16xf32>
      %select_n3A_1184 = arith.select %gt3A_1183, %select_n3A_1176, %scan3A_1159 : vector<16xi1>, vector<16xf32>
      %select_n3A_1185 = arith.select %gt3A_1183, %select_n3A_1177, %scan3A_1160 : vector<16xi1>, vector<16xf32>
      %select_n3A_1186 = arith.select %gt3A_1183, %broadcast_in_dim3A_1174, %scan3A_1161 : vector<16xi1>, vector<16xi32>
      scf.yield %select_n3A_1184, %select_n3A_1185, %select_n3A_1186 : vector<16xf32>, vector<16xf32>, vector<16xi32>
    }
    %scan3A_545 = arith.constant 30 : i32
    %broadcast_in_dim3A_546 = arith.constant 1.000000e-16 : f32
    %broadcast_in_dim3A_547 = vector.broadcast %broadcast_in_dim3A_546 : f32 to vector<16xf32>
    %max3A_548 = arith.maximumf %scan3A_544#1, %broadcast_in_dim3A_547 : vector<16xf32>
    %bitcast_convert_type3A_549 = tpu.bitcast %max3A_548 : vector<16xf32> -> vector<16xi32>
    %broadcast_in_dim3A_550 = arith.constant 1597463007 : i32
    %broadcast_in_dim3A_551 = vector.broadcast %broadcast_in_dim3A_550 : i32 to vector<16xi32>
    %broadcast_in_dim3A_552 = arith.constant 1 : i32
    %broadcast_in_dim3A_553 = vector.broadcast %broadcast_in_dim3A_552 : i32 to vector<16xi32>
    %shift_right_logical3A_554 = arith.shrui %bitcast_convert_type3A_549, %broadcast_in_dim3A_553 : vector<16xi32>
    %sub3A_555 = arith.subi %broadcast_in_dim3A_551, %shift_right_logical3A_554 : vector<16xi32>
    %bitcast_convert_type3A_556 = tpu.bitcast %sub3A_555 : vector<16xi32> -> vector<16xf32>
    %broadcast_in_dim3A_557 = arith.constant 5.000000e-01 : f32
    %broadcast_in_dim3A_558 = vector.broadcast %broadcast_in_dim3A_557 : f32 to vector<16xf32>
    %broadcast_in_dim3A_559 = arith.constant 1.500000e+00 : f32
    %broadcast_in_dim3A_560 = vector.broadcast %broadcast_in_dim3A_559 : f32 to vector<16xf32>
    %mul3A_561 = arith.mulf %broadcast_in_dim3A_558, %max3A_548 : vector<16xf32>
    %mul3A_562 = arith.mulf %mul3A_561, %bitcast_convert_type3A_556 : vector<16xf32>
    %mul3A_563 = arith.mulf %mul3A_562, %bitcast_convert_type3A_556 : vector<16xf32>
    %sub3A_564 = arith.subf %broadcast_in_dim3A_560, %mul3A_563 : vector<16xf32>
    %mul3A_565 = arith.mulf %bitcast_convert_type3A_556, %sub3A_564 : vector<16xf32>
    %mul3A_566 = arith.mulf %broadcast_in_dim3A_558, %max3A_548 : vector<16xf32>
    %mul3A_567 = arith.mulf %mul3A_566, %mul3A_565 : vector<16xf32>
    %mul3A_568 = arith.mulf %mul3A_567, %mul3A_565 : vector<16xf32>
    %sub3A_569 = arith.subf %broadcast_in_dim3A_560, %mul3A_568 : vector<16xf32>
    %mul3A_570 = arith.mulf %mul3A_565, %sub3A_569 : vector<16xf32>
    %mul3A_571 = arith.mulf %broadcast_in_dim3A_558, %max3A_548 : vector<16xf32>
    %mul3A_572 = arith.mulf %mul3A_571, %mul3A_570 : vector<16xf32>
    %mul3A_573 = arith.mulf %mul3A_572, %mul3A_570 : vector<16xf32>
    %sub3A_574 = arith.subf %broadcast_in_dim3A_560, %mul3A_573 : vector<16xf32>
    %mul3A_575 = arith.mulf %mul3A_570, %sub3A_574 : vector<16xf32>
    %broadcast_in_dim3A_576 = arith.constant 1.000000e+08 : f32
    %broadcast_in_dim3A_577 = vector.broadcast %broadcast_in_dim3A_576 : f32 to vector<16xf32>
    %min3A_578 = arith.minimumf %mul3A_575, %broadcast_in_dim3A_577 : vector<16xf32>
    %mul3A_579 = arith.mulf %scan3A_544#0, %min3A_578 : vector<16xf32>
    %gt3A_580 = arith.cmpi sgt, %get3A_539, %broadcast_in_dim3A_45 : vector<16xi32>
    %add3A_581 = arith.constant 112 : i32
    %add3A_582 = arith.addi %mul3A_32, %add3A_581 : i32
    %broadcast_in_dim3A_583 = vector.broadcast %add3A_582 : i32 to vector<16xi32>
    %add3A_584 = arith.addi %iota3A, %broadcast_in_dim3A_583 : vector<16xi32>
    %select_n3A_585 = arith.select %gt3A_580, %mul3A_579, %broadcast_in_dim3A_43 : vector<16xi1>, vector<16xf32>
    %swap3A_586 = arith.constant 112 : index
    %swap3A_587 = tpu.vector_load %arg14[%swap3A_586] {strides = array<i32>} : memref<256xf32, #tpu.memory_space<vmem>>, vector<16xf32>,
    %swap3A_588 = vector.shape_cast %swap3A_587 : vector<16xf32> to vector<16xf32>
    %swap3A_589 = vector.shape_cast %select_n3A_585 : vector<16xf32> to vector<16xf32>
    tpu.vector_store %arg14[%swap3A_586], %swap3A_589 {strides = array<i32>} : memref<256xf32, #tpu.memory_space<vmem>>, vector<16xf32>,
    %add3A_590 = arith.addi %add3A_584, %scan3A_544#2 : vector<16xi32>
    %broadcast_in_dim3A_591 = arith.constant -1 : i32
    %broadcast_in_dim3A_592 = vector.broadcast %broadcast_in_dim3A_591 : i32 to vector<16xi32>
    %select_n3A_593 = arith.select %gt3A_580, %add3A_590, %broadcast_in_dim3A_592 : vector<16xi1>, vector<16xi32>
    %swap3A_594 = arith.constant 112 : index
    %swap3A_595 = tpu.vector_load %arg15[%swap3A_594] {strides = array<i32>} : memref<256xi32, #tpu.memory_space<vmem>>, vector<16xi32>,
    %swap3A_596 = vector.shape_cast %swap3A_595 : vector<16xi32> to vector<16xi32>
    %swap3A_597 = vector.shape_cast %select_n3A_593 : vector<16xi32> to vector<16xi32>
    tpu.vector_store %arg15[%swap3A_594], %swap3A_597 {strides = array<i32>} : memref<256xi32, #tpu.memory_space<vmem>>, vector<16xi32>,
    %get3A_598 = arith.constant 128 : index
    %get3A_599 = tpu.vector_load %arg9[%get3A_598] {strides = array<i32>} : memref<256xf32, #tpu.memory_space<vmem>>, vector<16xf32>,
    %get3A_600 = vector.shape_cast %get3A_599 : vector<16xf32> to vector<16xf32>
    %get3A_601 = arith.constant 128 : index
    %get3A_602 = tpu.vector_load %arg11[%get3A_601] {strides = array<i32>} : memref<288xf32, #tpu.memory_space<vmem>>, vector<16xf32>,
    %get3A_603 = vector.shape_cast %get3A_602 : vector<16xf32> to vector<16xf32>
    %get3A_604 = arith.constant 128 : index
    %get3A_605 = tpu.vector_load %arg12[%get3A_604] {strides = array<i32>} : memref<256xi32, #tpu.memory_space<vmem>>, vector<16xi32>,
    %get3A_606 = vector.shape_cast %get3A_605 : vector<16xi32> to vector<16xi32>
    %get3A_607 = arith.constant 128 : index
    %get3A_608 = tpu.vector_load %arg13[%get3A_607] {strides = array<i32>} : memref<256xi32, #tpu.memory_space<vmem>>, vector<16xi32>,
    %get3A_609 = vector.shape_cast %get3A_608 : vector<16xi32> to vector<16xi32>
    %scan3A_610 = arith.constant 0 : i32
    %scan3A_611 = arith.constant 30 : i32
    %scan3A_612 = arith.addi %scan3A_610, %scan3A_611 : i32
    %scan3A_613 = arith.constant 1 : i32
    %scan3A_614:3 = scf.for %scan3A_1158 = %scan3A_610 to %scan3A_612 step %scan3A_613 iter_args(%scan3A_1159 = %broadcast_in_dim3A_39, %scan3A_1160 = %broadcast_in_dim3A_41, %scan3A_1161 = %broadcast_in_dim3A_45) -> (vector<16xf32>, vector<16xf32>, vector<16xi32>)  : i32 {
      %add3A_1162 = arith.constant 128 : i32
      %add3A_1163 = arith.addi %add3A_1162, %scan3A_1158 : i32
      %get3A_1164 = arith.index_cast %add3A_1163 : i32 to index
      %get3A_1165 = tpu.vector_load %arg10[%get3A_1164] {strides = array<i32>} : memref<288xf32, #tpu.memory_space<vmem>>, vector<16xf32>,
      %get3A_1166 = vector.shape_cast %get3A_1165 : vector<16xf32> to vector<16xf32>
      %add3A_1167 = arith.constant 128 : i32
      %add3A_1168 = arith.addi %add3A_1167, %scan3A_1158 : i32
      %get3A_1169 = arith.index_cast %add3A_1168 : i32 to index
      %get3A_1170 = tpu.vector_load %arg11[%get3A_1169] {strides = array<i32>} : memref<288xf32, #tpu.memory_space<vmem>>, vector<16xf32>,
      %get3A_1171 = vector.shape_cast %get3A_1170 : vector<16xf32> to vector<16xf32>
      %add3A_1172 = arith.addf %get3A_600, %get3A_1166 : vector<16xf32>
      %add3A_1173 = arith.addf %get3A_603, %get3A_1171 : vector<16xf32>
      %broadcast_in_dim3A_1174 = vector.broadcast %scan3A_1158 : i32 to vector<16xi32>
      %gt3A_1175 = arith.cmpi sgt, %get3A_606, %broadcast_in_dim3A_1174 : vector<16xi32>
      %select_n3A_1176 = arith.select %gt3A_1175, %add3A_1172, %broadcast_in_dim3A_39 : vector<16xi1>, vector<16xf32>
      %select_n3A_1177 = arith.select %gt3A_1175, %add3A_1173, %broadcast_in_dim3A_41 : vector<16xi1>, vector<16xf32>
      %abs3A = math.absf %select_n3A_1176 : vector<16xf32>
      %mul3A_1178 = arith.mulf %select_n3A_1176, %abs3A : vector<16xf32>
      %abs3A_1179 = math.absf %scan3A_1159 : vector<16xf32>
      %mul3A_1180 = arith.mulf %scan3A_1159, %abs3A_1179 : vector<16xf32>
      %mul3A_1181 = arith.mulf %mul3A_1178, %scan3A_1160 : vector<16xf32>
      %mul3A_1182 = arith.mulf %mul3A_1180, %select_n3A_1177 : vector<16xf32>
      %gt3A_1183 = arith.cmpf ogt, %mul3A_1181, %mul3A_1182 : vector<16xf32>
      %select_n3A_1184 = arith.select %gt3A_1183, %select_n3A_1176, %scan3A_1159 : vector<16xi1>, vector<16xf32>
      %select_n3A_1185 = arith.select %gt3A_1183, %select_n3A_1177, %scan3A_1160 : vector<16xi1>, vector<16xf32>
      %select_n3A_1186 = arith.select %gt3A_1183, %broadcast_in_dim3A_1174, %scan3A_1161 : vector<16xi1>, vector<16xi32>
      scf.yield %select_n3A_1184, %select_n3A_1185, %select_n3A_1186 : vector<16xf32>, vector<16xf32>, vector<16xi32>
    }
    %scan3A_615 = arith.constant 30 : i32
    %broadcast_in_dim3A_616 = arith.constant 1.000000e-16 : f32
    %broadcast_in_dim3A_617 = vector.broadcast %broadcast_in_dim3A_616 : f32 to vector<16xf32>
    %max3A_618 = arith.maximumf %scan3A_614#1, %broadcast_in_dim3A_617 : vector<16xf32>
    %bitcast_convert_type3A_619 = tpu.bitcast %max3A_618 : vector<16xf32> -> vector<16xi32>
    %broadcast_in_dim3A_620 = arith.constant 1597463007 : i32
    %broadcast_in_dim3A_621 = vector.broadcast %broadcast_in_dim3A_620 : i32 to vector<16xi32>
    %broadcast_in_dim3A_622 = arith.constant 1 : i32
    %broadcast_in_dim3A_623 = vector.broadcast %broadcast_in_dim3A_622 : i32 to vector<16xi32>
    %shift_right_logical3A_624 = arith.shrui %bitcast_convert_type3A_619, %broadcast_in_dim3A_623 : vector<16xi32>
    %sub3A_625 = arith.subi %broadcast_in_dim3A_621, %shift_right_logical3A_624 : vector<16xi32>
    %bitcast_convert_type3A_626 = tpu.bitcast %sub3A_625 : vector<16xi32> -> vector<16xf32>
    %broadcast_in_dim3A_627 = arith.constant 5.000000e-01 : f32
    %broadcast_in_dim3A_628 = vector.broadcast %broadcast_in_dim3A_627 : f32 to vector<16xf32>
    %broadcast_in_dim3A_629 = arith.constant 1.500000e+00 : f32
    %broadcast_in_dim3A_630 = vector.broadcast %broadcast_in_dim3A_629 : f32 to vector<16xf32>
    %mul3A_631 = arith.mulf %broadcast_in_dim3A_628, %max3A_618 : vector<16xf32>
    %mul3A_632 = arith.mulf %mul3A_631, %bitcast_convert_type3A_626 : vector<16xf32>
    %mul3A_633 = arith.mulf %mul3A_632, %bitcast_convert_type3A_626 : vector<16xf32>
    %sub3A_634 = arith.subf %broadcast_in_dim3A_630, %mul3A_633 : vector<16xf32>
    %mul3A_635 = arith.mulf %bitcast_convert_type3A_626, %sub3A_634 : vector<16xf32>
    %mul3A_636 = arith.mulf %broadcast_in_dim3A_628, %max3A_618 : vector<16xf32>
    %mul3A_637 = arith.mulf %mul3A_636, %mul3A_635 : vector<16xf32>
    %mul3A_638 = arith.mulf %mul3A_637, %mul3A_635 : vector<16xf32>
    %sub3A_639 = arith.subf %broadcast_in_dim3A_630, %mul3A_638 : vector<16xf32>
    %mul3A_640 = arith.mulf %mul3A_635, %sub3A_639 : vector<16xf32>
    %mul3A_641 = arith.mulf %broadcast_in_dim3A_628, %max3A_618 : vector<16xf32>
    %mul3A_642 = arith.mulf %mul3A_641, %mul3A_640 : vector<16xf32>
    %mul3A_643 = arith.mulf %mul3A_642, %mul3A_640 : vector<16xf32>
    %sub3A_644 = arith.subf %broadcast_in_dim3A_630, %mul3A_643 : vector<16xf32>
    %mul3A_645 = arith.mulf %mul3A_640, %sub3A_644 : vector<16xf32>
    %broadcast_in_dim3A_646 = arith.constant 1.000000e+08 : f32
    %broadcast_in_dim3A_647 = vector.broadcast %broadcast_in_dim3A_646 : f32 to vector<16xf32>
    %min3A_648 = arith.minimumf %mul3A_645, %broadcast_in_dim3A_647 : vector<16xf32>
    %mul3A_649 = arith.mulf %scan3A_614#0, %min3A_648 : vector<16xf32>
    %gt3A_650 = arith.cmpi sgt, %get3A_609, %broadcast_in_dim3A_45 : vector<16xi32>
    %add3A_651 = arith.constant 128 : i32
    %add3A_652 = arith.addi %mul3A_32, %add3A_651 : i32
    %broadcast_in_dim3A_653 = vector.broadcast %add3A_652 : i32 to vector<16xi32>
    %add3A_654 = arith.addi %iota3A, %broadcast_in_dim3A_653 : vector<16xi32>
    %select_n3A_655 = arith.select %gt3A_650, %mul3A_649, %broadcast_in_dim3A_43 : vector<16xi1>, vector<16xf32>
    %swap3A_656 = arith.constant 128 : index
    %swap3A_657 = tpu.vector_load %arg14[%swap3A_656] {strides = array<i32>} : memref<256xf32, #tpu.memory_space<vmem>>, vector<16xf32>,
    %swap3A_658 = vector.shape_cast %swap3A_657 : vector<16xf32> to vector<16xf32>
    %swap3A_659 = vector.shape_cast %select_n3A_655 : vector<16xf32> to vector<16xf32>
    tpu.vector_store %arg14[%swap3A_656], %swap3A_659 {strides = array<i32>} : memref<256xf32, #tpu.memory_space<vmem>>, vector<16xf32>,
    %add3A_660 = arith.addi %add3A_654, %scan3A_614#2 : vector<16xi32>
    %broadcast_in_dim3A_661 = arith.constant -1 : i32
    %broadcast_in_dim3A_662 = vector.broadcast %broadcast_in_dim3A_661 : i32 to vector<16xi32>
    %select_n3A_663 = arith.select %gt3A_650, %add3A_660, %broadcast_in_dim3A_662 : vector<16xi1>, vector<16xi32>
    %swap3A_664 = arith.constant 128 : index
    %swap3A_665 = tpu.vector_load %arg15[%swap3A_664] {strides = array<i32>} : memref<256xi32, #tpu.memory_space<vmem>>, vector<16xi32>,
    %swap3A_666 = vector.shape_cast %swap3A_665 : vector<16xi32> to vector<16xi32>
    %swap3A_667 = vector.shape_cast %select_n3A_663 : vector<16xi32> to vector<16xi32>
    tpu.vector_store %arg15[%swap3A_664], %swap3A_667 {strides = array<i32>} : memref<256xi32, #tpu.memory_space<vmem>>, vector<16xi32>,
    %get3A_668 = arith.constant 144 : index
    %get3A_669 = tpu.vector_load %arg9[%get3A_668] {strides = array<i32>} : memref<256xf32, #tpu.memory_space<vmem>>, vector<16xf32>,
    %get3A_670 = vector.shape_cast %get3A_669 : vector<16xf32> to vector<16xf32>
    %get3A_671 = arith.constant 144 : index
    %get3A_672 = tpu.vector_load %arg11[%get3A_671] {strides = array<i32>} : memref<288xf32, #tpu.memory_space<vmem>>, vector<16xf32>,
    %get3A_673 = vector.shape_cast %get3A_672 : vector<16xf32> to vector<16xf32>
    %get3A_674 = arith.constant 144 : index
    %get3A_675 = tpu.vector_load %arg12[%get3A_674] {strides = array<i32>} : memref<256xi32, #tpu.memory_space<vmem>>, vector<16xi32>,
    %get3A_676 = vector.shape_cast %get3A_675 : vector<16xi32> to vector<16xi32>
    %get3A_677 = arith.constant 144 : index
    %get3A_678 = tpu.vector_load %arg13[%get3A_677] {strides = array<i32>} : memref<256xi32, #tpu.memory_space<vmem>>, vector<16xi32>,
    %get3A_679 = vector.shape_cast %get3A_678 : vector<16xi32> to vector<16xi32>
    %scan3A_680 = arith.constant 0 : i32
    %scan3A_681 = arith.constant 30 : i32
    %scan3A_682 = arith.addi %scan3A_680, %scan3A_681 : i32
    %scan3A_683 = arith.constant 1 : i32
    %scan3A_684:3 = scf.for %scan3A_1158 = %scan3A_680 to %scan3A_682 step %scan3A_683 iter_args(%scan3A_1159 = %broadcast_in_dim3A_39, %scan3A_1160 = %broadcast_in_dim3A_41, %scan3A_1161 = %broadcast_in_dim3A_45) -> (vector<16xf32>, vector<16xf32>, vector<16xi32>)  : i32 {
      %add3A_1162 = arith.constant 144 : i32
      %add3A_1163 = arith.addi %add3A_1162, %scan3A_1158 : i32
      %get3A_1164 = arith.index_cast %add3A_1163 : i32 to index
      %get3A_1165 = tpu.vector_load %arg10[%get3A_1164] {strides = array<i32>} : memref<288xf32, #tpu.memory_space<vmem>>, vector<16xf32>,
      %get3A_1166 = vector.shape_cast %get3A_1165 : vector<16xf32> to vector<16xf32>
      %add3A_1167 = arith.constant 144 : i32
      %add3A_1168 = arith.addi %add3A_1167, %scan3A_1158 : i32
      %get3A_1169 = arith.index_cast %add3A_1168 : i32 to index
      %get3A_1170 = tpu.vector_load %arg11[%get3A_1169] {strides = array<i32>} : memref<288xf32, #tpu.memory_space<vmem>>, vector<16xf32>,
      %get3A_1171 = vector.shape_cast %get3A_1170 : vector<16xf32> to vector<16xf32>
      %add3A_1172 = arith.addf %get3A_670, %get3A_1166 : vector<16xf32>
      %add3A_1173 = arith.addf %get3A_673, %get3A_1171 : vector<16xf32>
      %broadcast_in_dim3A_1174 = vector.broadcast %scan3A_1158 : i32 to vector<16xi32>
      %gt3A_1175 = arith.cmpi sgt, %get3A_676, %broadcast_in_dim3A_1174 : vector<16xi32>
      %select_n3A_1176 = arith.select %gt3A_1175, %add3A_1172, %broadcast_in_dim3A_39 : vector<16xi1>, vector<16xf32>
      %select_n3A_1177 = arith.select %gt3A_1175, %add3A_1173, %broadcast_in_dim3A_41 : vector<16xi1>, vector<16xf32>
      %abs3A = math.absf %select_n3A_1176 : vector<16xf32>
      %mul3A_1178 = arith.mulf %select_n3A_1176, %abs3A : vector<16xf32>
      %abs3A_1179 = math.absf %scan3A_1159 : vector<16xf32>
      %mul3A_1180 = arith.mulf %scan3A_1159, %abs3A_1179 : vector<16xf32>
      %mul3A_1181 = arith.mulf %mul3A_1178, %scan3A_1160 : vector<16xf32>
      %mul3A_1182 = arith.mulf %mul3A_1180, %select_n3A_1177 : vector<16xf32>
      %gt3A_1183 = arith.cmpf ogt, %mul3A_1181, %mul3A_1182 : vector<16xf32>
      %select_n3A_1184 = arith.select %gt3A_1183, %select_n3A_1176, %scan3A_1159 : vector<16xi1>, vector<16xf32>
      %select_n3A_1185 = arith.select %gt3A_1183, %select_n3A_1177, %scan3A_1160 : vector<16xi1>, vector<16xf32>
      %select_n3A_1186 = arith.select %gt3A_1183, %broadcast_in_dim3A_1174, %scan3A_1161 : vector<16xi1>, vector<16xi32>
      scf.yield %select_n3A_1184, %select_n3A_1185, %select_n3A_1186 : vector<16xf32>, vector<16xf32>, vector<16xi32>
    }
    %scan3A_685 = arith.constant 30 : i32
    %broadcast_in_dim3A_686 = arith.constant 1.000000e-16 : f32
    %broadcast_in_dim3A_687 = vector.broadcast %broadcast_in_dim3A_686 : f32 to vector<16xf32>
    %max3A_688 = arith.maximumf %scan3A_684#1, %broadcast_in_dim3A_687 : vector<16xf32>
    %bitcast_convert_type3A_689 = tpu.bitcast %max3A_688 : vector<16xf32> -> vector<16xi32>
    %broadcast_in_dim3A_690 = arith.constant 1597463007 : i32
    %broadcast_in_dim3A_691 = vector.broadcast %broadcast_in_dim3A_690 : i32 to vector<16xi32>
    %broadcast_in_dim3A_692 = arith.constant 1 : i32
    %broadcast_in_dim3A_693 = vector.broadcast %broadcast_in_dim3A_692 : i32 to vector<16xi32>
    %shift_right_logical3A_694 = arith.shrui %bitcast_convert_type3A_689, %broadcast_in_dim3A_693 : vector<16xi32>
    %sub3A_695 = arith.subi %broadcast_in_dim3A_691, %shift_right_logical3A_694 : vector<16xi32>
    %bitcast_convert_type3A_696 = tpu.bitcast %sub3A_695 : vector<16xi32> -> vector<16xf32>
    %broadcast_in_dim3A_697 = arith.constant 5.000000e-01 : f32
    %broadcast_in_dim3A_698 = vector.broadcast %broadcast_in_dim3A_697 : f32 to vector<16xf32>
    %broadcast_in_dim3A_699 = arith.constant 1.500000e+00 : f32
    %broadcast_in_dim3A_700 = vector.broadcast %broadcast_in_dim3A_699 : f32 to vector<16xf32>
    %mul3A_701 = arith.mulf %broadcast_in_dim3A_698, %max3A_688 : vector<16xf32>
    %mul3A_702 = arith.mulf %mul3A_701, %bitcast_convert_type3A_696 : vector<16xf32>
    %mul3A_703 = arith.mulf %mul3A_702, %bitcast_convert_type3A_696 : vector<16xf32>
    %sub3A_704 = arith.subf %broadcast_in_dim3A_700, %mul3A_703 : vector<16xf32>
    %mul3A_705 = arith.mulf %bitcast_convert_type3A_696, %sub3A_704 : vector<16xf32>
    %mul3A_706 = arith.mulf %broadcast_in_dim3A_698, %max3A_688 : vector<16xf32>
    %mul3A_707 = arith.mulf %mul3A_706, %mul3A_705 : vector<16xf32>
    %mul3A_708 = arith.mulf %mul3A_707, %mul3A_705 : vector<16xf32>
    %sub3A_709 = arith.subf %broadcast_in_dim3A_700, %mul3A_708 : vector<16xf32>
    %mul3A_710 = arith.mulf %mul3A_705, %sub3A_709 : vector<16xf32>
    %mul3A_711 = arith.mulf %broadcast_in_dim3A_698, %max3A_688 : vector<16xf32>
    %mul3A_712 = arith.mulf %mul3A_711, %mul3A_710 : vector<16xf32>
    %mul3A_713 = arith.mulf %mul3A_712, %mul3A_710 : vector<16xf32>
    %sub3A_714 = arith.subf %broadcast_in_dim3A_700, %mul3A_713 : vector<16xf32>
    %mul3A_715 = arith.mulf %mul3A_710, %sub3A_714 : vector<16xf32>
    %broadcast_in_dim3A_716 = arith.constant 1.000000e+08 : f32
    %broadcast_in_dim3A_717 = vector.broadcast %broadcast_in_dim3A_716 : f32 to vector<16xf32>
    %min3A_718 = arith.minimumf %mul3A_715, %broadcast_in_dim3A_717 : vector<16xf32>
    %mul3A_719 = arith.mulf %scan3A_684#0, %min3A_718 : vector<16xf32>
    %gt3A_720 = arith.cmpi sgt, %get3A_679, %broadcast_in_dim3A_45 : vector<16xi32>
    %add3A_721 = arith.constant 144 : i32
    %add3A_722 = arith.addi %mul3A_32, %add3A_721 : i32
    %broadcast_in_dim3A_723 = vector.broadcast %add3A_722 : i32 to vector<16xi32>
    %add3A_724 = arith.addi %iota3A, %broadcast_in_dim3A_723 : vector<16xi32>
    %select_n3A_725 = arith.select %gt3A_720, %mul3A_719, %broadcast_in_dim3A_43 : vector<16xi1>, vector<16xf32>
    %swap3A_726 = arith.constant 144 : index
    %swap3A_727 = tpu.vector_load %arg14[%swap3A_726] {strides = array<i32>} : memref<256xf32, #tpu.memory_space<vmem>>, vector<16xf32>,
    %swap3A_728 = vector.shape_cast %swap3A_727 : vector<16xf32> to vector<16xf32>
    %swap3A_729 = vector.shape_cast %select_n3A_725 : vector<16xf32> to vector<16xf32>
    tpu.vector_store %arg14[%swap3A_726], %swap3A_729 {strides = array<i32>} : memref<256xf32, #tpu.memory_space<vmem>>, vector<16xf32>,
    %add3A_730 = arith.addi %add3A_724, %scan3A_684#2 : vector<16xi32>
    %broadcast_in_dim3A_731 = arith.constant -1 : i32
    %broadcast_in_dim3A_732 = vector.broadcast %broadcast_in_dim3A_731 : i32 to vector<16xi32>
    %select_n3A_733 = arith.select %gt3A_720, %add3A_730, %broadcast_in_dim3A_732 : vector<16xi1>, vector<16xi32>
    %swap3A_734 = arith.constant 144 : index
    %swap3A_735 = tpu.vector_load %arg15[%swap3A_734] {strides = array<i32>} : memref<256xi32, #tpu.memory_space<vmem>>, vector<16xi32>,
    %swap3A_736 = vector.shape_cast %swap3A_735 : vector<16xi32> to vector<16xi32>
    %swap3A_737 = vector.shape_cast %select_n3A_733 : vector<16xi32> to vector<16xi32>
    tpu.vector_store %arg15[%swap3A_734], %swap3A_737 {strides = array<i32>} : memref<256xi32, #tpu.memory_space<vmem>>, vector<16xi32>,
    %get3A_738 = arith.constant 160 : index
    %get3A_739 = tpu.vector_load %arg9[%get3A_738] {strides = array<i32>} : memref<256xf32, #tpu.memory_space<vmem>>, vector<16xf32>,
    %get3A_740 = vector.shape_cast %get3A_739 : vector<16xf32> to vector<16xf32>
    %get3A_741 = arith.constant 160 : index
    %get3A_742 = tpu.vector_load %arg11[%get3A_741] {strides = array<i32>} : memref<288xf32, #tpu.memory_space<vmem>>, vector<16xf32>,
    %get3A_743 = vector.shape_cast %get3A_742 : vector<16xf32> to vector<16xf32>
    %get3A_744 = arith.constant 160 : index
    %get3A_745 = tpu.vector_load %arg12[%get3A_744] {strides = array<i32>} : memref<256xi32, #tpu.memory_space<vmem>>, vector<16xi32>,
    %get3A_746 = vector.shape_cast %get3A_745 : vector<16xi32> to vector<16xi32>
    %get3A_747 = arith.constant 160 : index
    %get3A_748 = tpu.vector_load %arg13[%get3A_747] {strides = array<i32>} : memref<256xi32, #tpu.memory_space<vmem>>, vector<16xi32>,
    %get3A_749 = vector.shape_cast %get3A_748 : vector<16xi32> to vector<16xi32>
    %scan3A_750 = arith.constant 0 : i32
    %scan3A_751 = arith.constant 30 : i32
    %scan3A_752 = arith.addi %scan3A_750, %scan3A_751 : i32
    %scan3A_753 = arith.constant 1 : i32
    %scan3A_754:3 = scf.for %scan3A_1158 = %scan3A_750 to %scan3A_752 step %scan3A_753 iter_args(%scan3A_1159 = %broadcast_in_dim3A_39, %scan3A_1160 = %broadcast_in_dim3A_41, %scan3A_1161 = %broadcast_in_dim3A_45) -> (vector<16xf32>, vector<16xf32>, vector<16xi32>)  : i32 {
      %add3A_1162 = arith.constant 160 : i32
      %add3A_1163 = arith.addi %add3A_1162, %scan3A_1158 : i32
      %get3A_1164 = arith.index_cast %add3A_1163 : i32 to index
      %get3A_1165 = tpu.vector_load %arg10[%get3A_1164] {strides = array<i32>} : memref<288xf32, #tpu.memory_space<vmem>>, vector<16xf32>,
      %get3A_1166 = vector.shape_cast %get3A_1165 : vector<16xf32> to vector<16xf32>
      %add3A_1167 = arith.constant 160 : i32
      %add3A_1168 = arith.addi %add3A_1167, %scan3A_1158 : i32
      %get3A_1169 = arith.index_cast %add3A_1168 : i32 to index
      %get3A_1170 = tpu.vector_load %arg11[%get3A_1169] {strides = array<i32>} : memref<288xf32, #tpu.memory_space<vmem>>, vector<16xf32>,
      %get3A_1171 = vector.shape_cast %get3A_1170 : vector<16xf32> to vector<16xf32>
      %add3A_1172 = arith.addf %get3A_740, %get3A_1166 : vector<16xf32>
      %add3A_1173 = arith.addf %get3A_743, %get3A_1171 : vector<16xf32>
      %broadcast_in_dim3A_1174 = vector.broadcast %scan3A_1158 : i32 to vector<16xi32>
      %gt3A_1175 = arith.cmpi sgt, %get3A_746, %broadcast_in_dim3A_1174 : vector<16xi32>
      %select_n3A_1176 = arith.select %gt3A_1175, %add3A_1172, %broadcast_in_dim3A_39 : vector<16xi1>, vector<16xf32>
      %select_n3A_1177 = arith.select %gt3A_1175, %add3A_1173, %broadcast_in_dim3A_41 : vector<16xi1>, vector<16xf32>
      %abs3A = math.absf %select_n3A_1176 : vector<16xf32>
      %mul3A_1178 = arith.mulf %select_n3A_1176, %abs3A : vector<16xf32>
      %abs3A_1179 = math.absf %scan3A_1159 : vector<16xf32>
      %mul3A_1180 = arith.mulf %scan3A_1159, %abs3A_1179 : vector<16xf32>
      %mul3A_1181 = arith.mulf %mul3A_1178, %scan3A_1160 : vector<16xf32>
      %mul3A_1182 = arith.mulf %mul3A_1180, %select_n3A_1177 : vector<16xf32>
      %gt3A_1183 = arith.cmpf ogt, %mul3A_1181, %mul3A_1182 : vector<16xf32>
      %select_n3A_1184 = arith.select %gt3A_1183, %select_n3A_1176, %scan3A_1159 : vector<16xi1>, vector<16xf32>
      %select_n3A_1185 = arith.select %gt3A_1183, %select_n3A_1177, %scan3A_1160 : vector<16xi1>, vector<16xf32>
      %select_n3A_1186 = arith.select %gt3A_1183, %broadcast_in_dim3A_1174, %scan3A_1161 : vector<16xi1>, vector<16xi32>
      scf.yield %select_n3A_1184, %select_n3A_1185, %select_n3A_1186 : vector<16xf32>, vector<16xf32>, vector<16xi32>
    }
    %scan3A_755 = arith.constant 30 : i32
    %broadcast_in_dim3A_756 = arith.constant 1.000000e-16 : f32
    %broadcast_in_dim3A_757 = vector.broadcast %broadcast_in_dim3A_756 : f32 to vector<16xf32>
    %max3A_758 = arith.maximumf %scan3A_754#1, %broadcast_in_dim3A_757 : vector<16xf32>
    %bitcast_convert_type3A_759 = tpu.bitcast %max3A_758 : vector<16xf32> -> vector<16xi32>
    %broadcast_in_dim3A_760 = arith.constant 1597463007 : i32
    %broadcast_in_dim3A_761 = vector.broadcast %broadcast_in_dim3A_760 : i32 to vector<16xi32>
    %broadcast_in_dim3A_762 = arith.constant 1 : i32
    %broadcast_in_dim3A_763 = vector.broadcast %broadcast_in_dim3A_762 : i32 to vector<16xi32>
    %shift_right_logical3A_764 = arith.shrui %bitcast_convert_type3A_759, %broadcast_in_dim3A_763 : vector<16xi32>
    %sub3A_765 = arith.subi %broadcast_in_dim3A_761, %shift_right_logical3A_764 : vector<16xi32>
    %bitcast_convert_type3A_766 = tpu.bitcast %sub3A_765 : vector<16xi32> -> vector<16xf32>
    %broadcast_in_dim3A_767 = arith.constant 5.000000e-01 : f32
    %broadcast_in_dim3A_768 = vector.broadcast %broadcast_in_dim3A_767 : f32 to vector<16xf32>
    %broadcast_in_dim3A_769 = arith.constant 1.500000e+00 : f32
    %broadcast_in_dim3A_770 = vector.broadcast %broadcast_in_dim3A_769 : f32 to vector<16xf32>
    %mul3A_771 = arith.mulf %broadcast_in_dim3A_768, %max3A_758 : vector<16xf32>
    %mul3A_772 = arith.mulf %mul3A_771, %bitcast_convert_type3A_766 : vector<16xf32>
    %mul3A_773 = arith.mulf %mul3A_772, %bitcast_convert_type3A_766 : vector<16xf32>
    %sub3A_774 = arith.subf %broadcast_in_dim3A_770, %mul3A_773 : vector<16xf32>
    %mul3A_775 = arith.mulf %bitcast_convert_type3A_766, %sub3A_774 : vector<16xf32>
    %mul3A_776 = arith.mulf %broadcast_in_dim3A_768, %max3A_758 : vector<16xf32>
    %mul3A_777 = arith.mulf %mul3A_776, %mul3A_775 : vector<16xf32>
    %mul3A_778 = arith.mulf %mul3A_777, %mul3A_775 : vector<16xf32>
    %sub3A_779 = arith.subf %broadcast_in_dim3A_770, %mul3A_778 : vector<16xf32>
    %mul3A_780 = arith.mulf %mul3A_775, %sub3A_779 : vector<16xf32>
    %mul3A_781 = arith.mulf %broadcast_in_dim3A_768, %max3A_758 : vector<16xf32>
    %mul3A_782 = arith.mulf %mul3A_781, %mul3A_780 : vector<16xf32>
    %mul3A_783 = arith.mulf %mul3A_782, %mul3A_780 : vector<16xf32>
    %sub3A_784 = arith.subf %broadcast_in_dim3A_770, %mul3A_783 : vector<16xf32>
    %mul3A_785 = arith.mulf %mul3A_780, %sub3A_784 : vector<16xf32>
    %broadcast_in_dim3A_786 = arith.constant 1.000000e+08 : f32
    %broadcast_in_dim3A_787 = vector.broadcast %broadcast_in_dim3A_786 : f32 to vector<16xf32>
    %min3A_788 = arith.minimumf %mul3A_785, %broadcast_in_dim3A_787 : vector<16xf32>
    %mul3A_789 = arith.mulf %scan3A_754#0, %min3A_788 : vector<16xf32>
    %gt3A_790 = arith.cmpi sgt, %get3A_749, %broadcast_in_dim3A_45 : vector<16xi32>
    %add3A_791 = arith.constant 160 : i32
    %add3A_792 = arith.addi %mul3A_32, %add3A_791 : i32
    %broadcast_in_dim3A_793 = vector.broadcast %add3A_792 : i32 to vector<16xi32>
    %add3A_794 = arith.addi %iota3A, %broadcast_in_dim3A_793 : vector<16xi32>
    %select_n3A_795 = arith.select %gt3A_790, %mul3A_789, %broadcast_in_dim3A_43 : vector<16xi1>, vector<16xf32>
    %swap3A_796 = arith.constant 160 : index
    %swap3A_797 = tpu.vector_load %arg14[%swap3A_796] {strides = array<i32>} : memref<256xf32, #tpu.memory_space<vmem>>, vector<16xf32>,
    %swap3A_798 = vector.shape_cast %swap3A_797 : vector<16xf32> to vector<16xf32>
    %swap3A_799 = vector.shape_cast %select_n3A_795 : vector<16xf32> to vector<16xf32>
    tpu.vector_store %arg14[%swap3A_796], %swap3A_799 {strides = array<i32>} : memref<256xf32, #tpu.memory_space<vmem>>, vector<16xf32>,
    %add3A_800 = arith.addi %add3A_794, %scan3A_754#2 : vector<16xi32>
    %broadcast_in_dim3A_801 = arith.constant -1 : i32
    %broadcast_in_dim3A_802 = vector.broadcast %broadcast_in_dim3A_801 : i32 to vector<16xi32>
    %select_n3A_803 = arith.select %gt3A_790, %add3A_800, %broadcast_in_dim3A_802 : vector<16xi1>, vector<16xi32>
    %swap3A_804 = arith.constant 160 : index
    %swap3A_805 = tpu.vector_load %arg15[%swap3A_804] {strides = array<i32>} : memref<256xi32, #tpu.memory_space<vmem>>, vector<16xi32>,
    %swap3A_806 = vector.shape_cast %swap3A_805 : vector<16xi32> to vector<16xi32>
    %swap3A_807 = vector.shape_cast %select_n3A_803 : vector<16xi32> to vector<16xi32>
    tpu.vector_store %arg15[%swap3A_804], %swap3A_807 {strides = array<i32>} : memref<256xi32, #tpu.memory_space<vmem>>, vector<16xi32>,
    %get3A_808 = arith.constant 176 : index
    %get3A_809 = tpu.vector_load %arg9[%get3A_808] {strides = array<i32>} : memref<256xf32, #tpu.memory_space<vmem>>, vector<16xf32>,
    %get3A_810 = vector.shape_cast %get3A_809 : vector<16xf32> to vector<16xf32>
    %get3A_811 = arith.constant 176 : index
    %get3A_812 = tpu.vector_load %arg11[%get3A_811] {strides = array<i32>} : memref<288xf32, #tpu.memory_space<vmem>>, vector<16xf32>,
    %get3A_813 = vector.shape_cast %get3A_812 : vector<16xf32> to vector<16xf32>
    %get3A_814 = arith.constant 176 : index
    %get3A_815 = tpu.vector_load %arg12[%get3A_814] {strides = array<i32>} : memref<256xi32, #tpu.memory_space<vmem>>, vector<16xi32>,
    %get3A_816 = vector.shape_cast %get3A_815 : vector<16xi32> to vector<16xi32>
    %get3A_817 = arith.constant 176 : index
    %get3A_818 = tpu.vector_load %arg13[%get3A_817] {strides = array<i32>} : memref<256xi32, #tpu.memory_space<vmem>>, vector<16xi32>,
    %get3A_819 = vector.shape_cast %get3A_818 : vector<16xi32> to vector<16xi32>
    %scan3A_820 = arith.constant 0 : i32
    %scan3A_821 = arith.constant 30 : i32
    %scan3A_822 = arith.addi %scan3A_820, %scan3A_821 : i32
    %scan3A_823 = arith.constant 1 : i32
    %scan3A_824:3 = scf.for %scan3A_1158 = %scan3A_820 to %scan3A_822 step %scan3A_823 iter_args(%scan3A_1159 = %broadcast_in_dim3A_39, %scan3A_1160 = %broadcast_in_dim3A_41, %scan3A_1161 = %broadcast_in_dim3A_45) -> (vector<16xf32>, vector<16xf32>, vector<16xi32>)  : i32 {
      %add3A_1162 = arith.constant 176 : i32
      %add3A_1163 = arith.addi %add3A_1162, %scan3A_1158 : i32
      %get3A_1164 = arith.index_cast %add3A_1163 : i32 to index
      %get3A_1165 = tpu.vector_load %arg10[%get3A_1164] {strides = array<i32>} : memref<288xf32, #tpu.memory_space<vmem>>, vector<16xf32>,
      %get3A_1166 = vector.shape_cast %get3A_1165 : vector<16xf32> to vector<16xf32>
      %add3A_1167 = arith.constant 176 : i32
      %add3A_1168 = arith.addi %add3A_1167, %scan3A_1158 : i32
      %get3A_1169 = arith.index_cast %add3A_1168 : i32 to index
      %get3A_1170 = tpu.vector_load %arg11[%get3A_1169] {strides = array<i32>} : memref<288xf32, #tpu.memory_space<vmem>>, vector<16xf32>,
      %get3A_1171 = vector.shape_cast %get3A_1170 : vector<16xf32> to vector<16xf32>
      %add3A_1172 = arith.addf %get3A_810, %get3A_1166 : vector<16xf32>
      %add3A_1173 = arith.addf %get3A_813, %get3A_1171 : vector<16xf32>
      %broadcast_in_dim3A_1174 = vector.broadcast %scan3A_1158 : i32 to vector<16xi32>
      %gt3A_1175 = arith.cmpi sgt, %get3A_816, %broadcast_in_dim3A_1174 : vector<16xi32>
      %select_n3A_1176 = arith.select %gt3A_1175, %add3A_1172, %broadcast_in_dim3A_39 : vector<16xi1>, vector<16xf32>
      %select_n3A_1177 = arith.select %gt3A_1175, %add3A_1173, %broadcast_in_dim3A_41 : vector<16xi1>, vector<16xf32>
      %abs3A = math.absf %select_n3A_1176 : vector<16xf32>
      %mul3A_1178 = arith.mulf %select_n3A_1176, %abs3A : vector<16xf32>
      %abs3A_1179 = math.absf %scan3A_1159 : vector<16xf32>
      %mul3A_1180 = arith.mulf %scan3A_1159, %abs3A_1179 : vector<16xf32>
      %mul3A_1181 = arith.mulf %mul3A_1178, %scan3A_1160 : vector<16xf32>
      %mul3A_1182 = arith.mulf %mul3A_1180, %select_n3A_1177 : vector<16xf32>
      %gt3A_1183 = arith.cmpf ogt, %mul3A_1181, %mul3A_1182 : vector<16xf32>
      %select_n3A_1184 = arith.select %gt3A_1183, %select_n3A_1176, %scan3A_1159 : vector<16xi1>, vector<16xf32>
      %select_n3A_1185 = arith.select %gt3A_1183, %select_n3A_1177, %scan3A_1160 : vector<16xi1>, vector<16xf32>
      %select_n3A_1186 = arith.select %gt3A_1183, %broadcast_in_dim3A_1174, %scan3A_1161 : vector<16xi1>, vector<16xi32>
      scf.yield %select_n3A_1184, %select_n3A_1185, %select_n3A_1186 : vector<16xf32>, vector<16xf32>, vector<16xi32>
    }
    %scan3A_825 = arith.constant 30 : i32
    %broadcast_in_dim3A_826 = arith.constant 1.000000e-16 : f32
    %broadcast_in_dim3A_827 = vector.broadcast %broadcast_in_dim3A_826 : f32 to vector<16xf32>
    %max3A_828 = arith.maximumf %scan3A_824#1, %broadcast_in_dim3A_827 : vector<16xf32>
    %bitcast_convert_type3A_829 = tpu.bitcast %max3A_828 : vector<16xf32> -> vector<16xi32>
    %broadcast_in_dim3A_830 = arith.constant 1597463007 : i32
    %broadcast_in_dim3A_831 = vector.broadcast %broadcast_in_dim3A_830 : i32 to vector<16xi32>
    %broadcast_in_dim3A_832 = arith.constant 1 : i32
    %broadcast_in_dim3A_833 = vector.broadcast %broadcast_in_dim3A_832 : i32 to vector<16xi32>
    %shift_right_logical3A_834 = arith.shrui %bitcast_convert_type3A_829, %broadcast_in_dim3A_833 : vector<16xi32>
    %sub3A_835 = arith.subi %broadcast_in_dim3A_831, %shift_right_logical3A_834 : vector<16xi32>
    %bitcast_convert_type3A_836 = tpu.bitcast %sub3A_835 : vector<16xi32> -> vector<16xf32>
    %broadcast_in_dim3A_837 = arith.constant 5.000000e-01 : f32
    %broadcast_in_dim3A_838 = vector.broadcast %broadcast_in_dim3A_837 : f32 to vector<16xf32>
    %broadcast_in_dim3A_839 = arith.constant 1.500000e+00 : f32
    %broadcast_in_dim3A_840 = vector.broadcast %broadcast_in_dim3A_839 : f32 to vector<16xf32>
    %mul3A_841 = arith.mulf %broadcast_in_dim3A_838, %max3A_828 : vector<16xf32>
    %mul3A_842 = arith.mulf %mul3A_841, %bitcast_convert_type3A_836 : vector<16xf32>
    %mul3A_843 = arith.mulf %mul3A_842, %bitcast_convert_type3A_836 : vector<16xf32>
    %sub3A_844 = arith.subf %broadcast_in_dim3A_840, %mul3A_843 : vector<16xf32>
    %mul3A_845 = arith.mulf %bitcast_convert_type3A_836, %sub3A_844 : vector<16xf32>
    %mul3A_846 = arith.mulf %broadcast_in_dim3A_838, %max3A_828 : vector<16xf32>
    %mul3A_847 = arith.mulf %mul3A_846, %mul3A_845 : vector<16xf32>
    %mul3A_848 = arith.mulf %mul3A_847, %mul3A_845 : vector<16xf32>
    %sub3A_849 = arith.subf %broadcast_in_dim3A_840, %mul3A_848 : vector<16xf32>
    %mul3A_850 = arith.mulf %mul3A_845, %sub3A_849 : vector<16xf32>
    %mul3A_851 = arith.mulf %broadcast_in_dim3A_838, %max3A_828 : vector<16xf32>
    %mul3A_852 = arith.mulf %mul3A_851, %mul3A_850 : vector<16xf32>
    %mul3A_853 = arith.mulf %mul3A_852, %mul3A_850 : vector<16xf32>
    %sub3A_854 = arith.subf %broadcast_in_dim3A_840, %mul3A_853 : vector<16xf32>
    %mul3A_855 = arith.mulf %mul3A_850, %sub3A_854 : vector<16xf32>
    %broadcast_in_dim3A_856 = arith.constant 1.000000e+08 : f32
    %broadcast_in_dim3A_857 = vector.broadcast %broadcast_in_dim3A_856 : f32 to vector<16xf32>
    %min3A_858 = arith.minimumf %mul3A_855, %broadcast_in_dim3A_857 : vector<16xf32>
    %mul3A_859 = arith.mulf %scan3A_824#0, %min3A_858 : vector<16xf32>
    %gt3A_860 = arith.cmpi sgt, %get3A_819, %broadcast_in_dim3A_45 : vector<16xi32>
    %add3A_861 = arith.constant 176 : i32
    %add3A_862 = arith.addi %mul3A_32, %add3A_861 : i32
    %broadcast_in_dim3A_863 = vector.broadcast %add3A_862 : i32 to vector<16xi32>
    %add3A_864 = arith.addi %iota3A, %broadcast_in_dim3A_863 : vector<16xi32>
    %select_n3A_865 = arith.select %gt3A_860, %mul3A_859, %broadcast_in_dim3A_43 : vector<16xi1>, vector<16xf32>
    %swap3A_866 = arith.constant 176 : index
    %swap3A_867 = tpu.vector_load %arg14[%swap3A_866] {strides = array<i32>} : memref<256xf32, #tpu.memory_space<vmem>>, vector<16xf32>,
    %swap3A_868 = vector.shape_cast %swap3A_867 : vector<16xf32> to vector<16xf32>
    %swap3A_869 = vector.shape_cast %select_n3A_865 : vector<16xf32> to vector<16xf32>
    tpu.vector_store %arg14[%swap3A_866], %swap3A_869 {strides = array<i32>} : memref<256xf32, #tpu.memory_space<vmem>>, vector<16xf32>,
    %add3A_870 = arith.addi %add3A_864, %scan3A_824#2 : vector<16xi32>
    %broadcast_in_dim3A_871 = arith.constant -1 : i32
    %broadcast_in_dim3A_872 = vector.broadcast %broadcast_in_dim3A_871 : i32 to vector<16xi32>
    %select_n3A_873 = arith.select %gt3A_860, %add3A_870, %broadcast_in_dim3A_872 : vector<16xi1>, vector<16xi32>
    %swap3A_874 = arith.constant 176 : index
    %swap3A_875 = tpu.vector_load %arg15[%swap3A_874] {strides = array<i32>} : memref<256xi32, #tpu.memory_space<vmem>>, vector<16xi32>,
    %swap3A_876 = vector.shape_cast %swap3A_875 : vector<16xi32> to vector<16xi32>
    %swap3A_877 = vector.shape_cast %select_n3A_873 : vector<16xi32> to vector<16xi32>
    tpu.vector_store %arg15[%swap3A_874], %swap3A_877 {strides = array<i32>} : memref<256xi32, #tpu.memory_space<vmem>>, vector<16xi32>,
    %get3A_878 = arith.constant 192 : index
    %get3A_879 = tpu.vector_load %arg9[%get3A_878] {strides = array<i32>} : memref<256xf32, #tpu.memory_space<vmem>>, vector<16xf32>,
    %get3A_880 = vector.shape_cast %get3A_879 : vector<16xf32> to vector<16xf32>
    %get3A_881 = arith.constant 192 : index
    %get3A_882 = tpu.vector_load %arg11[%get3A_881] {strides = array<i32>} : memref<288xf32, #tpu.memory_space<vmem>>, vector<16xf32>,
    %get3A_883 = vector.shape_cast %get3A_882 : vector<16xf32> to vector<16xf32>
    %get3A_884 = arith.constant 192 : index
    %get3A_885 = tpu.vector_load %arg12[%get3A_884] {strides = array<i32>} : memref<256xi32, #tpu.memory_space<vmem>>, vector<16xi32>,
    %get3A_886 = vector.shape_cast %get3A_885 : vector<16xi32> to vector<16xi32>
    %get3A_887 = arith.constant 192 : index
    %get3A_888 = tpu.vector_load %arg13[%get3A_887] {strides = array<i32>} : memref<256xi32, #tpu.memory_space<vmem>>, vector<16xi32>,
    %get3A_889 = vector.shape_cast %get3A_888 : vector<16xi32> to vector<16xi32>
    %scan3A_890 = arith.constant 0 : i32
    %scan3A_891 = arith.constant 30 : i32
    %scan3A_892 = arith.addi %scan3A_890, %scan3A_891 : i32
    %scan3A_893 = arith.constant 1 : i32
    %scan3A_894:3 = scf.for %scan3A_1158 = %scan3A_890 to %scan3A_892 step %scan3A_893 iter_args(%scan3A_1159 = %broadcast_in_dim3A_39, %scan3A_1160 = %broadcast_in_dim3A_41, %scan3A_1161 = %broadcast_in_dim3A_45) -> (vector<16xf32>, vector<16xf32>, vector<16xi32>)  : i32 {
      %add3A_1162 = arith.constant 192 : i32
      %add3A_1163 = arith.addi %add3A_1162, %scan3A_1158 : i32
      %get3A_1164 = arith.index_cast %add3A_1163 : i32 to index
      %get3A_1165 = tpu.vector_load %arg10[%get3A_1164] {strides = array<i32>} : memref<288xf32, #tpu.memory_space<vmem>>, vector<16xf32>,
      %get3A_1166 = vector.shape_cast %get3A_1165 : vector<16xf32> to vector<16xf32>
      %add3A_1167 = arith.constant 192 : i32
      %add3A_1168 = arith.addi %add3A_1167, %scan3A_1158 : i32
      %get3A_1169 = arith.index_cast %add3A_1168 : i32 to index
      %get3A_1170 = tpu.vector_load %arg11[%get3A_1169] {strides = array<i32>} : memref<288xf32, #tpu.memory_space<vmem>>, vector<16xf32>,
      %get3A_1171 = vector.shape_cast %get3A_1170 : vector<16xf32> to vector<16xf32>
      %add3A_1172 = arith.addf %get3A_880, %get3A_1166 : vector<16xf32>
      %add3A_1173 = arith.addf %get3A_883, %get3A_1171 : vector<16xf32>
      %broadcast_in_dim3A_1174 = vector.broadcast %scan3A_1158 : i32 to vector<16xi32>
      %gt3A_1175 = arith.cmpi sgt, %get3A_886, %broadcast_in_dim3A_1174 : vector<16xi32>
      %select_n3A_1176 = arith.select %gt3A_1175, %add3A_1172, %broadcast_in_dim3A_39 : vector<16xi1>, vector<16xf32>
      %select_n3A_1177 = arith.select %gt3A_1175, %add3A_1173, %broadcast_in_dim3A_41 : vector<16xi1>, vector<16xf32>
      %abs3A = math.absf %select_n3A_1176 : vector<16xf32>
      %mul3A_1178 = arith.mulf %select_n3A_1176, %abs3A : vector<16xf32>
      %abs3A_1179 = math.absf %scan3A_1159 : vector<16xf32>
      %mul3A_1180 = arith.mulf %scan3A_1159, %abs3A_1179 : vector<16xf32>
      %mul3A_1181 = arith.mulf %mul3A_1178, %scan3A_1160 : vector<16xf32>
      %mul3A_1182 = arith.mulf %mul3A_1180, %select_n3A_1177 : vector<16xf32>
      %gt3A_1183 = arith.cmpf ogt, %mul3A_1181, %mul3A_1182 : vector<16xf32>
      %select_n3A_1184 = arith.select %gt3A_1183, %select_n3A_1176, %scan3A_1159 : vector<16xi1>, vector<16xf32>
      %select_n3A_1185 = arith.select %gt3A_1183, %select_n3A_1177, %scan3A_1160 : vector<16xi1>, vector<16xf32>
      %select_n3A_1186 = arith.select %gt3A_1183, %broadcast_in_dim3A_1174, %scan3A_1161 : vector<16xi1>, vector<16xi32>
      scf.yield %select_n3A_1184, %select_n3A_1185, %select_n3A_1186 : vector<16xf32>, vector<16xf32>, vector<16xi32>
    }
    %scan3A_895 = arith.constant 30 : i32
    %broadcast_in_dim3A_896 = arith.constant 1.000000e-16 : f32
    %broadcast_in_dim3A_897 = vector.broadcast %broadcast_in_dim3A_896 : f32 to vector<16xf32>
    %max3A_898 = arith.maximumf %scan3A_894#1, %broadcast_in_dim3A_897 : vector<16xf32>
    %bitcast_convert_type3A_899 = tpu.bitcast %max3A_898 : vector<16xf32> -> vector<16xi32>
    %broadcast_in_dim3A_900 = arith.constant 1597463007 : i32
    %broadcast_in_dim3A_901 = vector.broadcast %broadcast_in_dim3A_900 : i32 to vector<16xi32>
    %broadcast_in_dim3A_902 = arith.constant 1 : i32
    %broadcast_in_dim3A_903 = vector.broadcast %broadcast_in_dim3A_902 : i32 to vector<16xi32>
    %shift_right_logical3A_904 = arith.shrui %bitcast_convert_type3A_899, %broadcast_in_dim3A_903 : vector<16xi32>
    %sub3A_905 = arith.subi %broadcast_in_dim3A_901, %shift_right_logical3A_904 : vector<16xi32>
    %bitcast_convert_type3A_906 = tpu.bitcast %sub3A_905 : vector<16xi32> -> vector<16xf32>
    %broadcast_in_dim3A_907 = arith.constant 5.000000e-01 : f32
    %broadcast_in_dim3A_908 = vector.broadcast %broadcast_in_dim3A_907 : f32 to vector<16xf32>
    %broadcast_in_dim3A_909 = arith.constant 1.500000e+00 : f32
    %broadcast_in_dim3A_910 = vector.broadcast %broadcast_in_dim3A_909 : f32 to vector<16xf32>
    %mul3A_911 = arith.mulf %broadcast_in_dim3A_908, %max3A_898 : vector<16xf32>
    %mul3A_912 = arith.mulf %mul3A_911, %bitcast_convert_type3A_906 : vector<16xf32>
    %mul3A_913 = arith.mulf %mul3A_912, %bitcast_convert_type3A_906 : vector<16xf32>
    %sub3A_914 = arith.subf %broadcast_in_dim3A_910, %mul3A_913 : vector<16xf32>
    %mul3A_915 = arith.mulf %bitcast_convert_type3A_906, %sub3A_914 : vector<16xf32>
    %mul3A_916 = arith.mulf %broadcast_in_dim3A_908, %max3A_898 : vector<16xf32>
    %mul3A_917 = arith.mulf %mul3A_916, %mul3A_915 : vector<16xf32>
    %mul3A_918 = arith.mulf %mul3A_917, %mul3A_915 : vector<16xf32>
    %sub3A_919 = arith.subf %broadcast_in_dim3A_910, %mul3A_918 : vector<16xf32>
    %mul3A_920 = arith.mulf %mul3A_915, %sub3A_919 : vector<16xf32>
    %mul3A_921 = arith.mulf %broadcast_in_dim3A_908, %max3A_898 : vector<16xf32>
    %mul3A_922 = arith.mulf %mul3A_921, %mul3A_920 : vector<16xf32>
    %mul3A_923 = arith.mulf %mul3A_922, %mul3A_920 : vector<16xf32>
    %sub3A_924 = arith.subf %broadcast_in_dim3A_910, %mul3A_923 : vector<16xf32>
    %mul3A_925 = arith.mulf %mul3A_920, %sub3A_924 : vector<16xf32>
    %broadcast_in_dim3A_926 = arith.constant 1.000000e+08 : f32
    %broadcast_in_dim3A_927 = vector.broadcast %broadcast_in_dim3A_926 : f32 to vector<16xf32>
    %min3A_928 = arith.minimumf %mul3A_925, %broadcast_in_dim3A_927 : vector<16xf32>
    %mul3A_929 = arith.mulf %scan3A_894#0, %min3A_928 : vector<16xf32>
    %gt3A_930 = arith.cmpi sgt, %get3A_889, %broadcast_in_dim3A_45 : vector<16xi32>
    %add3A_931 = arith.constant 192 : i32
    %add3A_932 = arith.addi %mul3A_32, %add3A_931 : i32
    %broadcast_in_dim3A_933 = vector.broadcast %add3A_932 : i32 to vector<16xi32>
    %add3A_934 = arith.addi %iota3A, %broadcast_in_dim3A_933 : vector<16xi32>
    %select_n3A_935 = arith.select %gt3A_930, %mul3A_929, %broadcast_in_dim3A_43 : vector<16xi1>, vector<16xf32>
    %swap3A_936 = arith.constant 192 : index
    %swap3A_937 = tpu.vector_load %arg14[%swap3A_936] {strides = array<i32>} : memref<256xf32, #tpu.memory_space<vmem>>, vector<16xf32>,
    %swap3A_938 = vector.shape_cast %swap3A_937 : vector<16xf32> to vector<16xf32>
    %swap3A_939 = vector.shape_cast %select_n3A_935 : vector<16xf32> to vector<16xf32>
    tpu.vector_store %arg14[%swap3A_936], %swap3A_939 {strides = array<i32>} : memref<256xf32, #tpu.memory_space<vmem>>, vector<16xf32>,
    %add3A_940 = arith.addi %add3A_934, %scan3A_894#2 : vector<16xi32>
    %broadcast_in_dim3A_941 = arith.constant -1 : i32
    %broadcast_in_dim3A_942 = vector.broadcast %broadcast_in_dim3A_941 : i32 to vector<16xi32>
    %select_n3A_943 = arith.select %gt3A_930, %add3A_940, %broadcast_in_dim3A_942 : vector<16xi1>, vector<16xi32>
    %swap3A_944 = arith.constant 192 : index
    %swap3A_945 = tpu.vector_load %arg15[%swap3A_944] {strides = array<i32>} : memref<256xi32, #tpu.memory_space<vmem>>, vector<16xi32>,
    %swap3A_946 = vector.shape_cast %swap3A_945 : vector<16xi32> to vector<16xi32>
    %swap3A_947 = vector.shape_cast %select_n3A_943 : vector<16xi32> to vector<16xi32>
    tpu.vector_store %arg15[%swap3A_944], %swap3A_947 {strides = array<i32>} : memref<256xi32, #tpu.memory_space<vmem>>, vector<16xi32>,
    %get3A_948 = arith.constant 208 : index
    %get3A_949 = tpu.vector_load %arg9[%get3A_948] {strides = array<i32>} : memref<256xf32, #tpu.memory_space<vmem>>, vector<16xf32>,
    %get3A_950 = vector.shape_cast %get3A_949 : vector<16xf32> to vector<16xf32>
    %get3A_951 = arith.constant 208 : index
    %get3A_952 = tpu.vector_load %arg11[%get3A_951] {strides = array<i32>} : memref<288xf32, #tpu.memory_space<vmem>>, vector<16xf32>,
    %get3A_953 = vector.shape_cast %get3A_952 : vector<16xf32> to vector<16xf32>
    %get3A_954 = arith.constant 208 : index
    %get3A_955 = tpu.vector_load %arg12[%get3A_954] {strides = array<i32>} : memref<256xi32, #tpu.memory_space<vmem>>, vector<16xi32>,
    %get3A_956 = vector.shape_cast %get3A_955 : vector<16xi32> to vector<16xi32>
    %get3A_957 = arith.constant 208 : index
    %get3A_958 = tpu.vector_load %arg13[%get3A_957] {strides = array<i32>} : memref<256xi32, #tpu.memory_space<vmem>>, vector<16xi32>,
    %get3A_959 = vector.shape_cast %get3A_958 : vector<16xi32> to vector<16xi32>
    %scan3A_960 = arith.constant 0 : i32
    %scan3A_961 = arith.constant 30 : i32
    %scan3A_962 = arith.addi %scan3A_960, %scan3A_961 : i32
    %scan3A_963 = arith.constant 1 : i32
    %scan3A_964:3 = scf.for %scan3A_1158 = %scan3A_960 to %scan3A_962 step %scan3A_963 iter_args(%scan3A_1159 = %broadcast_in_dim3A_39, %scan3A_1160 = %broadcast_in_dim3A_41, %scan3A_1161 = %broadcast_in_dim3A_45) -> (vector<16xf32>, vector<16xf32>, vector<16xi32>)  : i32 {
      %add3A_1162 = arith.constant 208 : i32
      %add3A_1163 = arith.addi %add3A_1162, %scan3A_1158 : i32
      %get3A_1164 = arith.index_cast %add3A_1163 : i32 to index
      %get3A_1165 = tpu.vector_load %arg10[%get3A_1164] {strides = array<i32>} : memref<288xf32, #tpu.memory_space<vmem>>, vector<16xf32>,
      %get3A_1166 = vector.shape_cast %get3A_1165 : vector<16xf32> to vector<16xf32>
      %add3A_1167 = arith.constant 208 : i32
      %add3A_1168 = arith.addi %add3A_1167, %scan3A_1158 : i32
      %get3A_1169 = arith.index_cast %add3A_1168 : i32 to index
      %get3A_1170 = tpu.vector_load %arg11[%get3A_1169] {strides = array<i32>} : memref<288xf32, #tpu.memory_space<vmem>>, vector<16xf32>,
      %get3A_1171 = vector.shape_cast %get3A_1170 : vector<16xf32> to vector<16xf32>
      %add3A_1172 = arith.addf %get3A_950, %get3A_1166 : vector<16xf32>
      %add3A_1173 = arith.addf %get3A_953, %get3A_1171 : vector<16xf32>
      %broadcast_in_dim3A_1174 = vector.broadcast %scan3A_1158 : i32 to vector<16xi32>
      %gt3A_1175 = arith.cmpi sgt, %get3A_956, %broadcast_in_dim3A_1174 : vector<16xi32>
      %select_n3A_1176 = arith.select %gt3A_1175, %add3A_1172, %broadcast_in_dim3A_39 : vector<16xi1>, vector<16xf32>
      %select_n3A_1177 = arith.select %gt3A_1175, %add3A_1173, %broadcast_in_dim3A_41 : vector<16xi1>, vector<16xf32>
      %abs3A = math.absf %select_n3A_1176 : vector<16xf32>
      %mul3A_1178 = arith.mulf %select_n3A_1176, %abs3A : vector<16xf32>
      %abs3A_1179 = math.absf %scan3A_1159 : vector<16xf32>
      %mul3A_1180 = arith.mulf %scan3A_1159, %abs3A_1179 : vector<16xf32>
      %mul3A_1181 = arith.mulf %mul3A_1178, %scan3A_1160 : vector<16xf32>
      %mul3A_1182 = arith.mulf %mul3A_1180, %select_n3A_1177 : vector<16xf32>
      %gt3A_1183 = arith.cmpf ogt, %mul3A_1181, %mul3A_1182 : vector<16xf32>
      %select_n3A_1184 = arith.select %gt3A_1183, %select_n3A_1176, %scan3A_1159 : vector<16xi1>, vector<16xf32>
      %select_n3A_1185 = arith.select %gt3A_1183, %select_n3A_1177, %scan3A_1160 : vector<16xi1>, vector<16xf32>
      %select_n3A_1186 = arith.select %gt3A_1183, %broadcast_in_dim3A_1174, %scan3A_1161 : vector<16xi1>, vector<16xi32>
      scf.yield %select_n3A_1184, %select_n3A_1185, %select_n3A_1186 : vector<16xf32>, vector<16xf32>, vector<16xi32>
    }
    %scan3A_965 = arith.constant 30 : i32
    %broadcast_in_dim3A_966 = arith.constant 1.000000e-16 : f32
    %broadcast_in_dim3A_967 = vector.broadcast %broadcast_in_dim3A_966 : f32 to vector<16xf32>
    %max3A_968 = arith.maximumf %scan3A_964#1, %broadcast_in_dim3A_967 : vector<16xf32>
    %bitcast_convert_type3A_969 = tpu.bitcast %max3A_968 : vector<16xf32> -> vector<16xi32>
    %broadcast_in_dim3A_970 = arith.constant 1597463007 : i32
    %broadcast_in_dim3A_971 = vector.broadcast %broadcast_in_dim3A_970 : i32 to vector<16xi32>
    %broadcast_in_dim3A_972 = arith.constant 1 : i32
    %broadcast_in_dim3A_973 = vector.broadcast %broadcast_in_dim3A_972 : i32 to vector<16xi32>
    %shift_right_logical3A_974 = arith.shrui %bitcast_convert_type3A_969, %broadcast_in_dim3A_973 : vector<16xi32>
    %sub3A_975 = arith.subi %broadcast_in_dim3A_971, %shift_right_logical3A_974 : vector<16xi32>
    %bitcast_convert_type3A_976 = tpu.bitcast %sub3A_975 : vector<16xi32> -> vector<16xf32>
    %broadcast_in_dim3A_977 = arith.constant 5.000000e-01 : f32
    %broadcast_in_dim3A_978 = vector.broadcast %broadcast_in_dim3A_977 : f32 to vector<16xf32>
    %broadcast_in_dim3A_979 = arith.constant 1.500000e+00 : f32
    %broadcast_in_dim3A_980 = vector.broadcast %broadcast_in_dim3A_979 : f32 to vector<16xf32>
    %mul3A_981 = arith.mulf %broadcast_in_dim3A_978, %max3A_968 : vector<16xf32>
    %mul3A_982 = arith.mulf %mul3A_981, %bitcast_convert_type3A_976 : vector<16xf32>
    %mul3A_983 = arith.mulf %mul3A_982, %bitcast_convert_type3A_976 : vector<16xf32>
    %sub3A_984 = arith.subf %broadcast_in_dim3A_980, %mul3A_983 : vector<16xf32>
    %mul3A_985 = arith.mulf %bitcast_convert_type3A_976, %sub3A_984 : vector<16xf32>
    %mul3A_986 = arith.mulf %broadcast_in_dim3A_978, %max3A_968 : vector<16xf32>
    %mul3A_987 = arith.mulf %mul3A_986, %mul3A_985 : vector<16xf32>
    %mul3A_988 = arith.mulf %mul3A_987, %mul3A_985 : vector<16xf32>
    %sub3A_989 = arith.subf %broadcast_in_dim3A_980, %mul3A_988 : vector<16xf32>
    %mul3A_990 = arith.mulf %mul3A_985, %sub3A_989 : vector<16xf32>
    %mul3A_991 = arith.mulf %broadcast_in_dim3A_978, %max3A_968 : vector<16xf32>
    %mul3A_992 = arith.mulf %mul3A_991, %mul3A_990 : vector<16xf32>
    %mul3A_993 = arith.mulf %mul3A_992, %mul3A_990 : vector<16xf32>
    %sub3A_994 = arith.subf %broadcast_in_dim3A_980, %mul3A_993 : vector<16xf32>
    %mul3A_995 = arith.mulf %mul3A_990, %sub3A_994 : vector<16xf32>
    %broadcast_in_dim3A_996 = arith.constant 1.000000e+08 : f32
    %broadcast_in_dim3A_997 = vector.broadcast %broadcast_in_dim3A_996 : f32 to vector<16xf32>
    %min3A_998 = arith.minimumf %mul3A_995, %broadcast_in_dim3A_997 : vector<16xf32>
    %mul3A_999 = arith.mulf %scan3A_964#0, %min3A_998 : vector<16xf32>
    %gt3A_1000 = arith.cmpi sgt, %get3A_959, %broadcast_in_dim3A_45 : vector<16xi32>
    %add3A_1001 = arith.constant 208 : i32
    %add3A_1002 = arith.addi %mul3A_32, %add3A_1001 : i32
    %broadcast_in_dim3A_1003 = vector.broadcast %add3A_1002 : i32 to vector<16xi32>
    %add3A_1004 = arith.addi %iota3A, %broadcast_in_dim3A_1003 : vector<16xi32>
    %select_n3A_1005 = arith.select %gt3A_1000, %mul3A_999, %broadcast_in_dim3A_43 : vector<16xi1>, vector<16xf32>
    %swap3A_1006 = arith.constant 208 : index
    %swap3A_1007 = tpu.vector_load %arg14[%swap3A_1006] {strides = array<i32>} : memref<256xf32, #tpu.memory_space<vmem>>, vector<16xf32>,
    %swap3A_1008 = vector.shape_cast %swap3A_1007 : vector<16xf32> to vector<16xf32>
    %swap3A_1009 = vector.shape_cast %select_n3A_1005 : vector<16xf32> to vector<16xf32>
    tpu.vector_store %arg14[%swap3A_1006], %swap3A_1009 {strides = array<i32>} : memref<256xf32, #tpu.memory_space<vmem>>, vector<16xf32>,
    %add3A_1010 = arith.addi %add3A_1004, %scan3A_964#2 : vector<16xi32>
    %broadcast_in_dim3A_1011 = arith.constant -1 : i32
    %broadcast_in_dim3A_1012 = vector.broadcast %broadcast_in_dim3A_1011 : i32 to vector<16xi32>
    %select_n3A_1013 = arith.select %gt3A_1000, %add3A_1010, %broadcast_in_dim3A_1012 : vector<16xi1>, vector<16xi32>
    %swap3A_1014 = arith.constant 208 : index
    %swap3A_1015 = tpu.vector_load %arg15[%swap3A_1014] {strides = array<i32>} : memref<256xi32, #tpu.memory_space<vmem>>, vector<16xi32>,
    %swap3A_1016 = vector.shape_cast %swap3A_1015 : vector<16xi32> to vector<16xi32>
    %swap3A_1017 = vector.shape_cast %select_n3A_1013 : vector<16xi32> to vector<16xi32>
    tpu.vector_store %arg15[%swap3A_1014], %swap3A_1017 {strides = array<i32>} : memref<256xi32, #tpu.memory_space<vmem>>, vector<16xi32>,
    %get3A_1018 = arith.constant 224 : index
    %get3A_1019 = tpu.vector_load %arg9[%get3A_1018] {strides = array<i32>} : memref<256xf32, #tpu.memory_space<vmem>>, vector<16xf32>,
    %get3A_1020 = vector.shape_cast %get3A_1019 : vector<16xf32> to vector<16xf32>
    %get3A_1021 = arith.constant 224 : index
    %get3A_1022 = tpu.vector_load %arg11[%get3A_1021] {strides = array<i32>} : memref<288xf32, #tpu.memory_space<vmem>>, vector<16xf32>,
    %get3A_1023 = vector.shape_cast %get3A_1022 : vector<16xf32> to vector<16xf32>
    %get3A_1024 = arith.constant 224 : index
    %get3A_1025 = tpu.vector_load %arg12[%get3A_1024] {strides = array<i32>} : memref<256xi32, #tpu.memory_space<vmem>>, vector<16xi32>,
    %get3A_1026 = vector.shape_cast %get3A_1025 : vector<16xi32> to vector<16xi32>
    %get3A_1027 = arith.constant 224 : index
    %get3A_1028 = tpu.vector_load %arg13[%get3A_1027] {strides = array<i32>} : memref<256xi32, #tpu.memory_space<vmem>>, vector<16xi32>,
    %get3A_1029 = vector.shape_cast %get3A_1028 : vector<16xi32> to vector<16xi32>
    %scan3A_1030 = arith.constant 0 : i32
    %scan3A_1031 = arith.constant 30 : i32
    %scan3A_1032 = arith.addi %scan3A_1030, %scan3A_1031 : i32
    %scan3A_1033 = arith.constant 1 : i32
    %scan3A_1034:3 = scf.for %scan3A_1158 = %scan3A_1030 to %scan3A_1032 step %scan3A_1033 iter_args(%scan3A_1159 = %broadcast_in_dim3A_39, %scan3A_1160 = %broadcast_in_dim3A_41, %scan3A_1161 = %broadcast_in_dim3A_45) -> (vector<16xf32>, vector<16xf32>, vector<16xi32>)  : i32 {
      %add3A_1162 = arith.constant 224 : i32
      %add3A_1163 = arith.addi %add3A_1162, %scan3A_1158 : i32
      %get3A_1164 = arith.index_cast %add3A_1163 : i32 to index
      %get3A_1165 = tpu.vector_load %arg10[%get3A_1164] {strides = array<i32>} : memref<288xf32, #tpu.memory_space<vmem>>, vector<16xf32>,
      %get3A_1166 = vector.shape_cast %get3A_1165 : vector<16xf32> to vector<16xf32>
      %add3A_1167 = arith.constant 224 : i32
      %add3A_1168 = arith.addi %add3A_1167, %scan3A_1158 : i32
      %get3A_1169 = arith.index_cast %add3A_1168 : i32 to index
      %get3A_1170 = tpu.vector_load %arg11[%get3A_1169] {strides = array<i32>} : memref<288xf32, #tpu.memory_space<vmem>>, vector<16xf32>,
      %get3A_1171 = vector.shape_cast %get3A_1170 : vector<16xf32> to vector<16xf32>
      %add3A_1172 = arith.addf %get3A_1020, %get3A_1166 : vector<16xf32>
      %add3A_1173 = arith.addf %get3A_1023, %get3A_1171 : vector<16xf32>
      %broadcast_in_dim3A_1174 = vector.broadcast %scan3A_1158 : i32 to vector<16xi32>
      %gt3A_1175 = arith.cmpi sgt, %get3A_1026, %broadcast_in_dim3A_1174 : vector<16xi32>
      %select_n3A_1176 = arith.select %gt3A_1175, %add3A_1172, %broadcast_in_dim3A_39 : vector<16xi1>, vector<16xf32>
      %select_n3A_1177 = arith.select %gt3A_1175, %add3A_1173, %broadcast_in_dim3A_41 : vector<16xi1>, vector<16xf32>
      %abs3A = math.absf %select_n3A_1176 : vector<16xf32>
      %mul3A_1178 = arith.mulf %select_n3A_1176, %abs3A : vector<16xf32>
      %abs3A_1179 = math.absf %scan3A_1159 : vector<16xf32>
      %mul3A_1180 = arith.mulf %scan3A_1159, %abs3A_1179 : vector<16xf32>
      %mul3A_1181 = arith.mulf %mul3A_1178, %scan3A_1160 : vector<16xf32>
      %mul3A_1182 = arith.mulf %mul3A_1180, %select_n3A_1177 : vector<16xf32>
      %gt3A_1183 = arith.cmpf ogt, %mul3A_1181, %mul3A_1182 : vector<16xf32>
      %select_n3A_1184 = arith.select %gt3A_1183, %select_n3A_1176, %scan3A_1159 : vector<16xi1>, vector<16xf32>
      %select_n3A_1185 = arith.select %gt3A_1183, %select_n3A_1177, %scan3A_1160 : vector<16xi1>, vector<16xf32>
      %select_n3A_1186 = arith.select %gt3A_1183, %broadcast_in_dim3A_1174, %scan3A_1161 : vector<16xi1>, vector<16xi32>
      scf.yield %select_n3A_1184, %select_n3A_1185, %select_n3A_1186 : vector<16xf32>, vector<16xf32>, vector<16xi32>
    }
    %scan3A_1035 = arith.constant 30 : i32
    %broadcast_in_dim3A_1036 = arith.constant 1.000000e-16 : f32
    %broadcast_in_dim3A_1037 = vector.broadcast %broadcast_in_dim3A_1036 : f32 to vector<16xf32>
    %max3A_1038 = arith.maximumf %scan3A_1034#1, %broadcast_in_dim3A_1037 : vector<16xf32>
    %bitcast_convert_type3A_1039 = tpu.bitcast %max3A_1038 : vector<16xf32> -> vector<16xi32>
    %broadcast_in_dim3A_1040 = arith.constant 1597463007 : i32
    %broadcast_in_dim3A_1041 = vector.broadcast %broadcast_in_dim3A_1040 : i32 to vector<16xi32>
    %broadcast_in_dim3A_1042 = arith.constant 1 : i32
    %broadcast_in_dim3A_1043 = vector.broadcast %broadcast_in_dim3A_1042 : i32 to vector<16xi32>
    %shift_right_logical3A_1044 = arith.shrui %bitcast_convert_type3A_1039, %broadcast_in_dim3A_1043 : vector<16xi32>
    %sub3A_1045 = arith.subi %broadcast_in_dim3A_1041, %shift_right_logical3A_1044 : vector<16xi32>
    %bitcast_convert_type3A_1046 = tpu.bitcast %sub3A_1045 : vector<16xi32> -> vector<16xf32>
    %broadcast_in_dim3A_1047 = arith.constant 5.000000e-01 : f32
    %broadcast_in_dim3A_1048 = vector.broadcast %broadcast_in_dim3A_1047 : f32 to vector<16xf32>
    %broadcast_in_dim3A_1049 = arith.constant 1.500000e+00 : f32
    %broadcast_in_dim3A_1050 = vector.broadcast %broadcast_in_dim3A_1049 : f32 to vector<16xf32>
    %mul3A_1051 = arith.mulf %broadcast_in_dim3A_1048, %max3A_1038 : vector<16xf32>
    %mul3A_1052 = arith.mulf %mul3A_1051, %bitcast_convert_type3A_1046 : vector<16xf32>
    %mul3A_1053 = arith.mulf %mul3A_1052, %bitcast_convert_type3A_1046 : vector<16xf32>
    %sub3A_1054 = arith.subf %broadcast_in_dim3A_1050, %mul3A_1053 : vector<16xf32>
    %mul3A_1055 = arith.mulf %bitcast_convert_type3A_1046, %sub3A_1054 : vector<16xf32>
    %mul3A_1056 = arith.mulf %broadcast_in_dim3A_1048, %max3A_1038 : vector<16xf32>
    %mul3A_1057 = arith.mulf %mul3A_1056, %mul3A_1055 : vector<16xf32>
    %mul3A_1058 = arith.mulf %mul3A_1057, %mul3A_1055 : vector<16xf32>
    %sub3A_1059 = arith.subf %broadcast_in_dim3A_1050, %mul3A_1058 : vector<16xf32>
    %mul3A_1060 = arith.mulf %mul3A_1055, %sub3A_1059 : vector<16xf32>
    %mul3A_1061 = arith.mulf %broadcast_in_dim3A_1048, %max3A_1038 : vector<16xf32>
    %mul3A_1062 = arith.mulf %mul3A_1061, %mul3A_1060 : vector<16xf32>
    %mul3A_1063 = arith.mulf %mul3A_1062, %mul3A_1060 : vector<16xf32>
    %sub3A_1064 = arith.subf %broadcast_in_dim3A_1050, %mul3A_1063 : vector<16xf32>
    %mul3A_1065 = arith.mulf %mul3A_1060, %sub3A_1064 : vector<16xf32>
    %broadcast_in_dim3A_1066 = arith.constant 1.000000e+08 : f32
    %broadcast_in_dim3A_1067 = vector.broadcast %broadcast_in_dim3A_1066 : f32 to vector<16xf32>
    %min3A_1068 = arith.minimumf %mul3A_1065, %broadcast_in_dim3A_1067 : vector<16xf32>
    %mul3A_1069 = arith.mulf %scan3A_1034#0, %min3A_1068 : vector<16xf32>
    %gt3A_1070 = arith.cmpi sgt, %get3A_1029, %broadcast_in_dim3A_45 : vector<16xi32>
    %add3A_1071 = arith.constant 224 : i32
    %add3A_1072 = arith.addi %mul3A_32, %add3A_1071 : i32
    %broadcast_in_dim3A_1073 = vector.broadcast %add3A_1072 : i32 to vector<16xi32>
    %add3A_1074 = arith.addi %iota3A, %broadcast_in_dim3A_1073 : vector<16xi32>
    %select_n3A_1075 = arith.select %gt3A_1070, %mul3A_1069, %broadcast_in_dim3A_43 : vector<16xi1>, vector<16xf32>
    %swap3A_1076 = arith.constant 224 : index
    %swap3A_1077 = tpu.vector_load %arg14[%swap3A_1076] {strides = array<i32>} : memref<256xf32, #tpu.memory_space<vmem>>, vector<16xf32>,
    %swap3A_1078 = vector.shape_cast %swap3A_1077 : vector<16xf32> to vector<16xf32>
    %swap3A_1079 = vector.shape_cast %select_n3A_1075 : vector<16xf32> to vector<16xf32>
    tpu.vector_store %arg14[%swap3A_1076], %swap3A_1079 {strides = array<i32>} : memref<256xf32, #tpu.memory_space<vmem>>, vector<16xf32>,
    %add3A_1080 = arith.addi %add3A_1074, %scan3A_1034#2 : vector<16xi32>
    %broadcast_in_dim3A_1081 = arith.constant -1 : i32
    %broadcast_in_dim3A_1082 = vector.broadcast %broadcast_in_dim3A_1081 : i32 to vector<16xi32>
    %select_n3A_1083 = arith.select %gt3A_1070, %add3A_1080, %broadcast_in_dim3A_1082 : vector<16xi1>, vector<16xi32>
    %swap3A_1084 = arith.constant 224 : index
    %swap3A_1085 = tpu.vector_load %arg15[%swap3A_1084] {strides = array<i32>} : memref<256xi32, #tpu.memory_space<vmem>>, vector<16xi32>,
    %swap3A_1086 = vector.shape_cast %swap3A_1085 : vector<16xi32> to vector<16xi32>
    %swap3A_1087 = vector.shape_cast %select_n3A_1083 : vector<16xi32> to vector<16xi32>
    tpu.vector_store %arg15[%swap3A_1084], %swap3A_1087 {strides = array<i32>} : memref<256xi32, #tpu.memory_space<vmem>>, vector<16xi32>,
    %get3A_1088 = arith.constant 240 : index
    %get3A_1089 = tpu.vector_load %arg9[%get3A_1088] {strides = array<i32>} : memref<256xf32, #tpu.memory_space<vmem>>, vector<16xf32>,
    %get3A_1090 = vector.shape_cast %get3A_1089 : vector<16xf32> to vector<16xf32>
    %get3A_1091 = arith.constant 240 : index
    %get3A_1092 = tpu.vector_load %arg11[%get3A_1091] {strides = array<i32>} : memref<288xf32, #tpu.memory_space<vmem>>, vector<16xf32>,
    %get3A_1093 = vector.shape_cast %get3A_1092 : vector<16xf32> to vector<16xf32>
    %get3A_1094 = arith.constant 240 : index
    %get3A_1095 = tpu.vector_load %arg12[%get3A_1094] {strides = array<i32>} : memref<256xi32, #tpu.memory_space<vmem>>, vector<16xi32>,
    %get3A_1096 = vector.shape_cast %get3A_1095 : vector<16xi32> to vector<16xi32>
    %get3A_1097 = arith.constant 240 : index
    %get3A_1098 = tpu.vector_load %arg13[%get3A_1097] {strides = array<i32>} : memref<256xi32, #tpu.memory_space<vmem>>, vector<16xi32>,
    %get3A_1099 = vector.shape_cast %get3A_1098 : vector<16xi32> to vector<16xi32>
    %scan3A_1100 = arith.constant 0 : i32
    %scan3A_1101 = arith.constant 30 : i32
    %scan3A_1102 = arith.addi %scan3A_1100, %scan3A_1101 : i32
    %scan3A_1103 = arith.constant 1 : i32
    %scan3A_1104:3 = scf.for %scan3A_1158 = %scan3A_1100 to %scan3A_1102 step %scan3A_1103 iter_args(%scan3A_1159 = %broadcast_in_dim3A_39, %scan3A_1160 = %broadcast_in_dim3A_41, %scan3A_1161 = %broadcast_in_dim3A_45) -> (vector<16xf32>, vector<16xf32>, vector<16xi32>)  : i32 {
      %add3A_1162 = arith.constant 240 : i32
      %add3A_1163 = arith.addi %add3A_1162, %scan3A_1158 : i32
      %get3A_1164 = arith.index_cast %add3A_1163 : i32 to index
      %get3A_1165 = tpu.vector_load %arg10[%get3A_1164] {strides = array<i32>} : memref<288xf32, #tpu.memory_space<vmem>>, vector<16xf32>,
      %get3A_1166 = vector.shape_cast %get3A_1165 : vector<16xf32> to vector<16xf32>
      %add3A_1167 = arith.constant 240 : i32
      %add3A_1168 = arith.addi %add3A_1167, %scan3A_1158 : i32
      %get3A_1169 = arith.index_cast %add3A_1168 : i32 to index
      %get3A_1170 = tpu.vector_load %arg11[%get3A_1169] {strides = array<i32>} : memref<288xf32, #tpu.memory_space<vmem>>, vector<16xf32>,
      %get3A_1171 = vector.shape_cast %get3A_1170 : vector<16xf32> to vector<16xf32>
      %add3A_1172 = arith.addf %get3A_1090, %get3A_1166 : vector<16xf32>
      %add3A_1173 = arith.addf %get3A_1093, %get3A_1171 : vector<16xf32>
      %broadcast_in_dim3A_1174 = vector.broadcast %scan3A_1158 : i32 to vector<16xi32>
      %gt3A_1175 = arith.cmpi sgt, %get3A_1096, %broadcast_in_dim3A_1174 : vector<16xi32>
      %select_n3A_1176 = arith.select %gt3A_1175, %add3A_1172, %broadcast_in_dim3A_39 : vector<16xi1>, vector<16xf32>
      %select_n3A_1177 = arith.select %gt3A_1175, %add3A_1173, %broadcast_in_dim3A_41 : vector<16xi1>, vector<16xf32>
      %abs3A = math.absf %select_n3A_1176 : vector<16xf32>
      %mul3A_1178 = arith.mulf %select_n3A_1176, %abs3A : vector<16xf32>
      %abs3A_1179 = math.absf %scan3A_1159 : vector<16xf32>
      %mul3A_1180 = arith.mulf %scan3A_1159, %abs3A_1179 : vector<16xf32>
      %mul3A_1181 = arith.mulf %mul3A_1178, %scan3A_1160 : vector<16xf32>
      %mul3A_1182 = arith.mulf %mul3A_1180, %select_n3A_1177 : vector<16xf32>
      %gt3A_1183 = arith.cmpf ogt, %mul3A_1181, %mul3A_1182 : vector<16xf32>
      %select_n3A_1184 = arith.select %gt3A_1183, %select_n3A_1176, %scan3A_1159 : vector<16xi1>, vector<16xf32>
      %select_n3A_1185 = arith.select %gt3A_1183, %select_n3A_1177, %scan3A_1160 : vector<16xi1>, vector<16xf32>
      %select_n3A_1186 = arith.select %gt3A_1183, %broadcast_in_dim3A_1174, %scan3A_1161 : vector<16xi1>, vector<16xi32>
      scf.yield %select_n3A_1184, %select_n3A_1185, %select_n3A_1186 : vector<16xf32>, vector<16xf32>, vector<16xi32>
    }
    %scan3A_1105 = arith.constant 30 : i32
    %broadcast_in_dim3A_1106 = arith.constant 1.000000e-16 : f32
    %broadcast_in_dim3A_1107 = vector.broadcast %broadcast_in_dim3A_1106 : f32 to vector<16xf32>
    %max3A_1108 = arith.maximumf %scan3A_1104#1, %broadcast_in_dim3A_1107 : vector<16xf32>
    %bitcast_convert_type3A_1109 = tpu.bitcast %max3A_1108 : vector<16xf32> -> vector<16xi32>
    %broadcast_in_dim3A_1110 = arith.constant 1597463007 : i32
    %broadcast_in_dim3A_1111 = vector.broadcast %broadcast_in_dim3A_1110 : i32 to vector<16xi32>
    %broadcast_in_dim3A_1112 = arith.constant 1 : i32
    %broadcast_in_dim3A_1113 = vector.broadcast %broadcast_in_dim3A_1112 : i32 to vector<16xi32>
    %shift_right_logical3A_1114 = arith.shrui %bitcast_convert_type3A_1109, %broadcast_in_dim3A_1113 : vector<16xi32>
    %sub3A_1115 = arith.subi %broadcast_in_dim3A_1111, %shift_right_logical3A_1114 : vector<16xi32>
    %bitcast_convert_type3A_1116 = tpu.bitcast %sub3A_1115 : vector<16xi32> -> vector<16xf32>
    %broadcast_in_dim3A_1117 = arith.constant 5.000000e-01 : f32
    %broadcast_in_dim3A_1118 = vector.broadcast %broadcast_in_dim3A_1117 : f32 to vector<16xf32>
    %broadcast_in_dim3A_1119 = arith.constant 1.500000e+00 : f32
    %broadcast_in_dim3A_1120 = vector.broadcast %broadcast_in_dim3A_1119 : f32 to vector<16xf32>
    %mul3A_1121 = arith.mulf %broadcast_in_dim3A_1118, %max3A_1108 : vector<16xf32>
    %mul3A_1122 = arith.mulf %mul3A_1121, %bitcast_convert_type3A_1116 : vector<16xf32>
    %mul3A_1123 = arith.mulf %mul3A_1122, %bitcast_convert_type3A_1116 : vector<16xf32>
    %sub3A_1124 = arith.subf %broadcast_in_dim3A_1120, %mul3A_1123 : vector<16xf32>
    %mul3A_1125 = arith.mulf %bitcast_convert_type3A_1116, %sub3A_1124 : vector<16xf32>
    %mul3A_1126 = arith.mulf %broadcast_in_dim3A_1118, %max3A_1108 : vector<16xf32>
    %mul3A_1127 = arith.mulf %mul3A_1126, %mul3A_1125 : vector<16xf32>
    %mul3A_1128 = arith.mulf %mul3A_1127, %mul3A_1125 : vector<16xf32>
    %sub3A_1129 = arith.subf %broadcast_in_dim3A_1120, %mul3A_1128 : vector<16xf32>
    %mul3A_1130 = arith.mulf %mul3A_1125, %sub3A_1129 : vector<16xf32>
    %mul3A_1131 = arith.mulf %broadcast_in_dim3A_1118, %max3A_1108 : vector<16xf32>
    %mul3A_1132 = arith.mulf %mul3A_1131, %mul3A_1130 : vector<16xf32>
    %mul3A_1133 = arith.mulf %mul3A_1132, %mul3A_1130 : vector<16xf32>
    %sub3A_1134 = arith.subf %broadcast_in_dim3A_1120, %mul3A_1133 : vector<16xf32>
    %mul3A_1135 = arith.mulf %mul3A_1130, %sub3A_1134 : vector<16xf32>
    %broadcast_in_dim3A_1136 = arith.constant 1.000000e+08 : f32
    %broadcast_in_dim3A_1137 = vector.broadcast %broadcast_in_dim3A_1136 : f32 to vector<16xf32>
    %min3A_1138 = arith.minimumf %mul3A_1135, %broadcast_in_dim3A_1137 : vector<16xf32>
    %mul3A_1139 = arith.mulf %scan3A_1104#0, %min3A_1138 : vector<16xf32>
    %gt3A_1140 = arith.cmpi sgt, %get3A_1099, %broadcast_in_dim3A_45 : vector<16xi32>
    %add3A_1141 = arith.constant 240 : i32
    %add3A_1142 = arith.addi %mul3A_32, %add3A_1141 : i32
    %broadcast_in_dim3A_1143 = vector.broadcast %add3A_1142 : i32 to vector<16xi32>
    %add3A_1144 = arith.addi %iota3A, %broadcast_in_dim3A_1143 : vector<16xi32>
    %select_n3A_1145 = arith.select %gt3A_1140, %mul3A_1139, %broadcast_in_dim3A_43 : vector<16xi1>, vector<16xf32>
    %swap3A_1146 = arith.constant 240 : index
    %swap3A_1147 = tpu.vector_load %arg14[%swap3A_1146] {strides = array<i32>} : memref<256xf32, #tpu.memory_space<vmem>>, vector<16xf32>,
    %swap3A_1148 = vector.shape_cast %swap3A_1147 : vector<16xf32> to vector<16xf32>
    %swap3A_1149 = vector.shape_cast %select_n3A_1145 : vector<16xf32> to vector<16xf32>
    tpu.vector_store %arg14[%swap3A_1146], %swap3A_1149 {strides = array<i32>} : memref<256xf32, #tpu.memory_space<vmem>>, vector<16xf32>,
    %add3A_1150 = arith.addi %add3A_1144, %scan3A_1104#2 : vector<16xi32>
    %broadcast_in_dim3A_1151 = arith.constant -1 : i32
    %broadcast_in_dim3A_1152 = vector.broadcast %broadcast_in_dim3A_1151 : i32 to vector<16xi32>
    %select_n3A_1153 = arith.select %gt3A_1140, %add3A_1150, %broadcast_in_dim3A_1152 : vector<16xi1>, vector<16xi32>
    %swap3A_1154 = arith.constant 240 : index
    %swap3A_1155 = tpu.vector_load %arg15[%swap3A_1154] {strides = array<i32>} : memref<256xi32, #tpu.memory_space<vmem>>, vector<16xi32>,
    %swap3A_1156 = vector.shape_cast %swap3A_1155 : vector<16xi32> to vector<16xi32>
    %swap3A_1157 = vector.shape_cast %select_n3A_1153 : vector<16xi32> to vector<16xi32>
    tpu.vector_store %arg15[%swap3A_1154], %swap3A_1157 {strides = array<i32>} : memref<256xi32, #tpu.memory_space<vmem>>, vector<16xi32>,
    "tpu.region"() ({
      %run_scoped3A = tpu.sem_alloc : memref<!tpu.dma_semaphore, #tpu.memory_space<semaphore_mem>>
      %dma_start3A = tpu.memref_slice %arg7[%add3A_38] : memref<8192xf32, #tpu.memory_space<hbm>> -> memref<256xf32, #tpu.memory_space<hbm>>
      %dma_start3A_1158 = tpu.memref_slice %arg7[%add3A_38] : memref<8192xf32, #tpu.memory_space<hbm>> -> memref<256xf32, #tpu.memory_space<hbm>>
      tpu.enqueue_dma source(%arg14 : memref<256xf32, #tpu.memory_space<vmem>>) target(%dma_start3A_1158 : memref<256xf32, #tpu.memory_space<hbm>>) target_semaphore(%run_scoped3A : memref<!tpu.dma_semaphore, #tpu.memory_space<semaphore_mem>>)
      %dma_wait3A = tpu.memref_slice %arg7[%add3A_38] : memref<8192xf32, #tpu.memory_space<hbm>> -> memref<256xf32, #tpu.memory_space<hbm>>
      %dma_wait3A_1159 = tpu.memref_slice %arg7[%add3A_38] : memref<8192xf32, #tpu.memory_space<hbm>> -> memref<256xf32, #tpu.memory_space<hbm>>
      tpu.wait_dma2 semaphore(%run_scoped3A : memref<!tpu.dma_semaphore, #tpu.memory_space<semaphore_mem>>) src(%arg14 : memref<256xf32, #tpu.memory_space<vmem>>) dst(%dma_wait3A_1159 : memref<256xf32, #tpu.memory_space<hbm>>)
      tpu.yield
    }) : () -> ()
    "tpu.region"() ({
      %run_scoped3A = tpu.sem_alloc : memref<!tpu.dma_semaphore, #tpu.memory_space<semaphore_mem>>
      %dma_start3A = tpu.memref_slice %arg8[%add3A_38] : memref<8192xi32, #tpu.memory_space<hbm>> -> memref<256xi32, #tpu.memory_space<hbm>>
      %dma_start3A_1158 = tpu.memref_slice %arg8[%add3A_38] : memref<8192xi32, #tpu.memory_space<hbm>> -> memref<256xi32, #tpu.memory_space<hbm>>
      tpu.enqueue_dma source(%arg15 : memref<256xi32, #tpu.memory_space<vmem>>) target(%dma_start3A_1158 : memref<256xi32, #tpu.memory_space<hbm>>) target_semaphore(%run_scoped3A : memref<!tpu.dma_semaphore, #tpu.memory_space<semaphore_mem>>)
      %dma_wait3A = tpu.memref_slice %arg8[%add3A_38] : memref<8192xi32, #tpu.memory_space<hbm>> -> memref<256xi32, #tpu.memory_space<hbm>>
      %dma_wait3A_1159 = tpu.memref_slice %arg8[%add3A_38] : memref<8192xi32, #tpu.memory_space<hbm>> -> memref<256xi32, #tpu.memory_space<hbm>>
      tpu.wait_dma2 semaphore(%run_scoped3A : memref<!tpu.dma_semaphore, #tpu.memory_space<semaphore_mem>>) src(%arg15 : memref<256xi32, #tpu.memory_space<vmem>>) dst(%dma_wait3A_1159 : memref<256xi32, #tpu.memory_space<hbm>>)
      tpu.yield
    }) : () -> ()
    return
  }
}

module attributes {stable_mosaic.version = 14 : i64} {
  func.func @_stage1_kernel(%arg0: i32, %arg1: memref<4x2xi32, #tpu.memory_space<smem>>, %arg2: memref<1x1x512x768xf32, #tpu.memory_space<vmem>>, %arg3: memref<1x1x512x768xf32, #tpu.memory_space<vmem>>, %arg4: memref<1x1x512x768xf32, #tpu.memory_space<vmem>>, %arg5: memref<1x1x512x768xf32, #tpu.memory_space<vmem>>, %arg6: memref<1x9x256xf32, #tpu.memory_space<vmem>>, %arg7: memref<1x9x256xf32, #tpu.memory_space<vmem>>, %arg8: memref<1x9x256xf32, #tpu.memory_space<vmem>>, %arg9: memref<1x8x256xi32, #tpu.memory_space<vmem>>, %arg10: memref<1x8x256xi32, #tpu.memory_space<vmem>>) attributes {dimension_semantics = [#tpu.dimension_semantics<arbitrary>], iteration_bounds = array<i64: 4>, scalar_prefetch = 0 : i64, scratch_operands = 0 : i64, tpu.core_type = #tpu.core_type<tc>, window_params = [{transform_indices = @transform_0, window_bounds = array<i64: 4, 2>}, {transform_indices = @transform_1, window_bounds = array<i64: 1, 1, 512, 768>}, {transform_indices = @transform_2, window_bounds = array<i64: 1, 1, 512, 768>}, {transform_indices = @transform_3, window_bounds = array<i64: 1, 1, 512, 768>}, {transform_indices = @transform_4, window_bounds = array<i64: 1, 1, 512, 768>}, {transform_indices = @transform_5, window_bounds = array<i64: 1, 9, 256>}, {transform_indices = @transform_6, window_bounds = array<i64: 1, 9, 256>}, {transform_indices = @transform_7, window_bounds = array<i64: 1, 9, 256>}, {transform_indices = @transform_8, window_bounds = array<i64: 1, 8, 256>}, {transform_indices = @transform_9, window_bounds = array<i64: 1, 8, 256>}]} {
    %get3A = arith.index_cast %arg0 : i32 to index
    %get3A_0 = arith.constant 0 : index
    %get3A_1 = memref.load %arg1[%get3A, %get3A_0] : memref<4x2xi32, #tpu.memory_space<smem>>
    %get3A_2 = arith.index_cast %arg0 : i32 to index
    %get3A_3 = arith.constant 1 : index
    %get3A_4 = memref.load %arg1[%get3A_2, %get3A_3] : memref<4x2xi32, #tpu.memory_space<smem>>
    %get3A_5 = arith.constant 0 : index
    %get3A_6 = arith.constant 0 : index
    %get3A_7 = arith.constant 1 : index
    %get3A_8 = arith.constant 0 : index
    %get3A_9 = vector.load %arg2[%get3A_5, %get3A_6, %get3A_7, %get3A_8] : memref<1x1x512x768xf32, #tpu.memory_space<vmem>>, vector<1x1x1x768xf32>
    %get3A_10 = vector.shape_cast %get3A_9 : vector<1x1x1x768xf32> to vector<1x768xf32>
    %sub3A = arith.constant 1 : i32
    %sub3A_11 = arith.subi %get3A_1, %sub3A : i32
    %get3A_12 = arith.constant 0 : index
    %get3A_13 = arith.constant 0 : index
    %get3A_14 = arith.index_cast %sub3A_11 : i32 to index
    %get3A_15 = arith.constant 0 : index
    %get3A_16 = vector.load %arg2[%get3A_12, %get3A_13, %get3A_14, %get3A_15] : memref<1x1x512x768xf32, #tpu.memory_space<vmem>>, vector<1x1x1x768xf32>
    %get3A_17 = vector.shape_cast %get3A_16 : vector<1x1x1x768xf32> to vector<1x768xf32>
    %concatenate3A = tpu.concatenate %get3A_10, %get3A_17 in 0 : vector<1x768xf32>, vector<1x768xf32> -> vector<2x768xf32>
    %broadcast_in_dim3A = arith.constant 1.000000e+00 : f32
    %broadcast_in_dim3A_18 = vector.broadcast %broadcast_in_dim3A : f32 to vector<1x768xf32>
    %get3A_19 = arith.constant 0 : index
    %get3A_20 = arith.constant 0 : index
    %get3A_21 = arith.constant 0 : index
    %get3A_22 = arith.constant 0 : index
    %get3A_23 = vector.load %arg2[%get3A_19, %get3A_20, %get3A_21, %get3A_22] : memref<1x1x512x768xf32, #tpu.memory_space<vmem>>, vector<1x1x512x768xf32>
    %get3A_24 = vector.shape_cast %get3A_23 : vector<1x1x512x768xf32> to vector<512x768xf32>
    %dot_general3A = arith.constant dense<0.000000e+00> : vector<2x512xf32>
    %dot_general3A_25 = tpu.matmul %concatenate3A, %get3A_24, %dot_general3A {dimension_numbers = #tpu.dot_dimension_numbers<[1], [1], [0], [0], [0, 0, 1, 0], [], []>, transpose_lhs_hint = false} : vector<2x768xf32>, vector<512x768xf32>, vector<2x512xf32> -> vector<2x512xf32>
    %mul3A = arith.mulf %get3A_24, %get3A_24 : vector<512x768xf32>
    %dot_general3A_26 = arith.constant dense<0.000000e+00> : vector<1x512xf32>
    %dot_general3A_27 = tpu.matmul %broadcast_in_dim3A_18, %mul3A, %dot_general3A_26 {dimension_numbers = #tpu.dot_dimension_numbers<[1], [1], [0], [0], [0, 0, 1, 0], [], []>, transpose_lhs_hint = false} : vector<1x768xf32>, vector<512x768xf32>, vector<1x512xf32> -> vector<1x512xf32>
    %slice3A = vector.extract_strided_slice %dot_general3A_25 {offsets = [0, 0], sizes = [1, 256], strides = [1, 1]} : vector<2x512xf32> to vector<1x256xf32>
    %slice3A_28 = vector.extract_strided_slice %dot_general3A_25 {offsets = [1, 0], sizes = [1, 256], strides = [1, 1]} : vector<2x512xf32> to vector<1x256xf32>
    %slice3A_29 = vector.extract_strided_slice %dot_general3A_27 {offsets = [0, 0], sizes = [1, 256], strides = [1, 1]} : vector<1x512xf32> to vector<1x256xf32>
    %slice3A_30 = vector.extract_strided_slice %dot_general3A_25 {offsets = [0, 256], sizes = [1, 256], strides = [1, 1]} : vector<2x512xf32> to vector<1x256xf32>
    %slice3A_31 = vector.extract_strided_slice %dot_general3A_25 {offsets = [1, 256], sizes = [1, 256], strides = [1, 1]} : vector<2x512xf32> to vector<1x256xf32>
    %slice3A_32 = vector.extract_strided_slice %dot_general3A_27 {offsets = [0, 256], sizes = [1, 256], strides = [1, 1]} : vector<1x512xf32> to vector<1x256xf32>
    %get3A_33 = arith.constant 0 : index
    %get3A_34 = arith.constant 0 : index
    %get3A_35 = arith.constant 0 : index
    %get3A_36 = arith.constant 0 : index
    %get3A_37 = vector.load %arg3[%get3A_33, %get3A_34, %get3A_35, %get3A_36] : memref<1x1x512x768xf32, #tpu.memory_space<vmem>>, vector<1x1x512x768xf32>
    %get3A_38 = vector.shape_cast %get3A_37 : vector<1x1x512x768xf32> to vector<512x768xf32>
    %dot_general3A_39 = arith.constant dense<0.000000e+00> : vector<2x512xf32>
    %dot_general3A_40 = tpu.matmul %concatenate3A, %get3A_38, %dot_general3A_39 {dimension_numbers = #tpu.dot_dimension_numbers<[1], [1], [0], [0], [0, 0, 1, 0], [], []>, transpose_lhs_hint = false} : vector<2x768xf32>, vector<512x768xf32>, vector<2x512xf32> -> vector<2x512xf32>
    %mul3A_41 = arith.mulf %get3A_38, %get3A_38 : vector<512x768xf32>
    %dot_general3A_42 = arith.constant dense<0.000000e+00> : vector<1x512xf32>
    %dot_general3A_43 = tpu.matmul %broadcast_in_dim3A_18, %mul3A_41, %dot_general3A_42 {dimension_numbers = #tpu.dot_dimension_numbers<[1], [1], [0], [0], [0, 0, 1, 0], [], []>, transpose_lhs_hint = false} : vector<1x768xf32>, vector<512x768xf32>, vector<1x512xf32> -> vector<1x512xf32>
    %slice3A_44 = vector.extract_strided_slice %dot_general3A_40 {offsets = [0, 0], sizes = [1, 256], strides = [1, 1]} : vector<2x512xf32> to vector<1x256xf32>
    %slice3A_45 = vector.extract_strided_slice %dot_general3A_40 {offsets = [1, 0], sizes = [1, 256], strides = [1, 1]} : vector<2x512xf32> to vector<1x256xf32>
    %slice3A_46 = vector.extract_strided_slice %dot_general3A_43 {offsets = [0, 0], sizes = [1, 256], strides = [1, 1]} : vector<1x512xf32> to vector<1x256xf32>
    %slice3A_47 = vector.extract_strided_slice %dot_general3A_40 {offsets = [0, 256], sizes = [1, 256], strides = [1, 1]} : vector<2x512xf32> to vector<1x256xf32>
    %slice3A_48 = vector.extract_strided_slice %dot_general3A_40 {offsets = [1, 256], sizes = [1, 256], strides = [1, 1]} : vector<2x512xf32> to vector<1x256xf32>
    %slice3A_49 = vector.extract_strided_slice %dot_general3A_43 {offsets = [0, 256], sizes = [1, 256], strides = [1, 1]} : vector<1x512xf32> to vector<1x256xf32>
    %get3A_50 = arith.constant 0 : index
    %get3A_51 = arith.constant 0 : index
    %get3A_52 = arith.constant 0 : index
    %get3A_53 = arith.constant 0 : index
    %get3A_54 = vector.load %arg4[%get3A_50, %get3A_51, %get3A_52, %get3A_53] : memref<1x1x512x768xf32, #tpu.memory_space<vmem>>, vector<1x1x512x768xf32>
    %get3A_55 = vector.shape_cast %get3A_54 : vector<1x1x512x768xf32> to vector<512x768xf32>
    %dot_general3A_56 = arith.constant dense<0.000000e+00> : vector<2x512xf32>
    %dot_general3A_57 = tpu.matmul %concatenate3A, %get3A_55, %dot_general3A_56 {dimension_numbers = #tpu.dot_dimension_numbers<[1], [1], [0], [0], [0, 0, 1, 0], [], []>, transpose_lhs_hint = false} : vector<2x768xf32>, vector<512x768xf32>, vector<2x512xf32> -> vector<2x512xf32>
    %mul3A_58 = arith.mulf %get3A_55, %get3A_55 : vector<512x768xf32>
    %dot_general3A_59 = arith.constant dense<0.000000e+00> : vector<1x512xf32>
    %dot_general3A_60 = tpu.matmul %broadcast_in_dim3A_18, %mul3A_58, %dot_general3A_59 {dimension_numbers = #tpu.dot_dimension_numbers<[1], [1], [0], [0], [0, 0, 1, 0], [], []>, transpose_lhs_hint = false} : vector<1x768xf32>, vector<512x768xf32>, vector<1x512xf32> -> vector<1x512xf32>
    %slice3A_61 = vector.extract_strided_slice %dot_general3A_57 {offsets = [0, 0], sizes = [1, 256], strides = [1, 1]} : vector<2x512xf32> to vector<1x256xf32>
    %slice3A_62 = vector.extract_strided_slice %dot_general3A_57 {offsets = [1, 0], sizes = [1, 256], strides = [1, 1]} : vector<2x512xf32> to vector<1x256xf32>
    %slice3A_63 = vector.extract_strided_slice %dot_general3A_60 {offsets = [0, 0], sizes = [1, 256], strides = [1, 1]} : vector<1x512xf32> to vector<1x256xf32>
    %slice3A_64 = vector.extract_strided_slice %dot_general3A_57 {offsets = [0, 256], sizes = [1, 256], strides = [1, 1]} : vector<2x512xf32> to vector<1x256xf32>
    %slice3A_65 = vector.extract_strided_slice %dot_general3A_57 {offsets = [1, 256], sizes = [1, 256], strides = [1, 1]} : vector<2x512xf32> to vector<1x256xf32>
    %slice3A_66 = vector.extract_strided_slice %dot_general3A_60 {offsets = [0, 256], sizes = [1, 256], strides = [1, 1]} : vector<1x512xf32> to vector<1x256xf32>
    %get3A_67 = arith.constant 0 : index
    %get3A_68 = arith.constant 0 : index
    %get3A_69 = arith.constant 0 : index
    %get3A_70 = arith.constant 0 : index
    %get3A_71 = vector.load %arg5[%get3A_67, %get3A_68, %get3A_69, %get3A_70] : memref<1x1x512x768xf32, #tpu.memory_space<vmem>>, vector<1x1x512x768xf32>
    %get3A_72 = vector.shape_cast %get3A_71 : vector<1x1x512x768xf32> to vector<512x768xf32>
    %dot_general3A_73 = arith.constant dense<0.000000e+00> : vector<2x512xf32>
    %dot_general3A_74 = tpu.matmul %concatenate3A, %get3A_72, %dot_general3A_73 {dimension_numbers = #tpu.dot_dimension_numbers<[1], [1], [0], [0], [0, 0, 1, 0], [], []>, transpose_lhs_hint = false} : vector<2x768xf32>, vector<512x768xf32>, vector<2x512xf32> -> vector<2x512xf32>
    %mul3A_75 = arith.mulf %get3A_72, %get3A_72 : vector<512x768xf32>
    %dot_general3A_76 = arith.constant dense<0.000000e+00> : vector<1x512xf32>
    %dot_general3A_77 = tpu.matmul %broadcast_in_dim3A_18, %mul3A_75, %dot_general3A_76 {dimension_numbers = #tpu.dot_dimension_numbers<[1], [1], [0], [0], [0, 0, 1, 0], [], []>, transpose_lhs_hint = false} : vector<1x768xf32>, vector<512x768xf32>, vector<1x512xf32> -> vector<1x512xf32>
    %slice3A_78 = vector.extract_strided_slice %dot_general3A_74 {offsets = [0, 0], sizes = [1, 256], strides = [1, 1]} : vector<2x512xf32> to vector<1x256xf32>
    %slice3A_79 = vector.extract_strided_slice %dot_general3A_74 {offsets = [1, 0], sizes = [1, 256], strides = [1, 1]} : vector<2x512xf32> to vector<1x256xf32>
    %slice3A_80 = vector.extract_strided_slice %dot_general3A_77 {offsets = [0, 0], sizes = [1, 256], strides = [1, 1]} : vector<1x512xf32> to vector<1x256xf32>
    %slice3A_81 = vector.extract_strided_slice %dot_general3A_74 {offsets = [0, 256], sizes = [1, 256], strides = [1, 1]} : vector<2x512xf32> to vector<1x256xf32>
    %slice3A_82 = vector.extract_strided_slice %dot_general3A_74 {offsets = [1, 256], sizes = [1, 256], strides = [1, 1]} : vector<2x512xf32> to vector<1x256xf32>
    %slice3A_83 = vector.extract_strided_slice %dot_general3A_77 {offsets = [0, 256], sizes = [1, 256], strides = [1, 1]} : vector<1x512xf32> to vector<1x256xf32>
    %concatenate3A_84 = tpu.concatenate %slice3A, %slice3A_30, %slice3A_44, %slice3A_47, %slice3A_61, %slice3A_64, %slice3A_78, %slice3A_81 in 0 : vector<1x256xf32>, vector<1x256xf32>, vector<1x256xf32>, vector<1x256xf32>, vector<1x256xf32>, vector<1x256xf32>, vector<1x256xf32>, vector<1x256xf32> -> vector<8x256xf32>
    %concatenate3A_85 = tpu.concatenate %slice3A_28, %slice3A_31, %slice3A_45, %slice3A_48, %slice3A_62, %slice3A_65, %slice3A_79, %slice3A_82 in 0 : vector<1x256xf32>, vector<1x256xf32>, vector<1x256xf32>, vector<1x256xf32>, vector<1x256xf32>, vector<1x256xf32>, vector<1x256xf32>, vector<1x256xf32> -> vector<8x256xf32>
    %concatenate3A_86 = tpu.concatenate %slice3A_29, %slice3A_32, %slice3A_46, %slice3A_49, %slice3A_63, %slice3A_66, %slice3A_80, %slice3A_83 in 0 : vector<1x256xf32>, vector<1x256xf32>, vector<1x256xf32>, vector<1x256xf32>, vector<1x256xf32>, vector<1x256xf32>, vector<1x256xf32>, vector<1x256xf32> -> vector<8x256xf32>
    %mul3A_87 = arith.mulf %concatenate3A, %concatenate3A : vector<2x768xf32>
    %reduce_sum3A = vector.shape_cast %mul3A_87 : vector<2x768xf32> to vector<1x2x768xf32>
    %reduce_sum3A_88 = arith.constant dense<0.000000e+00> : vector<1xf32>
    %reduce_sum3A_89 = vector.multi_reduction <add>, %reduce_sum3A, %reduce_sum3A_88 [1, 2] : vector<1x2x768xf32> to vector<1xf32>
    %reduce_sum3A_90 = vector.shape_cast %reduce_sum3A_89 : vector<1xf32> to vector<1x1x1xf32>
    %reduce_sum3A_91 = vector.extract %reduce_sum3A_90[0, 0, 0] : f32 from vector<1x1x1xf32>
    %sqrt3A = math.sqrt %reduce_sum3A_91 : f32
    %max3A = arith.constant 9.99999993E-9 : f32
    %max3A_92 = arith.maximumf %sqrt3A, %max3A : f32
    %div3A = arith.constant 1.000000e+00 : f32
    %div3A_93 = arith.divf %div3A, %max3A_92 : f32
    %iota3A = tpu.iota {dimensions = array<i32: 0>} : vector<8x256xi32>
    %iota3A_94 = tpu.iota {dimensions = array<i32: 1>} : vector<8x256xi32>
    %mul3A_95 = arith.constant 256 : i32
    %mul3A_96 = vector.broadcast %mul3A_95 : i32 to vector<8x256xi32>
    %mul3A_97 = arith.muli %iota3A, %mul3A_96 : vector<8x256xi32>
    %add3A = arith.addi %mul3A_97, %iota3A_94 : vector<8x256xi32>
    %mul3A_98 = vector.broadcast %div3A_93 : f32 to vector<8x256xf32>
    %mul3A_99 = arith.mulf %concatenate3A_84, %mul3A_98 : vector<8x256xf32>
    %swap3A = arith.constant 0 : index
    %swap3A_100 = arith.constant 0 : index
    %swap3A_101 = arith.constant 0 : index
    %swap3A_102 = vector.load %arg6[%swap3A, %swap3A_100, %swap3A_101] : memref<1x9x256xf32, #tpu.memory_space<vmem>>, vector<1x8x256xf32>
    %swap3A_103 = vector.shape_cast %swap3A_102 : vector<1x8x256xf32> to vector<8x256xf32>
    %swap3A_104 = vector.shape_cast %mul3A_99 : vector<8x256xf32> to vector<1x8x256xf32>
    tpu.vector_store %arg6[%swap3A, %swap3A_100, %swap3A_101], %swap3A_104 {strides = array<i32>} : memref<1x9x256xf32, #tpu.memory_space<vmem>>, vector<1x8x256xf32>,
    %broadcast_in_dim3A_105 = arith.constant 0.000000e+00 : f32
    %broadcast_in_dim3A_106 = vector.broadcast %broadcast_in_dim3A_105 : f32 to vector<1x256xf32>
    %swap3A_107 = arith.constant 0 : index
    %swap3A_108 = arith.constant 8 : index
    %swap3A_109 = arith.constant 0 : index
    %swap3A_110 = vector.load %arg6[%swap3A_107, %swap3A_108, %swap3A_109] : memref<1x9x256xf32, #tpu.memory_space<vmem>>, vector<1x1x256xf32>
    %swap3A_111 = vector.shape_cast %swap3A_110 : vector<1x1x256xf32> to vector<1x256xf32>
    %swap3A_112 = vector.shape_cast %broadcast_in_dim3A_106 : vector<1x256xf32> to vector<1x1x256xf32>
    tpu.vector_store %arg6[%swap3A_107, %swap3A_108, %swap3A_109], %swap3A_112 {strides = array<i32>} : memref<1x9x256xf32, #tpu.memory_space<vmem>>, vector<1x1x256xf32>,
    %mul3A_113 = vector.broadcast %div3A_93 : f32 to vector<8x256xf32>
    %mul3A_114 = arith.mulf %concatenate3A_85, %mul3A_113 : vector<8x256xf32>
    %swap3A_115 = arith.constant 0 : index
    %swap3A_116 = arith.constant 0 : index
    %swap3A_117 = arith.constant 0 : index
    %swap3A_118 = vector.load %arg7[%swap3A_115, %swap3A_116, %swap3A_117] : memref<1x9x256xf32, #tpu.memory_space<vmem>>, vector<1x8x256xf32>
    %swap3A_119 = vector.shape_cast %swap3A_118 : vector<1x8x256xf32> to vector<8x256xf32>
    %swap3A_120 = vector.shape_cast %mul3A_114 : vector<8x256xf32> to vector<1x8x256xf32>
    tpu.vector_store %arg7[%swap3A_115, %swap3A_116, %swap3A_117], %swap3A_120 {strides = array<i32>} : memref<1x9x256xf32, #tpu.memory_space<vmem>>, vector<1x8x256xf32>,
    %broadcast_in_dim3A_121 = arith.constant 0.000000e+00 : f32
    %broadcast_in_dim3A_122 = vector.broadcast %broadcast_in_dim3A_121 : f32 to vector<1x256xf32>
    %swap3A_123 = arith.constant 0 : index
    %swap3A_124 = arith.constant 8 : index
    %swap3A_125 = arith.constant 0 : index
    %swap3A_126 = vector.load %arg7[%swap3A_123, %swap3A_124, %swap3A_125] : memref<1x9x256xf32, #tpu.memory_space<vmem>>, vector<1x1x256xf32>
    %swap3A_127 = vector.shape_cast %swap3A_126 : vector<1x1x256xf32> to vector<1x256xf32>
    %swap3A_128 = vector.shape_cast %broadcast_in_dim3A_122 : vector<1x256xf32> to vector<1x1x256xf32>
    tpu.vector_store %arg7[%swap3A_123, %swap3A_124, %swap3A_125], %swap3A_128 {strides = array<i32>} : memref<1x9x256xf32, #tpu.memory_space<vmem>>, vector<1x1x256xf32>,
    %swap3A_129 = arith.constant 0 : index
    %swap3A_130 = arith.constant 0 : index
    %swap3A_131 = arith.constant 0 : index
    %swap3A_132 = vector.load %arg8[%swap3A_129, %swap3A_130, %swap3A_131] : memref<1x9x256xf32, #tpu.memory_space<vmem>>, vector<1x8x256xf32>
    %swap3A_133 = vector.shape_cast %swap3A_132 : vector<1x8x256xf32> to vector<8x256xf32>
    %swap3A_134 = vector.shape_cast %concatenate3A_86 : vector<8x256xf32> to vector<1x8x256xf32>
    tpu.vector_store %arg8[%swap3A_129, %swap3A_130, %swap3A_131], %swap3A_134 {strides = array<i32>} : memref<1x9x256xf32, #tpu.memory_space<vmem>>, vector<1x8x256xf32>,
    %broadcast_in_dim3A_135 = arith.constant 1.000000e+00 : f32
    %broadcast_in_dim3A_136 = vector.broadcast %broadcast_in_dim3A_135 : f32 to vector<1x256xf32>
    %swap3A_137 = arith.constant 0 : index
    %swap3A_138 = arith.constant 8 : index
    %swap3A_139 = arith.constant 0 : index
    %swap3A_140 = vector.load %arg8[%swap3A_137, %swap3A_138, %swap3A_139] : memref<1x9x256xf32, #tpu.memory_space<vmem>>, vector<1x1x256xf32>
    %swap3A_141 = vector.shape_cast %swap3A_140 : vector<1x1x256xf32> to vector<1x256xf32>
    %swap3A_142 = vector.shape_cast %broadcast_in_dim3A_136 : vector<1x256xf32> to vector<1x1x256xf32>
    tpu.vector_store %arg8[%swap3A_137, %swap3A_138, %swap3A_139], %swap3A_142 {strides = array<i32>} : memref<1x9x256xf32, #tpu.memory_space<vmem>>, vector<1x1x256xf32>,
    %sub3A_143 = vector.broadcast %get3A_4 : i32 to vector<8x256xi32>
    %sub3A_144 = arith.subi %sub3A_143, %add3A : vector<8x256xi32>
    %swap3A_145 = arith.constant 0 : index
    %swap3A_146 = arith.constant 0 : index
    %swap3A_147 = arith.constant 0 : index
    %swap3A_148 = vector.load %arg9[%swap3A_145, %swap3A_146, %swap3A_147] : memref<1x8x256xi32, #tpu.memory_space<vmem>>, vector<1x8x256xi32>
    %swap3A_149 = vector.shape_cast %swap3A_148 : vector<1x8x256xi32> to vector<8x256xi32>
    %swap3A_150 = vector.shape_cast %sub3A_144 : vector<8x256xi32> to vector<1x8x256xi32>
    tpu.vector_store %arg9[%swap3A_145, %swap3A_146, %swap3A_147], %swap3A_150 {strides = array<i32>} : memref<1x8x256xi32, #tpu.memory_space<vmem>>, vector<1x8x256xi32>,
    %gt3A = vector.broadcast %get3A_1 : i32 to vector<8x256xi32>
    %gt3A_151 = arith.cmpi sgt, %add3A, %gt3A : vector<8x256xi32>
    %lt3A = vector.broadcast %get3A_4 : i32 to vector<8x256xi32>
    %lt3A_152 = arith.cmpi slt, %add3A, %lt3A : vector<8x256xi32>
    %and3A = arith.andi %gt3A_151, %lt3A_152 : vector<8x256xi1>
    %convert_element_type3A = arith.extui %and3A : vector<8x256xi1> to vector<8x256xi32>
    %swap3A_153 = arith.constant 0 : index
    %swap3A_154 = arith.constant 0 : index
    %swap3A_155 = arith.constant 0 : index
    %swap3A_156 = vector.load %arg10[%swap3A_153, %swap3A_154, %swap3A_155] : memref<1x8x256xi32, #tpu.memory_space<vmem>>, vector<1x8x256xi32>
    %swap3A_157 = vector.shape_cast %swap3A_156 : vector<1x8x256xi32> to vector<8x256xi32>
    %swap3A_158 = vector.shape_cast %convert_element_type3A : vector<8x256xi32> to vector<1x8x256xi32>
    tpu.vector_store %arg10[%swap3A_153, %swap3A_154, %swap3A_155], %swap3A_158 {strides = array<i32>} : memref<1x8x256xi32, #tpu.memory_space<vmem>>, vector<1x8x256xi32>,
    return
  }
  func.func @transform_0(%arg0: i32) -> (i32, i32) {
    %c0_i32 = arith.constant 0 : i32
    %c0_i32_0 = arith.constant 0 : i32
    %c0_i32_1 = arith.constant 0 : i32
    return %c0_i32, %c0_i32_0 : i32, i32
  }
  func.func @transform_1(%arg0: i32) -> (i32, i32, i32, i32) {
    %c0_i32 = arith.constant 0 : i32
    %c0_i32_0 = arith.constant 0 : i32
    %c0_i32_1 = arith.constant 0 : i32
    %c0_i32_2 = arith.constant 0 : i32
    return %arg0, %c0_i32, %c0_i32_0, %c0_i32_1 : i32, i32, i32, i32
  }
  func.func @transform_2(%arg0: i32) -> (i32, i32, i32, i32) {
    %c1_i32 = arith.constant 1 : i32
    %c0_i32 = arith.constant 0 : i32
    %c0_i32_0 = arith.constant 0 : i32
    %c0_i32_1 = arith.constant 0 : i32
    return %arg0, %c1_i32, %c0_i32, %c0_i32_0 : i32, i32, i32, i32
  }
  func.func @transform_3(%arg0: i32) -> (i32, i32, i32, i32) {
    %c2_i32 = arith.constant 2 : i32
    %c0_i32 = arith.constant 0 : i32
    %c0_i32_0 = arith.constant 0 : i32
    %c0_i32_1 = arith.constant 0 : i32
    return %arg0, %c2_i32, %c0_i32, %c0_i32_0 : i32, i32, i32, i32
  }
  func.func @transform_4(%arg0: i32) -> (i32, i32, i32, i32) {
    %c3_i32 = arith.constant 3 : i32
    %c0_i32 = arith.constant 0 : i32
    %c0_i32_0 = arith.constant 0 : i32
    %c0_i32_1 = arith.constant 0 : i32
    return %arg0, %c3_i32, %c0_i32, %c0_i32_0 : i32, i32, i32, i32
  }
  func.func @transform_5(%arg0: i32) -> (i32, i32, i32) {
    %c0_i32 = arith.constant 0 : i32
    %c0_i32_0 = arith.constant 0 : i32
    %c0_i32_1 = arith.constant 0 : i32
    return %arg0, %c0_i32, %c0_i32_0 : i32, i32, i32
  }
  func.func @transform_6(%arg0: i32) -> (i32, i32, i32) {
    %c0_i32 = arith.constant 0 : i32
    %c0_i32_0 = arith.constant 0 : i32
    %c0_i32_1 = arith.constant 0 : i32
    return %arg0, %c0_i32, %c0_i32_0 : i32, i32, i32
  }
  func.func @transform_7(%arg0: i32) -> (i32, i32, i32) {
    %c0_i32 = arith.constant 0 : i32
    %c0_i32_0 = arith.constant 0 : i32
    %c0_i32_1 = arith.constant 0 : i32
    return %arg0, %c0_i32, %c0_i32_0 : i32, i32, i32
  }
  func.func @transform_8(%arg0: i32) -> (i32, i32, i32) {
    %c0_i32 = arith.constant 0 : i32
    %c0_i32_0 = arith.constant 0 : i32
    %c0_i32_1 = arith.constant 0 : i32
    return %arg0, %c0_i32, %c0_i32_0 : i32, i32, i32
  }
  func.func @transform_9(%arg0: i32) -> (i32, i32, i32) {
    %c0_i32 = arith.constant 0 : i32
    %c0_i32_0 = arith.constant 0 : i32
    %c0_i32_1 = arith.constant 0 : i32
    return %arg0, %c0_i32, %c0_i32_0 : i32, i32, i32
  }
}

</mosaic_0001>

<sc_bundles>
// kernel: kernel.4.cloned.1.call-start
scs
__scs_entry_jumppad:
0x0: {  	(pc) =	sbr.rel $0x88, $3  }
0x1: {  	(tag) =	ssettag $0x0;
	lr =	simm.s32 $0x1  }
0x2: {  	[smem:$0x3F9F] =	sst lr;
	_ =	strace $0xD0000000  }
0x3: {  	_ = 	snop  }
0x4: {  	_ = 	snop  }
0x5: {  	_ = 	snop  }
0x6: {  	_ = 	snop  }
0x7: {  	_ = 	snop  }
__scs_overlays_trampoline_lowered:
0x8: {  	[smem:$0x3FAE] =	sst s0  }
0x9: {  	[smem:$0x3FAF] =	sst s1  }
0xa: {  	[smem:$0x3FB0] =	sst s2  }
0xb: {  	[smem:$0x3FB1] =	sst s3  }
0xc: {  	[smem:$0x3FB2] =	sst s4  }
0xd: {  	[smem:$0x3FB3] =	sst s5  }
0xe: {  	[smem:$0x3FB4] =	sst s6  }
0xf: {  	[smem:$0x3FB5] =	sst s7  }
0x10: {  	[smem:$0x3FB6] =	sst s8  }
0x11: {  	[smem:$0x3FB7] =	sst s9;
	s0 =	simm.s32 @!p0 $0x0  }
0x12: {  	s1 =	sld [smem:$0x3F9D];
	s0 =	simm.s32 @p0 $0x1  }
0x13: {  	[smem:$0x3FB8] =	sst s0;
	s0 =	simm.s32 @!p1 $0x0  }
0x14: {  	s2 =	sld [smem:$0x3F9C];
	s0 =	simm.s32 @p1 $0x1  }
0x15: {  	[smem:$0x3FB9] =	sst s0;
	s0 =	simm.s32 @!p2 $0x0  }
0x16: {  	s3 =	sld [smem:$0x3FDB];
	s0 =	simm.s32 @p2 $0x1  }
0x17: {  	s4 =	simm.s32 $0x1BF5;
	[smem:$0x3FBB] =	sst s0  }
0x18: {  	s0 =	sld [smem:$0x3F9E];
	_ =	swait.ge [sflag:s4], $0x0  }
0x19: {  	s7 =	sld [smem:$0x3F9F]  }
0x1a: {  	s8 =	sadd.s32 $0xFFFFE003, lr  }
0x1b: {  	s9 =	sadd.s32 $0xFFFFFEF7, lr;
	s5 =	simm.s32 $0xFFFFFFFF;
	p2 =	slt.u32 s8, $0xFFFFF086  }
0x1c: {  	p1 =	slt.u32 s9, $0xF7A;
	s5 =	simm.s32 @!p2 $0x0  }
0x1d: {  	s5 =	simm.s32 @p1 $0x1;
	p0 =	seq.s32 s7, s2  }
0x1e: {  	s7 =	smul.u32 @!p0 $0xF7A, s2;
	p2 =	seq.s32 @!p0 s5, $0x0  }
0x1f: {  	s9 =	smul.u32 $0xF7A, s1;
	s8 =	simm.s32 @!p0 $0x1BF5;
	p2 =	por !p2, p0  }
0x20: {  	[sflag:s8] =	ssyncset.s32 @!p0 $0xFFFFF086;
	s6 =	sadd.s32 @!p0 s3, s7;
	s7 =	simm.s32 @!p0 $0x108  }
0x21: {  	s3 =	sadd.s32 s3, s9;
	s6 =	sadd.s32 @!p0 $0x88, s6;
	s7 =	simm.s32 @p2 $0x1082  }
0x22: {  	[simem:s7], [sflag:s8] =	dma.local @!p0 [hbm:s6], $0xF7A  }
0x23: {  	s9 =	sor.u32 $0xD0000000, s2;
	s6 =	simm.s32 $0x108;
	_ =	swait.ge @!p0 [sflag:s8], $0x0  }
0x24: {  	s3 =	sadd.s32 $0x88, s3;
	s6 =	simm.s32 @!p1 $0x1082;
	[sflag:s4] =	ssyncset.s32 $0xFFFFF086  }
0x25: {  	[simem:s6], [sflag:s4] =	dma.local [hbm:s3], $0xF7A  }
0x26: {  	[smem:$0x3F9F] =	sst s1;
	(tag) =	ssettag s2;
	_ =	strace s9  }
0x27: {  	s1 =	sld [smem:$0x3FAF]  }
0x28: {  	s2 =	sld [smem:$0x3FB0]  }
0x29: {  	s4 =	sld [smem:$0x3FB2]  }
0x2a: {  	p0 =	seq.s32 s5, $0x0;
	s5 =	sld [smem:$0x3FB3]  }
0x2b: {  	s6 =	sld [smem:$0x3FB4]  }
0x2c: {  	s7 =	sld [smem:$0x3FB5]  }
0x2d: {  	s3 =	simm.s32 $0x108;
	s8 =	sld [smem:$0x3FB6]  }
0x2e: {  	s3 =	simm.s32 @!p0 $0x1082;
	s9 =	sld [smem:$0x3FB7]  }
0x2f: {  	lr =	sadd.s32 s0, s3;
	s0 =	sld [smem:$0x3FAE]  }
0x30: {  	s3 =	sld [smem:$0x3FB1]  }
0x31: {  	[smem:$0x3FBA] =	sst s10  }
0x32: {  	s10 =	sld [smem:$0x3FB8];
	_ =	sdelay $0x3  }
0x33: {  	p0 =	seq.s32 s10, $0x1;
	s10 =	sld [smem:$0x3FBA];
	_ =	sdelay $0x3  }
0x34: {  	[smem:$0x3FBA] =	sst s10  }
0x35: {  	s10 =	sld [smem:$0x3FB9];
	_ =	sdelay $0x3  }
0x36: {  	p1 =	seq.s32 s10, $0x1;
	s10 =	sld [smem:$0x3FBA];
	_ =	sdelay $0x3  }
0x37: {  	[smem:$0x3FBA] =	sst s10  }
0x38: {  	s10 =	sld [smem:$0x3FBB]  }
0x39: {  	_ = 	snop;
	(pc) =	sbr.ind lr, $3  }
0x3a: {  	_ = 	snop  }
0x3b: {  	_ = 	snop  }
0x3c: {  	p2 =	seq.s32 s10, $0x1;
	s10 =	sld [smem:$0x3FBA]  }
0x3d: {  	_ =	shalt  }
0x3e: {  	_ =	shalt  }
0x3f: {  	_ =	shalt  }
0x40: {  	_ =	shalt  }
0x41: {  	_ =	shalt  }
0x42: {  	_ =	shalt  }
0x43: {  	_ =	shalt  }
0x44: {  	_ =	shalt  }
0x45: {  	_ =	shalt  }
0x46: {  	_ =	shalt  }
0x47: {  	_ =	shalt  }
0x48: {  	_ =	shalt  }
0x49: {  	_ =	shalt  }
0x4a: {  	_ =	shalt  }
0x4b: {  	_ =	shalt  }
0x4c: {  	_ =	shalt  }
0x4d: {  	_ =	shalt  }
0x4e: {  	_ =	shalt  }
0x4f: {  	_ =	shalt  }
0x50: {  	_ =	shalt  }
0x51: {  	_ =	shalt  }
0x52: {  	_ =	shalt  }
0x53: {  	_ =	shalt  }
0x54: {  	_ =	shalt  }
0x55: {  	_ =	shalt  }
0x56: {  	_ =	shalt  }
0x57: {  	_ =	shalt  }
0x58: {  	_ =	shalt  }
0x59: {  	_ =	shalt  }
0x5a: {  	_ =	shalt  }
0x5b: {  	_ =	shalt  }
0x5c: {  	_ =	shalt  }
0x5d: {  	_ =	shalt  }
0x5e: {  	_ =	shalt  }
0x5f: {  	_ =	shalt  }
0x60: {  	_ =	shalt  }
0x61: {  	_ =	shalt  }
0x62: {  	_ =	shalt  }
0x63: {  	_ =	shalt  }
0x64: {  	_ =	shalt  }
0x65: {  	_ =	shalt  }
0x66: {  	_ =	shalt  }
0x67: {  	_ =	shalt  }
0x68: {  	_ =	shalt  }
0x69: {  	_ =	shalt  }
0x6a: {  	_ =	shalt  }
0x6b: {  	_ =	shalt  }
0x6c: {  	_ =	shalt  }
0x6d: {  	_ =	shalt  }
0x6e: {  	_ =	shalt  }
0x6f: {  	_ =	shalt  }
0x70: {  	_ =	shalt  }
0x71: {  	_ =	shalt  }
0x72: {  	_ =	shalt  }
0x73: {  	_ =	shalt  }
0x74: {  	_ =	shalt  }
0x75: {  	_ =	shalt  }
0x76: {  	_ =	shalt  }
0x77: {  	_ =	shalt  }
0x78: {  	_ =	shalt  }
0x79: {  	_ =	shalt  }
0x7a: {  	_ =	shalt  }
0x7b: {  	_ =	shalt  }
0x7c: {  	_ =	shalt  }
0x7d: {  	_ =	shalt  }
0x7e: {  	_ =	shalt  }
0x7f: {  	_ =	shalt  }
0x80: {  	_ =	shalt  }
0x81: {  	_ =	shalt  }
0x82: {  	_ =	shalt  }
0x83: {  	_ =	shalt  }
0x84: {  	_ =	shalt  }
0x85: {  	_ =	shalt  }
0x86: {  	_ =	shalt  }
0x87: {  	_ =	shalt  }
.Lfunc_end0:
.L_simem_size_0:
called_computation_lowered:
.L_overlay_start_0:
0x88: {  	s2 =	sld [smem:$0x3FD9]  }
0x89: {  	s3 =	sld [smem:$0x3FFE];
	_ =	sdelay $0x1  }
0x8a: {  	s1 =	srdreg.scid  }
0x8b: {  	s0 =	sand.u32 $0x1, s1  }
0x8c: {  	s14 =	sshll.u32 s0, $0xA;
	s2 =	sadd.s32 s3, s2  }
0x8d: {  	s2 =	sadd.s32 s2, s14  }
0x8e: {  	[smem:$0x3FC6] =	sst s2  }
0x8f: {  	_ = 	snop  }
0x90: {  	s2 =	sld [smem:$0x3FD0];
	_ =	sdelay $0x2  }
0x91: {  	s15 =	simm.s32 $0xA;
	s4 =	simm.s32 $0x10  }
0x92: {  	[smem:s4], [sflag:s15] =	dma.local [hbm:s2], $0x1  }
0x93: {  	_ =	swait.eq [sflag:s15], $0x1  }
0x94: {  	[sflag:s15] =	ssyncset.done $0x0  }
0x95: {  	s16 =	sld [smem:$0x10];
	[sflag:s15] =	ssyncadd.s32 $0xFFFFFFFF  }
0x96: {  	s17 =	sld [smem:$0x11];
	(tm) =	ssettm $0x1  }
0x97: {  	s18 =	sld [smem:$0x3FFB];
	_ =	sdelay $0x3  }
0x98: {  	_ =	strace s18  }
0x99: {  	s4 =	sld [smem:$0x3FFC];
	_ =	sdelay $0x3  }
0x9a: {  	_ =	strace s4  }
0x9b: {  	s4 =	sld [smem:$0x3FFD];
	_ =	sdelay $0x3  }
0x9c: {  	_ =	strace s4  }
0x9d: {  	_ =	strace $0x8FFFFFFF  }
0x9e: {  	s19 =	sld [smem:$0x3FDB];
	_ =	sdelay $0x1  }
0x9f: {  	s5 =	simm.s32 $_scs_section_size  }
0xa0: {  	s6 =	simm.s32 $_size__tile_overlayer_lowered;
	s7 =	simm.s32 $_tile_overlayer_lowered  }
0xa1: {  	s22 =	simm.s32 $0x1BFF;
	s21 =	sshll.u32 s7, $0x1;
	s4 =	sadd.s32 s5, s19  }
0xa2: {  	s8 =	simm.s32 $0x0;
	s20 =	sshll.u32 s6, $0x1;
	s6 =	sadd.s32 s21, s4  }
0xa3: {  	[timem:s8], [sflag:s22] =	dma.local [hbm:s6], s20  }
0xa4: {  	_ =	swait.ge [sflag:s22], s20  }
0xa5: {  	s5 =	ssub.s32 $0x0, s20;
	[sflag:s22] =	ssyncset.done $0x0  }
0xa6: {  	[sflag:s22] =	ssyncadd.s32 s5;
	_ =	sdelay $0x1  }
0xa7: {  	s23 =	simm.s32 $0x1B8B  }
0xa8: {  	_ =	swait.ge [sflag:s23], $0x1  }
0xa9: {  	[sflag:s23] =	ssyncset.done $0x0  }
0xaa: {  	s25 =	simm.s32 $0x1B8E;
	s24 =	sld [smem:$0x3FFE];
	[sflag:s23] =	ssyncadd.s32 $0xFFFFFFFF  }
0xab: {  	s26 =	simm.s32 $execute0_lowered;
	[smem:$0x3FD2] =	sst s25  }
0xac: {  	s6 =	sshll.u32 s26, $0x1;
	_ =	strace $0x80000046;
	[dreg:$0x1] =	wrdreg $0xFFFFFFFF  }
0xad: {  	s28 =	simm.s32 $_size_execute0_lowered;
	s4 =	sadd.s32 s4, s6;
	[dreg:$0x0] =	wrdreg $0x0  }
0xae: {  	s6 =	sshll.u32 s28, $0x1;
	[dreg:$0x2] =	wrdreg s4  }
0xaf: {  	[dreg:$0x3] =	wrdreg s6  }
0xb0: {  	[dreg:$0x4] =	wrdreg $0xC0  }
0xb1: {  	_ =	task [dreg:s8], $0x5FFFF  }
0xb2: {  	[dreg:$0x1] =	wrdreg $0xFFFFFFFF  }
0xb3: {  	[dreg:$0x0] =	wrdreg $0x60  }
0xb4: {  	[dreg:$0x2] =	wrdreg s24  }
0xb5: {  	[dreg:$0x3] =	wrdreg s17  }
0xb6: {  	[dreg:$0x4] =	wrdreg s16  }
0xb7: {  	[dreg:$0x5] =	wrdreg $0x9  }
0xb8: {  	_ =	task.clear_ibuf [dreg:s8], $0x6FFFF;
	_ =	strace $0x90000046  }
0xb9: {  	s29 =	simm.s32 $0x9;
	_ =	strace $0x80000048  }
0xba: {  	_ =	swait.ge [sflag:s29], $0x1  }
0xbb: {  	[sflag:s29] =	ssyncadd.s32 $0xFFFFFFFF  }
0xbc: {  	_ =	strace $0x90000048  }
0xbd: {  	_ =	sfence  }
0xbe: {  	s30 =	sld [smem:$0x0];
	_ =	sdelay $0x2  }
0xbf: {  	s31 =	sshll.u32 s1, $0xD;
	s1 =	sshrl.u32 s1, $0x2  }
0xc0: {  	s3 =	sand.u32 $0x4000, s31;
	s1 =	sadd.s32 s1, s30  }
0xc1: {  	s0 =	sor.u32 s3, s0;
	s1 =	sshll.u32 s1, $0x11  }
0xc2: {  	s0 =	sor.u32 s1, s0  }
0xc3: {  	s0 =	sadd.s32 $0x8F2B, s0  }
0xc4: {  	[sflag:s0] =	ssyncadd.remote.s32 $0x1  }
0xc5: {  	_ =	sfence.sel $0xFFFF  }
0xc6: {  	[dreg:$0x0] =	wrdreg $0xFFFFFFFF;
	(pc) =	sbr.abs _section_cstart, $3  }
0xc7: {  	[dreg:$0x1] =	wrdreg $0xFFFFFFFF  }
0xc8: {  	_ =	task.clear_ibuf [dreg:s8], $0x2FFFF;
	_ =	strace $0x9FFFFFFF  }
0xc9: {  	(tm) =	ssettm $0x7FFFFFFF  }
tec
execute0_lowered:
.L_overlay_start_1:
0x0: {  	(tag) =	ssettag $0x1  }
0x1: {  	s3 =	rddreg [dreg:$0x0]  }
0x2: {  	s6 =	rddreg [dreg:$0x1]  }
0x3: {  	s7 =	rddreg [dreg:$0x2];
	s1 =	stileid.u32  }
0x4: {  	s0 =	rddreg [dreg:$0x3];
	s2 =	srdreg.scid;
	s4 =	sshll.u32 s1, $0x1  }
0x5: {  	s5 =	sand.u32 $0x1, s2;
	s8 =	sshrl.u32 s1, $0x2;
	s2 =	simm.s32 $0x0  }
0x6: {  	s4 =	sand.u32 $0x6, s4;
	s9 =	smul.u32 $0x900, s8;
	[smem:$0x7FF] =	sst s2  }
0x7: {  	s18 =	sshll.u32 s8, $0xB;
	s21 =	ssub.s32 $0x2, s5;
	s4 =	sor.u32 s5, s4  }
0x8: {  	_ =	strace $0x80000047;
	s23 =	sshrl.u32 s21, $0x1;
	s10 =	sshll.u32 s4, $0x8  }
0x9: {  	s12 =	ssub.s32 s21, s23;
	s19 =	sadd.s32 s9, s10;
	s4 =	sor.u32 s18, s10  }
0xa: {  	s24 =	sor.u32 $0x10, s10;
	s25 =	sor.u32 $0x20, s10;
	s13 =	sor.u32 $0x30, s10  }
0xb: {  	s14 =	sor.u32 $0x40, s10;
	s15 =	sor.u32 $0x50, s10;
	s16 =	sor.u32 $0x60, s10  }
0xc: {  	s26 =	sor.u32 $0x70, s10;
	s17 =	sor.u32 $0x80, s10;
	s18 =	sor.u32 $0x90, s10  }
0xd: {  	s28 =	sor.u32 $0xA0, s10;
	s29 =	sor.u32 $0xB0, s10;
	s30 =	sor.u32 $0xD0, s10  }
0xe: {  	v15 =	vlaneseq.u32;
	s31 =	sor.u32 $0xE0, s10;
	s8 =	sshrl.u32 s19, $0x3;
	s20 =	sshrl.u32 s4, $0x3  }
0xf: {  	v2 =	vor.u32 s13, v15;
	v3 =	vor.u32 s14, v15;
	s19 =	sor.u32 $0xC0, s10;
	s13 =	simm.s32 $0x500;
	s14 =	simm.s32 $0x600  }
0x10: {  	v5 =	vor.u32 s15, v15;
	v6 =	vor.u32 s16, v15;
	s15 =	simm.s32 $0x700;
	s16 =	simm.s32 $0x0;
	s22 =	sadd.s32 s8, s3  }
0x11: {  	v4 =	vor.u32 s10, v15;
	v0 =	vor.u32 s24, v15;
	v1 =	vor.u32 s25, v15;
	s11 =	sadd.s32 s20, s3;
	s6 =	sadd.s32 s6, s20;
	s7 =	sadd.s32 s7, s20  }
0x12: {  	v7 =	vor.u32 s26, v15;
	v8 =	vor.u32 s17, v15;
	v9 =	vor.u32 s18, v15;
	s20 =	sor.u32 $0xF0, s10;
	s10 =	smax.u32 s12, $0x1;
	s12 =	simm.s32 $0x400  }
0x13: {  	v10 =	vor.u32 s28, v15;
	v11 =	vor.u32 s29, v15;
	v13 =	vor.u32 s30, v15;
	s3 =	sadd.s32 $0xA00, s22;
	s4 =	sadd.s32 $0x1000, s22;
	s5 =	sadd.s32 $0x1600, s22  }
0x14: {  	v14 =	vor.u32 s31, v15;
	v12 =	vor.u32 s19, v15;
	s8 =	sadd.s32 $0x1C00, s11;
	s9 =	sadd.s32 $0x2000, s11;
	s11 =	simm.s32 $0x1;
	v15 =	vor.u32 s20, v15  }
.LBB2_1:
0x15: {  	[tilespmem:s2], [sflag:$0x1] =	stream.linear.gather [hbm4b:s3+s2], $0x100, $0x38;
	[tilespmem:$0x800] =	vst v63  }
0x16: {  	_ =	swait.ge [sflag:s11], $0x100  }
0x17: {  	[sflag:s11] =	ssyncset.done $0x0  }
0x18: {  	s17 =	simm.s32 $0x100;
	[sflag:s11] =	ssyncadd.s32 $0xFFFFFF00  }
0x19: {  	[tilespmem:s17], [sflag:$0x1] =	stream.linear.gather [hbm4b:s4+s2], $0x120, $0x38;
	[tilespmem:$0x800] =	vst v63  }
0x1a: {  	_ =	swait.ge [sflag:s11], $0x120  }
0x1b: {  	[sflag:s11] =	ssyncset.done $0x0  }
0x1c: {  	s18 =	simm.s32 $0x280;
	[sflag:s11] =	ssyncadd.s32 $0xFFFFFEE0  }
0x1d: {  	[tilespmem:s18], [sflag:$0x1] =	stream.linear.gather [hbm4b:s5+s2], $0x120, $0x38;
	[tilespmem:$0x800] =	vst v63  }
0x1e: {  	_ =	swait.ge [sflag:s11], $0x120  }
0x1f: {  	[sflag:s11] =	ssyncset.done $0x0  }
0x20: {  	[sflag:s11] =	ssyncadd.s32 $0xFFFFFEE0  }
0x21: {  	[tilespmem:s12], [sflag:$0x1] =	stream.linear.gather [hbm4b:s6+s2], $0x100, $0x38;
	[tilespmem:$0x800] =	vst v63  }
0x22: {  	_ =	swait.ge [sflag:s11], $0x100  }
0x23: {  	[sflag:s11] =	ssyncset.done $0x0  }
0x24: {  	[sflag:s11] =	ssyncadd.s32 $0xFFFFFF00  }
0x25: {  	[tilespmem:s13], [sflag:$0x1] =	stream.linear.gather [hbm4b:s7+s2], $0x100, $0x38;
	[tilespmem:$0x800] =	vst v63  }
0x26: {  	_ =	swait.ge [sflag:s11], $0x100  }
0x27: {  	[sflag:s11] =	ssyncset.done $0x0  }
0x28: {  	[sflag:s11] =	ssyncadd.s32 $0xFFFFFF00  }
0x29: {  	v19 =	vld [tilespmem:$0x0]  }
0x2a: {  	v16 =	vld [tilespmem:s17+$0x0]  }
0x2b: {  	v20 =	vld [tilespmem:$0x400]  }
0x2c: {  	v18 =	vld [tilespmem:$0x280]  }
0x2d: {  	v17 =	vld [tilespmem:s18+$0x0];
	_ =	sdelay $0x1  }
0x2e: {  	s31 =	simm.s32 $0x101;
	v16 =	vadd.f32 v16, v19  }
0x2f: {  	v22 =	vld [tilespmem:s31+$0x0];
	vm0 =	vgt.s32 v20, s2  }
0x30: {  	v21 =	vimm.f32 $-9.999999860e+14;
	v23 =	vnsel vm0, $0xD8635FA9, v16  }
0x31: {  	v24 =	vand.u32 $0x7FFFFFFF, v21;
	v16 =	vadd.f32 v17, v18;
	v17 =	vand.u32 $0x7FFFFFFF, v23  }
0x32: {  	s20 =	simm.s32 $0x281;
	v24 =	vmul.f32 v24, v21;
	v17 =	vmul.f32 v17, v23  }
0x33: {  	v26 =	vimm.f32 $1.000000000e+00;
	v25 =	vld [tilespmem:s20+$0x0];
	v27 =	vnsel vm0, $0x3F800000, v16  }
0x34: {  	s17 =	simm.s32 $0x1;
	v22 =	vadd.f32 v22, v19;
	v24 =	vmul.f32 v27, v24;
	v28 =	vmul.f32 v17, v26  }
0x35: {  	vm1 =	vgt.s32 v20, s17  }
0x36: {  	s21 =	simm.s32 $0x102;
	v22 =	vnsel vm1, $0xD8635FA9, v22;
	v16 =	vld [tilespmem:$0x500];
	vm0 =	vgt.f32 v28, v24  }
0x37: {  	s22 =	simm.s32 $0x3;
	s19 =	simm.s32 $0x0;
	s18 =	simm.s32 $0x2;
	v17 =	vimm.s32 $0x0;
	v24 =	vld [tilespmem:s21+$0x0];
	v23 =	vsel vm0, v23, v21;
	v21 =	vsel vm0, v27, v26  }
.LBB2_2:
0x38: {  	p0 =	sne.s32 s22, $0x1D;
	v26 =	vadd.f32 v25, v18;
	v25 =	vand.u32 $0x7FFFFFFF, v22;
	v27 =	vand.u32 $0x7FFFFFFF, v23  }
0x39: {  	s20 =	sadd.s32 $0x1, s20;
	v17 =	vsel vm0, s19, v17;
	s19 =	smov.u32 s17;
	s17 =	smov.u32 s18;
	v28 =	vmul.f32 v25, v22;
	v27 =	vmul.f32 v27, v23  }
.Ltmp0:
0x3a: {  	s18 =	smov.u32 s22;
	v25 =	vld [tilespmem:s20+$0x0];
	v26 =	vnsel vm1, $0x3F800000, v26;
	(pc) =	sbr.rel @p0 .LBB2_2-.Ltmp0, $4  }
0x3b: {  	v28 =	vmul.f32 v28, v21;
	v27 =	vmul.f32 v26, v27  }
0x3c: {  	v29 =	vadd.f32 v24, v19  }
0x3d: {  	s21 =	sadd.s32 $0x1, s21;
	vm1 =	vgt.s32 v20, s17;
	vm0 =	vgt.f32 v28, v27  }
0x3e: {  	s22 =	sadd.s32 $0x1, s22;
	v24 =	vld [tilespmem:s21+$0x0];
	v23 =	vsel vm0, v22, v23;
	v22 =	vnsel vm1, $0xD8635FA9, v29;
	v21 =	vsel vm0, v26, v21  }
0x3f: {  	v25 =	vadd.f32 v25, v18;
	v26 =	vand.u32 $0x7FFFFFFF, v22;
	v27 =	vand.u32 $0x7FFFFFFF, v23  }
0x40: {  	s20 =	sadd.s32 $0x1, s20;
	v26 =	vmul.f32 v26, v22;
	v27 =	vmul.f32 v27, v23  }
0x41: {  	v28 =	vld [tilespmem:s20+$0x0];
	v25 =	vnsel vm1, $0x3F800000, v25  }
0x42: {  	v26 =	vmul.f32 v26, v21;
	v27 =	vmul.f32 v25, v27  }
0x43: {  	v19 =	vadd.f32 v24, v19  }
0x44: {  	vm2 =	vgt.s32 v20, s18;
	vm1 =	vgt.f32 v26, v27  }
0x45: {  	v19 =	vnsel vm2, $0xD8635FA9, v19;
	v20 =	vsel vm1, v22, v23  }
0x46: {  	v18 =	vadd.f32 v28, v18;
	v22 =	vand.u32 $0x7FFFFFFF, v19;
	v23 =	vand.u32 $0x7FFFFFFF, v20  }
0x47: {  	v22 =	vmul.f32 v22, v19;
	v23 =	vmul.f32 v23, v20  }
0x48: {  	v21 =	vsel vm1, v25, v21;
	v18 =	vnsel vm2, $0x3F800000, v18  }
0x49: {  	v22 =	vmul.f32 v22, v21;
	v23 =	vmul.f32 v18, v23;
	_ =	sdelay $0x1  }
0x4a: {  	vm2 =	vgt.f32 v22, v23  }
0x4b: {  	v18 =	vsel vm2, v18, v21  }
0x4c: {  	v18 =	vmax.f32 v18, $1.000000020e-16  }
0x4d: {  	v21 =	vshrl.u32 v18, $0x1;
	v18 =	vmul.f32 $5.000000000e-01, v18  }
0x4e: {  	v21 =	vsub.s32 $0x5F3759DF, v21  }
0x4f: {  	v22 =	vmul.f32 v21, v18;
	_ =	sdelay $0x1  }
0x50: {  	v22 =	vmul.f32 v21, v22;
	_ =	sdelay $0x1  }
0x51: {  	v22 =	vsub.f32 $1.500000000e+00, v22;
	_ =	sdelay $0x1  }
0x52: {  	v21 =	vmul.f32 v21, v22;
	_ =	sdelay $0x1  }
0x53: {  	v22 =	vmul.f32 v21, v18;
	_ =	sdelay $0x1  }
0x54: {  	v22 =	vmul.f32 v22, v21;
	_ =	sdelay $0x1  }
0x55: {  	v22 =	vsub.f32 $1.500000000e+00, v22;
	_ =	sdelay $0x1  }
0x56: {  	v21 =	vmul.f32 v22, v21;
	_ =	sdelay $0x1  }
0x57: {  	v18 =	vmul.f32 v21, v18;
	_ =	sdelay $0x1  }
0x58: {  	v18 =	vmul.f32 v18, v21;
	_ =	sdelay $0x1  }
0x59: {  	v18 =	vsub.f32 $1.500000000e+00, v18;
	_ =	sdelay $0x1  }
0x5a: {  	v18 =	vmul.f32 v18, v21;
	_ =	sdelay $0x1  }
0x5b: {  	v17 =	vsel vm0, s19, v17;
	v19 =	vsel vm2, v19, v20;
	v18 =	vmin.f32 v18, $1.000000000e+08  }
0x5c: {  	v17 =	vsel vm1, s17, v17;
	v18 =	vmul.f32 v18, v19  }
0x5d: {  	vm0 =	vgt.s32 v16, $0x0;
	v17 =	vsel vm2, s18, v17  }
0x5e: {  	v17 =	vadd.s32 v17, v4;
	v16 =	vnsel vm0, $0xC61C4000, v18  }
0x5f: {  	[tilespmem:$0x600] =	vst v16;
	v16 =	vnsel vm0, $0xFFFFFFFF, v17  }
0x60: {  	s29 =	simm.s32 $0x110;
	v19 =	vld [tilespmem:$0x10];
	[tilespmem:$0x700] =	vst v16  }
0x61: {  	v16 =	vld [tilespmem:s29+$0x0]  }
0x62: {  	v20 =	vld [tilespmem:$0x410]  }
0x63: {  	s30 =	simm.s32 $0x290;
	v18 =	vld [tilespmem:$0x290]  }
0x64: {  	v17 =	vld [tilespmem:s30+$0x0];
	_ =	sdelay $0x1  }
0x65: {  	s31 =	simm.s32 $0x111;
	s17 =	simm.s32 $0x0;
	v16 =	vadd.f32 v16, v19  }
0x66: {  	vm0 =	vgt.s32 v20, s17;
	v22 =	vld [tilespmem:s31+$0x0]  }
0x67: {  	v21 =	vimm.f32 $-9.999999860e+14;
	v23 =	vnsel vm0, $0xD8635FA9, v16  }
0x68: {  	v24 =	vand.u32 $0x7FFFFFFF, v21;
	v16 =	vadd.f32 v17, v18;
	v17 =	vand.u32 $0x7FFFFFFF, v23  }
0x69: {  	s20 =	simm.s32 $0x291;
	v24 =	vmul.f32 v24, v21;
	v17 =	vmul.f32 v17, v23  }
0x6a: {  	v26 =	vimm.f32 $1.000000000e+00;
	v25 =	vld [tilespmem:s20+$0x0];
	v27 =	vnsel vm0, $0x3F800000, v16  }
0x6b: {  	s18 =	simm.s32 $0x1;
	v22 =	vadd.f32 v22, v19;
	v24 =	vmul.f32 v27, v24;
	v63 =	vmul.f32 v17, v26  }
0x6c: {  	vm1 =	vgt.s32 v20, s18  }
0x6d: {  	s21 =	simm.s32 $0x112;
	v22 =	vnsel vm1, $0xD8635FA9, v22;
	v16 =	vld [tilespmem:$0x510];
	vm0 =	vgt.f32 v63, v24  }
0x6e: {  	s19 =	simm.s32 $0x2;
	s22 =	simm.s32 $0x3;
	v17 =	vimm.s32 $0x0;
	v24 =	vld [tilespmem:s21+$0x0];
	v23 =	vsel vm0, v23, v21;
	v21 =	vsel vm0, v27, v26  }
.LBB2_4:
0x6f: {  	p0 =	sne.s32 s22, $0x1D;
	v26 =	vadd.f32 v25, v18;
	v25 =	vand.u32 $0x7FFFFFFF, v22;
	v27 =	vand.u32 $0x7FFFFFFF, v23  }
0x70: {  	s20 =	sadd.s32 $0x1, s20;
	v17 =	vsel vm0, s17, v17;
	s17 =	smov.u32 s18;
	s18 =	smov.u32 s19;
	v28 =	vmul.f32 v25, v22;
	v27 =	vmul.f32 v27, v23  }
.Ltmp1:
0x71: {  	s19 =	smov.u32 s22;
	v25 =	vld [tilespmem:s20+$0x0];
	v26 =	vnsel vm1, $0x3F800000, v26;
	(pc) =	sbr.rel @p0 .LBB2_4-.Ltmp1, $4  }
0x72: {  	v28 =	vmul.f32 v28, v21;
	v27 =	vmul.f32 v26, v27  }
0x73: {  	v29 =	vadd.f32 v24, v19  }
0x74: {  	s21 =	sadd.s32 $0x1, s21;
	vm1 =	vgt.s32 v20, s18;
	vm0 =	vgt.f32 v28, v27  }
0x75: {  	s22 =	sadd.s32 $0x1, s22;
	v24 =	vld [tilespmem:s21+$0x0];
	v23 =	vsel vm0, v22, v23;
	v22 =	vnsel vm1, $0xD8635FA9, v29;
	v21 =	vsel vm0, v26, v21  }
0x76: {  	v25 =	vadd.f32 v25, v18;
	v26 =	vand.u32 $0x7FFFFFFF, v22;
	v27 =	vand.u32 $0x7FFFFFFF, v23  }
0x77: {  	s20 =	sadd.s32 $0x1, s20;
	v26 =	vmul.f32 v26, v22;
	v27 =	vmul.f32 v27, v23  }
0x78: {  	v28 =	vld [tilespmem:s20+$0x0];
	v25 =	vnsel vm1, $0x3F800000, v25  }
0x79: {  	v26 =	vmul.f32 v26, v21;
	v27 =	vmul.f32 v25, v27  }
0x7a: {  	v19 =	vadd.f32 v24, v19  }
0x7b: {  	vm2 =	vgt.s32 v20, s19;
	vm1 =	vgt.f32 v26, v27  }
0x7c: {  	v19 =	vnsel vm2, $0xD8635FA9, v19;
	v20 =	vsel vm1, v22, v23  }
0x7d: {  	v18 =	vadd.f32 v28, v18;
	v22 =	vand.u32 $0x7FFFFFFF, v19;
	v23 =	vand.u32 $0x7FFFFFFF, v20  }
0x7e: {  	v22 =	vmul.f32 v22, v19;
	v23 =	vmul.f32 v23, v20  }
0x7f: {  	v21 =	vsel vm1, v25, v21;
	v18 =	vnsel vm2, $0x3F800000, v18  }
0x80: {  	v22 =	vmul.f32 v22, v21;
	v23 =	vmul.f32 v18, v23;
	_ =	sdelay $0x1  }
0x81: {  	vm2 =	vgt.f32 v22, v23  }
0x82: {  	v18 =	vsel vm2, v18, v21  }
0x83: {  	v18 =	vmax.f32 v18, $1.000000020e-16  }
0x84: {  	v21 =	vshrl.u32 v18, $0x1;
	v18 =	vmul.f32 $5.000000000e-01, v18  }
0x85: {  	v21 =	vsub.s32 $0x5F3759DF, v21  }
0x86: {  	v22 =	vmul.f32 v21, v18;
	_ =	sdelay $0x1  }
0x87: {  	v22 =	vmul.f32 v21, v22;
	_ =	sdelay $0x1  }
0x88: {  	v22 =	vsub.f32 $1.500000000e+00, v22;
	_ =	sdelay $0x1  }
0x89: {  	v21 =	vmul.f32 v21, v22;
	_ =	sdelay $0x1  }
0x8a: {  	v22 =	vmul.f32 v21, v18;
	_ =	sdelay $0x1  }
0x8b: {  	v22 =	vmul.f32 v22, v21;
	_ =	sdelay $0x1  }
0x8c: {  	v22 =	vsub.f32 $1.500000000e+00, v22;
	_ =	sdelay $0x1  }
0x8d: {  	v21 =	vmul.f32 v22, v21;
	_ =	sdelay $0x1  }
0x8e: {  	v18 =	vmul.f32 v21, v18;
	_ =	sdelay $0x1  }
0x8f: {  	v18 =	vmul.f32 v18, v21;
	_ =	sdelay $0x1  }
0x90: {  	v18 =	vsub.f32 $1.500000000e+00, v18;
	_ =	sdelay $0x1  }
0x91: {  	v18 =	vmul.f32 v18, v21;
	_ =	sdelay $0x1  }
0x92: {  	v17 =	vsel vm0, s17, v17;
	v19 =	vsel vm2, v19, v20;
	v18 =	vmin.f32 v18, $1.000000000e+08  }
0x93: {  	v17 =	vsel vm1, s18, v17;
	v18 =	vmul.f32 v18, v19  }
0x94: {  	vm0 =	vgt.s32 v16, $0x0;
	v17 =	vsel vm2, s19, v17  }
0x95: {  	v17 =	vadd.s32 v17, v0;
	v16 =	vnsel vm0, $0xC61C4000, v18  }
0x96: {  	[tilespmem:$0x610] =	vst v16;
	v16 =	vnsel vm0, $0xFFFFFFFF, v17  }
0x97: {  	s29 =	simm.s32 $0x120;
	v19 =	vld [tilespmem:$0x20];
	[tilespmem:$0x710] =	vst v16  }
0x98: {  	v16 =	vld [tilespmem:s29+$0x0]  }
0x99: {  	v20 =	vld [tilespmem:$0x420]  }
0x9a: {  	s30 =	simm.s32 $0x2A0;
	v18 =	vld [tilespmem:$0x2A0]  }
0x9b: {  	v17 =	vld [tilespmem:s30+$0x0];
	_ =	sdelay $0x1  }
0x9c: {  	s17 =	simm.s32 $0x0;
	s31 =	simm.s32 $0x121;
	v16 =	vadd.f32 v16, v19  }
0x9d: {  	vm0 =	vgt.s32 v20, s17;
	v22 =	vld [tilespmem:s31+$0x0]  }
0x9e: {  	v21 =	vimm.f32 $-9.999999860e+14;
	v23 =	vnsel vm0, $0xD8635FA9, v16  }
0x9f: {  	v24 =	vand.u32 $0x7FFFFFFF, v21;
	v16 =	vadd.f32 v17, v18;
	v17 =	vand.u32 $0x7FFFFFFF, v23  }
0xa0: {  	s20 =	simm.s32 $0x2A1;
	v24 =	vmul.f32 v24, v21;
	v17 =	vmul.f32 v17, v23  }
0xa1: {  	v26 =	vimm.f32 $1.000000000e+00;
	v25 =	vld [tilespmem:s20+$0x0];
	v27 =	vnsel vm0, $0x3F800000, v16  }
0xa2: {  	s18 =	simm.s32 $0x1;
	v22 =	vadd.f32 v22, v19;
	v24 =	vmul.f32 v27, v24;
	v63 =	vmul.f32 v17, v26  }
0xa3: {  	vm1 =	vgt.s32 v20, s18  }
0xa4: {  	s21 =	simm.s32 $0x122;
	v22 =	vnsel vm1, $0xD8635FA9, v22;
	v16 =	vld [tilespmem:$0x520];
	vm0 =	vgt.f32 v63, v24  }
0xa5: {  	s22 =	simm.s32 $0x3;
	s19 =	simm.s32 $0x2;
	v17 =	vimm.s32 $0x0;
	v24 =	vld [tilespmem:s21+$0x0];
	v23 =	vsel vm0, v23, v21;
	v21 =	vsel vm0, v27, v26  }
.LBB2_6:
0xa6: {  	p0 =	sne.s32 s22, $0x1D;
	v26 =	vadd.f32 v25, v18;
	v25 =	vand.u32 $0x7FFFFFFF, v22;
	v27 =	vand.u32 $0x7FFFFFFF, v23  }
0xa7: {  	s20 =	sadd.s32 $0x1, s20;
	v17 =	vsel vm0, s17, v17;
	s17 =	smov.u32 s18;
	s18 =	smov.u32 s19;
	v28 =	vmul.f32 v25, v22;
	v27 =	vmul.f32 v27, v23  }
.Ltmp2:
0xa8: {  	s19 =	smov.u32 s22;
	v25 =	vld [tilespmem:s20+$0x0];
	v26 =	vnsel vm1, $0x3F800000, v26;
	(pc) =	sbr.rel @p0 .LBB2_6-.Ltmp2, $4  }
0xa9: {  	v28 =	vmul.f32 v28, v21;
	v27 =	vmul.f32 v26, v27  }
0xaa: {  	v29 =	vadd.f32 v24, v19  }
0xab: {  	s21 =	sadd.s32 $0x1, s21;
	vm1 =	vgt.s32 v20, s18;
	vm0 =	vgt.f32 v28, v27  }
0xac: {  	s22 =	sadd.s32 $0x1, s22;
	v24 =	vld [tilespmem:s21+$0x0];
	v23 =	vsel vm0, v22, v23;
	v22 =	vnsel vm1, $0xD8635FA9, v29;
	v21 =	vsel vm0, v26, v21  }
0xad: {  	v25 =	vadd.f32 v25, v18;
	v26 =	vand.u32 $0x7FFFFFFF, v22;
	v27 =	vand.u32 $0x7FFFFFFF, v23  }
0xae: {  	s20 =	sadd.s32 $0x1, s20;
	v26 =	vmul.f32 v26, v22;
	v27 =	vmul.f32 v27, v23  }
0xaf: {  	v28 =	vld [tilespmem:s20+$0x0];
	v25 =	vnsel vm1, $0x3F800000, v25  }
0xb0: {  	v26 =	vmul.f32 v26, v21;
	v27 =	vmul.f32 v25, v27  }
0xb1: {  	v19 =	vadd.f32 v24, v19  }
0xb2: {  	vm2 =	vgt.s32 v20, s19;
	vm1 =	vgt.f32 v26, v27  }
0xb3: {  	v19 =	vnsel vm2, $0xD8635FA9, v19;
	v20 =	vsel vm1, v22, v23  }
0xb4: {  	v18 =	vadd.f32 v28, v18;
	v22 =	vand.u32 $0x7FFFFFFF, v19;
	v23 =	vand.u32 $0x7FFFFFFF, v20  }
0xb5: {  	v22 =	vmul.f32 v22, v19;
	v23 =	vmul.f32 v23, v20  }
0xb6: {  	v21 =	vsel vm1, v25, v21;
	v18 =	vnsel vm2, $0x3F800000, v18  }
0xb7: {  	v22 =	vmul.f32 v22, v21;
	v23 =	vmul.f32 v18, v23;
	_ =	sdelay $0x1  }
0xb8: {  	vm2 =	vgt.f32 v22, v23  }
0xb9: {  	v18 =	vsel vm2, v18, v21  }
0xba: {  	v18 =	vmax.f32 v18, $1.000000020e-16  }
0xbb: {  	v21 =	vshrl.u32 v18, $0x1;
	v18 =	vmul.f32 $5.000000000e-01, v18  }
0xbc: {  	v21 =	vsub.s32 $0x5F3759DF, v21  }
0xbd: {  	v22 =	vmul.f32 v21, v18;
	_ =	sdelay $0x1  }
0xbe: {  	v22 =	vmul.f32 v21, v22;
	_ =	sdelay $0x1  }
0xbf: {  	v22 =	vsub.f32 $1.500000000e+00, v22;
	_ =	sdelay $0x1  }
0xc0: {  	v21 =	vmul.f32 v21, v22;
	_ =	sdelay $0x1  }
0xc1: {  	v22 =	vmul.f32 v21, v18;
	_ =	sdelay $0x1  }
0xc2: {  	v22 =	vmul.f32 v22, v21;
	_ =	sdelay $0x1  }
0xc3: {  	v22 =	vsub.f32 $1.500000000e+00, v22;
	_ =	sdelay $0x1  }
0xc4: {  	v21 =	vmul.f32 v22, v21;
	_ =	sdelay $0x1  }
0xc5: {  	v18 =	vmul.f32 v21, v18;
	_ =	sdelay $0x1  }
0xc6: {  	v18 =	vmul.f32 v18, v21;
	_ =	sdelay $0x1  }
0xc7: {  	v18 =	vsub.f32 $1.500000000e+00, v18;
	_ =	sdelay $0x1  }
0xc8: {  	v18 =	vmul.f32 v18, v21;
	_ =	sdelay $0x1  }
0xc9: {  	v17 =	vsel vm0, s17, v17;
	v19 =	vsel vm2, v19, v20;
	v18 =	vmin.f32 v18, $1.000000000e+08  }
0xca: {  	v17 =	vsel vm1, s18, v17;
	v18 =	vmul.f32 v18, v19  }
0xcb: {  	vm0 =	vgt.s32 v16, $0x0;
	v17 =	vsel vm2, s19, v17  }
0xcc: {  	v17 =	vadd.s32 v17, v1;
	v16 =	vnsel vm0, $0xC61C4000, v18  }
0xcd: {  	[tilespmem:$0x620] =	vst v16;
	v16 =	vnsel vm0, $0xFFFFFFFF, v17  }
0xce: {  	s29 =	simm.s32 $0x130;
	v19 =	vld [tilespmem:$0x30];
	[tilespmem:$0x720] =	vst v16  }
0xcf: {  	v16 =	vld [tilespmem:s29+$0x0]  }
0xd0: {  	v20 =	vld [tilespmem:$0x430]  }
0xd1: {  	s30 =	simm.s32 $0x2B0;
	v18 =	vld [tilespmem:$0x2B0]  }
0xd2: {  	v17 =	vld [tilespmem:s30+$0x0];
	_ =	sdelay $0x1  }
0xd3: {  	s17 =	simm.s32 $0x0;
	s31 =	simm.s32 $0x131;
	v16 =	vadd.f32 v16, v19  }
0xd4: {  	vm0 =	vgt.s32 v20, s17;
	v22 =	vld [tilespmem:s31+$0x0]  }
0xd5: {  	v21 =	vimm.f32 $-9.999999860e+14;
	v23 =	vnsel vm0, $0xD8635FA9, v16  }
0xd6: {  	v24 =	vand.u32 $0x7FFFFFFF, v21;
	v16 =	vadd.f32 v17, v18;
	v17 =	vand.u32 $0x7FFFFFFF, v23  }
0xd7: {  	s20 =	simm.s32 $0x2B1;
	v24 =	vmul.f32 v24, v21;
	v17 =	vmul.f32 v17, v23  }
0xd8: {  	v26 =	vimm.f32 $1.000000000e+00;
	v25 =	vld [tilespmem:s20+$0x0];
	v27 =	vnsel vm0, $0x3F800000, v16  }
0xd9: {  	s18 =	simm.s32 $0x1;
	v22 =	vadd.f32 v22, v19;
	v24 =	vmul.f32 v27, v24;
	v63 =	vmul.f32 v17, v26  }
0xda: {  	vm1 =	vgt.s32 v20, s18  }
0xdb: {  	s21 =	simm.s32 $0x132;
	v22 =	vnsel vm1, $0xD8635FA9, v22;
	v16 =	vld [tilespmem:$0x530];
	vm0 =	vgt.f32 v63, v24  }
0xdc: {  	s22 =	simm.s32 $0x3;
	s19 =	simm.s32 $0x2;
	v17 =	vimm.s32 $0x0;
	v24 =	vld [tilespmem:s21+$0x0];
	v23 =	vsel vm0, v23, v21;
	v21 =	vsel vm0, v27, v26  }
.LBB2_8:
0xdd: {  	p0 =	sne.s32 s22, $0x1D;
	v26 =	vadd.f32 v25, v18;
	v25 =	vand.u32 $0x7FFFFFFF, v22;
	v27 =	vand.u32 $0x7FFFFFFF, v23  }
0xde: {  	s20 =	sadd.s32 $0x1, s20;
	v17 =	vsel vm0, s17, v17;
	s17 =	smov.u32 s18;
	s18 =	smov.u32 s19;
	v28 =	vmul.f32 v25, v22;
	v27 =	vmul.f32 v27, v23  }
.Ltmp3:
0xdf: {  	s19 =	smov.u32 s22;
	v25 =	vld [tilespmem:s20+$0x0];
	v26 =	vnsel vm1, $0x3F800000, v26;
	(pc) =	sbr.rel @p0 .LBB2_8-.Ltmp3, $4  }
0xe0: {  	v28 =	vmul.f32 v28, v21;
	v27 =	vmul.f32 v26, v27  }
0xe1: {  	v29 =	vadd.f32 v24, v19  }
0xe2: {  	s21 =	sadd.s32 $0x1, s21;
	vm1 =	vgt.s32 v20, s18;
	vm0 =	vgt.f32 v28, v27  }
0xe3: {  	s22 =	sadd.s32 $0x1, s22;
	v24 =	vld [tilespmem:s21+$0x0];
	v23 =	vsel vm0, v22, v23;
	v22 =	vnsel vm1, $0xD8635FA9, v29;
	v21 =	vsel vm0, v26, v21  }
0xe4: {  	v25 =	vadd.f32 v25, v18;
	v26 =	vand.u32 $0x7FFFFFFF, v22;
	v27 =	vand.u32 $0x7FFFFFFF, v23  }
0xe5: {  	s20 =	sadd.s32 $0x1, s20;
	v26 =	vmul.f32 v26, v22;
	v27 =	vmul.f32 v27, v23  }
0xe6: {  	v28 =	vld [tilespmem:s20+$0x0];
	v25 =	vnsel vm1, $0x3F800000, v25  }
0xe7: {  	v26 =	vmul.f32 v26, v21;
	v27 =	vmul.f32 v25, v27  }
0xe8: {  	v19 =	vadd.f32 v24, v19  }
0xe9: {  	vm2 =	vgt.s32 v20, s19;
	vm1 =	vgt.f32 v26, v27  }
0xea: {  	v19 =	vnsel vm2, $0xD8635FA9, v19;
	v20 =	vsel vm1, v22, v23  }
0xeb: {  	v18 =	vadd.f32 v28, v18;
	v22 =	vand.u32 $0x7FFFFFFF, v19;
	v23 =	vand.u32 $0x7FFFFFFF, v20  }
0xec: {  	v22 =	vmul.f32 v22, v19;
	v23 =	vmul.f32 v23, v20  }
0xed: {  	v21 =	vsel vm1, v25, v21;
	v18 =	vnsel vm2, $0x3F800000, v18  }
0xee: {  	v22 =	vmul.f32 v22, v21;
	v23 =	vmul.f32 v18, v23;
	_ =	sdelay $0x1  }
0xef: {  	vm2 =	vgt.f32 v22, v23  }
0xf0: {  	v18 =	vsel vm2, v18, v21  }
0xf1: {  	v18 =	vmax.f32 v18, $1.000000020e-16  }
0xf2: {  	v21 =	vshrl.u32 v18, $0x1;
	v18 =	vmul.f32 $5.000000000e-01, v18  }
0xf3: {  	v21 =	vsub.s32 $0x5F3759DF, v21  }
0xf4: {  	v22 =	vmul.f32 v21, v18;
	_ =	sdelay $0x1  }
0xf5: {  	v22 =	vmul.f32 v21, v22;
	_ =	sdelay $0x1  }
0xf6: {  	v22 =	vsub.f32 $1.500000000e+00, v22;
	_ =	sdelay $0x1  }
0xf7: {  	v21 =	vmul.f32 v21, v22;
	_ =	sdelay $0x1  }
0xf8: {  	v22 =	vmul.f32 v21, v18;
	_ =	sdelay $0x1  }
0xf9: {  	v22 =	vmul.f32 v22, v21;
	_ =	sdelay $0x1  }
0xfa: {  	v22 =	vsub.f32 $1.500000000e+00, v22;
	_ =	sdelay $0x1  }
0xfb: {  	v21 =	vmul.f32 v22, v21;
	_ =	sdelay $0x1  }
0xfc: {  	v18 =	vmul.f32 v21, v18;
	_ =	sdelay $0x1  }
0xfd: {  	v18 =	vmul.f32 v18, v21;
	_ =	sdelay $0x1  }
0xfe: {  	v18 =	vsub.f32 $1.500000000e+00, v18;
	_ =	sdelay $0x1  }
0xff: {  	v18 =	vmul.f32 v18, v21;
	_ =	sdelay $0x1  }
0x100: {  	v17 =	vsel vm0, s17, v17;
	v19 =	vsel vm2, v19, v20;
	v18 =	vmin.f32 v18, $1.000000000e+08  }
0x101: {  	v17 =	vsel vm1, s18, v17;
	v18 =	vmul.f32 v18, v19  }
0x102: {  	vm0 =	vgt.s32 v16, $0x0;
	v17 =	vsel vm2, s19, v17  }
0x103: {  	v17 =	vadd.s32 v17, v2;
	v16 =	vnsel vm0, $0xC61C4000, v18  }
0x104: {  	[tilespmem:$0x630] =	vst v16;
	v16 =	vnsel vm0, $0xFFFFFFFF, v17  }
0x105: {  	s29 =	simm.s32 $0x140;
	v19 =	vld [tilespmem:$0x40];
	[tilespmem:$0x730] =	vst v16  }
0x106: {  	v16 =	vld [tilespmem:s29+$0x0]  }
0x107: {  	v20 =	vld [tilespmem:$0x440]  }
0x108: {  	s30 =	simm.s32 $0x2C0;
	v18 =	vld [tilespmem:$0x2C0]  }
0x109: {  	v17 =	vld [tilespmem:s30+$0x0];
	_ =	sdelay $0x1  }
0x10a: {  	s17 =	simm.s32 $0x0;
	s31 =	simm.s32 $0x141;
	v16 =	vadd.f32 v16, v19  }
0x10b: {  	vm0 =	vgt.s32 v20, s17;
	v22 =	vld [tilespmem:s31+$0x0]  }
0x10c: {  	v21 =	vimm.f32 $-9.999999860e+14;
	v23 =	vnsel vm0, $0xD8635FA9, v16  }
0x10d: {  	v24 =	vand.u32 $0x7FFFFFFF, v21;
	v16 =	vadd.f32 v17, v18;
	v17 =	vand.u32 $0x7FFFFFFF, v23  }
0x10e: {  	s20 =	simm.s32 $0x2C1;
	v24 =	vmul.f32 v24, v21;
	v17 =	vmul.f32 v17, v23  }
0x10f: {  	v26 =	vimm.f32 $1.000000000e+00;
	v25 =	vld [tilespmem:s20+$0x0];
	v27 =	vnsel vm0, $0x3F800000, v16  }
0x110: {  	s18 =	simm.s32 $0x1;
	v22 =	vadd.f32 v22, v19;
	v24 =	vmul.f32 v27, v24;
	v63 =	vmul.f32 v17, v26  }
0x111: {  	vm1 =	vgt.s32 v20, s18  }
0x112: {  	s21 =	simm.s32 $0x142;
	v22 =	vnsel vm1, $0xD8635FA9, v22;
	v16 =	vld [tilespmem:$0x540];
	vm0 =	vgt.f32 v63, v24  }
0x113: {  	s22 =	simm.s32 $0x3;
	s19 =	simm.s32 $0x2;
	v17 =	vimm.s32 $0x0;
	v24 =	vld [tilespmem:s21+$0x0];
	v23 =	vsel vm0, v23, v21;
	v21 =	vsel vm0, v27, v26  }
.LBB2_10:
0x114: {  	p0 =	sne.s32 s22, $0x1D;
	v26 =	vadd.f32 v25, v18;
	v25 =	vand.u32 $0x7FFFFFFF, v22;
	v27 =	vand.u32 $0x7FFFFFFF, v23  }
0x115: {  	s20 =	sadd.s32 $0x1, s20;
	v17 =	vsel vm0, s17, v17;
	s17 =	smov.u32 s18;
	s18 =	smov.u32 s19;
	v28 =	vmul.f32 v25, v22;
	v27 =	vmul.f32 v27, v23  }
.Ltmp4:
0x116: {  	s19 =	smov.u32 s22;
	v25 =	vld [tilespmem:s20+$0x0];
	v26 =	vnsel vm1, $0x3F800000, v26;
	(pc) =	sbr.rel @p0 .LBB2_10-.Ltmp4, $4  }
0x117: {  	v28 =	vmul.f32 v28, v21;
	v27 =	vmul.f32 v26, v27  }
0x118: {  	v29 =	vadd.f32 v24, v19  }
0x119: {  	s21 =	sadd.s32 $0x1, s21;
	vm1 =	vgt.s32 v20, s18;
	vm0 =	vgt.f32 v28, v27  }
0x11a: {  	s22 =	sadd.s32 $0x1, s22;
	v24 =	vld [tilespmem:s21+$0x0];
	v23 =	vsel vm0, v22, v23;
	v22 =	vnsel vm1, $0xD8635FA9, v29;
	v21 =	vsel vm0, v26, v21  }
0x11b: {  	v25 =	vadd.f32 v25, v18;
	v26 =	vand.u32 $0x7FFFFFFF, v22;
	v27 =	vand.u32 $0x7FFFFFFF, v23  }
0x11c: {  	s20 =	sadd.s32 $0x1, s20;
	v26 =	vmul.f32 v26, v22;
	v27 =	vmul.f32 v27, v23  }
0x11d: {  	v28 =	vld [tilespmem:s20+$0x0];
	v25 =	vnsel vm1, $0x3F800000, v25  }
0x11e: {  	v26 =	vmul.f32 v26, v21;
	v27 =	vmul.f32 v25, v27  }
0x11f: {  	v19 =	vadd.f32 v24, v19  }
0x120: {  	vm2 =	vgt.s32 v20, s19;
	vm1 =	vgt.f32 v26, v27  }
0x121: {  	v19 =	vnsel vm2, $0xD8635FA9, v19;
	v20 =	vsel vm1, v22, v23  }
0x122: {  	v18 =	vadd.f32 v28, v18;
	v22 =	vand.u32 $0x7FFFFFFF, v19;
	v23 =	vand.u32 $0x7FFFFFFF, v20  }
0x123: {  	v22 =	vmul.f32 v22, v19;
	v23 =	vmul.f32 v23, v20  }
0x124: {  	v21 =	vsel vm1, v25, v21;
	v18 =	vnsel vm2, $0x3F800000, v18  }
0x125: {  	v22 =	vmul.f32 v22, v21;
	v23 =	vmul.f32 v18, v23;
	_ =	sdelay $0x1  }
0x126: {  	vm2 =	vgt.f32 v22, v23  }
0x127: {  	v18 =	vsel vm2, v18, v21  }
0x128: {  	v18 =	vmax.f32 v18, $1.000000020e-16  }
0x129: {  	v21 =	vshrl.u32 v18, $0x1;
	v18 =	vmul.f32 $5.000000000e-01, v18  }
0x12a: {  	v21 =	vsub.s32 $0x5F3759DF, v21  }
0x12b: {  	v22 =	vmul.f32 v21, v18;
	_ =	sdelay $0x1  }
0x12c: {  	v22 =	vmul.f32 v21, v22;
	_ =	sdelay $0x1  }
0x12d: {  	v22 =	vsub.f32 $1.500000000e+00, v22;
	_ =	sdelay $0x1  }
0x12e: {  	v21 =	vmul.f32 v21, v22;
	_ =	sdelay $0x1  }
0x12f: {  	v22 =	vmul.f32 v21, v18;
	_ =	sdelay $0x1  }
0x130: {  	v22 =	vmul.f32 v22, v21;
	_ =	sdelay $0x1  }
0x131: {  	v22 =	vsub.f32 $1.500000000e+00, v22;
	_ =	sdelay $0x1  }
0x132: {  	v21 =	vmul.f32 v22, v21;
	_ =	sdelay $0x1  }
0x133: {  	v18 =	vmul.f32 v21, v18;
	_ =	sdelay $0x1  }
0x134: {  	v18 =	vmul.f32 v18, v21;
	_ =	sdelay $0x1  }
0x135: {  	v18 =	vsub.f32 $1.500000000e+00, v18;
	_ =	sdelay $0x1  }
0x136: {  	v18 =	vmul.f32 v18, v21;
	_ =	sdelay $0x1  }
0x137: {  	v17 =	vsel vm0, s17, v17;
	v19 =	vsel vm2, v19, v20;
	v18 =	vmin.f32 v18, $1.000000000e+08  }
0x138: {  	v17 =	vsel vm1, s18, v17;
	v18 =	vmul.f32 v18, v19  }
0x139: {  	vm0 =	vgt.s32 v16, $0x0;
	v17 =	vsel vm2, s19, v17  }
0x13a: {  	v17 =	vadd.s32 v17, v3;
	v16 =	vnsel vm0, $0xC61C4000, v18  }
0x13b: {  	[tilespmem:$0x640] =	vst v16;
	v16 =	vnsel vm0, $0xFFFFFFFF, v17  }
0x13c: {  	s29 =	simm.s32 $0x150;
	v19 =	vld [tilespmem:$0x50];
	[tilespmem:$0x740] =	vst v16  }
0x13d: {  	v16 =	vld [tilespmem:s29+$0x0]  }
0x13e: {  	v20 =	vld [tilespmem:$0x450]  }
0x13f: {  	s30 =	simm.s32 $0x2D0;
	v18 =	vld [tilespmem:$0x2D0]  }
0x140: {  	v17 =	vld [tilespmem:s30+$0x0];
	_ =	sdelay $0x1  }
0x141: {  	s17 =	simm.s32 $0x0;
	s31 =	simm.s32 $0x151;
	v16 =	vadd.f32 v16, v19  }
0x142: {  	vm0 =	vgt.s32 v20, s17;
	v22 =	vld [tilespmem:s31+$0x0]  }
0x143: {  	v21 =	vimm.f32 $-9.999999860e+14;
	v23 =	vnsel vm0, $0xD8635FA9, v16  }
0x144: {  	v24 =	vand.u32 $0x7FFFFFFF, v21;
	v16 =	vadd.f32 v17, v18;
	v17 =	vand.u32 $0x7FFFFFFF, v23  }
0x145: {  	s20 =	simm.s32 $0x2D1;
	v24 =	vmul.f32 v24, v21;
	v17 =	vmul.f32 v17, v23  }
0x146: {  	v26 =	vimm.f32 $1.000000000e+00;
	v25 =	vld [tilespmem:s20+$0x0];
	v27 =	vnsel vm0, $0x3F800000, v16  }
0x147: {  	s18 =	simm.s32 $0x1;
	v22 =	vadd.f32 v22, v19;
	v24 =	vmul.f32 v27, v24;
	v63 =	vmul.f32 v17, v26  }
0x148: {  	vm1 =	vgt.s32 v20, s18  }
0x149: {  	s21 =	simm.s32 $0x152;
	v22 =	vnsel vm1, $0xD8635FA9, v22;
	v16 =	vld [tilespmem:$0x550];
	vm0 =	vgt.f32 v63, v24  }
0x14a: {  	s22 =	simm.s32 $0x3;
	s19 =	simm.s32 $0x2;
	v17 =	vimm.s32 $0x0;
	v24 =	vld [tilespmem:s21+$0x0];
	v23 =	vsel vm0, v23, v21;
	v21 =	vsel vm0, v27, v26  }
.LBB2_12:
0x14b: {  	p0 =	sne.s32 s22, $0x1D;
	v26 =	vadd.f32 v25, v18;
	v25 =	vand.u32 $0x7FFFFFFF, v22;
	v27 =	vand.u32 $0x7FFFFFFF, v23  }
0x14c: {  	s20 =	sadd.s32 $0x1, s20;
	v17 =	vsel vm0, s17, v17;
	s17 =	smov.u32 s18;
	s18 =	smov.u32 s19;
	v28 =	vmul.f32 v25, v22;
	v27 =	vmul.f32 v27, v23  }
.Ltmp5:
0x14d: {  	s19 =	smov.u32 s22;
	v25 =	vld [tilespmem:s20+$0x0];
	v26 =	vnsel vm1, $0x3F800000, v26;
	(pc) =	sbr.rel @p0 .LBB2_12-.Ltmp5, $4  }
0x14e: {  	v28 =	vmul.f32 v28, v21;
	v27 =	vmul.f32 v26, v27  }
0x14f: {  	v29 =	vadd.f32 v24, v19  }
0x150: {  	s21 =	sadd.s32 $0x1, s21;
	vm1 =	vgt.s32 v20, s18;
	vm0 =	vgt.f32 v28, v27  }
0x151: {  	s22 =	sadd.s32 $0x1, s22;
	v24 =	vld [tilespmem:s21+$0x0];
	v23 =	vsel vm0, v22, v23;
	v22 =	vnsel vm1, $0xD8635FA9, v29;
	v21 =	vsel vm0, v26, v21  }
0x152: {  	v25 =	vadd.f32 v25, v18;
	v26 =	vand.u32 $0x7FFFFFFF, v22;
	v27 =	vand.u32 $0x7FFFFFFF, v23  }
0x153: {  	s20 =	sadd.s32 $0x1, s20;
	v26 =	vmul.f32 v26, v22;
	v27 =	vmul.f32 v27, v23  }
0x154: {  	v28 =	vld [tilespmem:s20+$0x0];
	v25 =	vnsel vm1, $0x3F800000, v25  }
0x155: {  	v26 =	vmul.f32 v26, v21;
	v27 =	vmul.f32 v25, v27  }
0x156: {  	v19 =	vadd.f32 v24, v19  }
0x157: {  	vm2 =	vgt.s32 v20, s19;
	vm1 =	vgt.f32 v26, v27  }
0x158: {  	v19 =	vnsel vm2, $0xD8635FA9, v19;
	v20 =	vsel vm1, v22, v23  }
0x159: {  	v18 =	vadd.f32 v28, v18;
	v22 =	vand.u32 $0x7FFFFFFF, v19;
	v23 =	vand.u32 $0x7FFFFFFF, v20  }
0x15a: {  	v22 =	vmul.f32 v22, v19;
	v23 =	vmul.f32 v23, v20  }
0x15b: {  	v21 =	vsel vm1, v25, v21;
	v18 =	vnsel vm2, $0x3F800000, v18  }
0x15c: {  	v22 =	vmul.f32 v22, v21;
	v23 =	vmul.f32 v18, v23;
	_ =	sdelay $0x1  }
0x15d: {  	vm2 =	vgt.f32 v22, v23  }
0x15e: {  	v18 =	vsel vm2, v18, v21  }
0x15f: {  	v18 =	vmax.f32 v18, $1.000000020e-16  }
0x160: {  	v21 =	vshrl.u32 v18, $0x1;
	v18 =	vmul.f32 $5.000000000e-01, v18  }
0x161: {  	v21 =	vsub.s32 $0x5F3759DF, v21  }
0x162: {  	v22 =	vmul.f32 v21, v18;
	_ =	sdelay $0x1  }
0x163: {  	v22 =	vmul.f32 v21, v22;
	_ =	sdelay $0x1  }
0x164: {  	v22 =	vsub.f32 $1.500000000e+00, v22;
	_ =	sdelay $0x1  }
0x165: {  	v21 =	vmul.f32 v21, v22;
	_ =	sdelay $0x1  }
0x166: {  	v22 =	vmul.f32 v21, v18;
	_ =	sdelay $0x1  }
0x167: {  	v22 =	vmul.f32 v22, v21;
	_ =	sdelay $0x1  }
0x168: {  	v22 =	vsub.f32 $1.500000000e+00, v22;
	_ =	sdelay $0x1  }
0x169: {  	v21 =	vmul.f32 v22, v21;
	_ =	sdelay $0x1  }
0x16a: {  	v18 =	vmul.f32 v21, v18;
	_ =	sdelay $0x1  }
0x16b: {  	v18 =	vmul.f32 v18, v21;
	_ =	sdelay $0x1  }
0x16c: {  	v18 =	vsub.f32 $1.500000000e+00, v18;
	_ =	sdelay $0x1  }
0x16d: {  	v18 =	vmul.f32 v18, v21;
	_ =	sdelay $0x1  }
0x16e: {  	v17 =	vsel vm0, s17, v17;
	v19 =	vsel vm2, v19, v20;
	v18 =	vmin.f32 v18, $1.000000000e+08  }
0x16f: {  	v17 =	vsel vm1, s18, v17;
	v18 =	vmul.f32 v18, v19  }
0x170: {  	vm0 =	vgt.s32 v16, $0x0;
	v17 =	vsel vm2, s19, v17  }
0x171: {  	v17 =	vadd.s32 v17, v5;
	v16 =	vnsel vm0, $0xC61C4000, v18  }
0x172: {  	[tilespmem:$0x650] =	vst v16;
	v16 =	vnsel vm0, $0xFFFFFFFF, v17  }
0x173: {  	s29 =	simm.s32 $0x160;
	v19 =	vld [tilespmem:$0x60];
	[tilespmem:$0x750] =	vst v16  }
0x174: {  	v16 =	vld [tilespmem:s29+$0x0]  }
0x175: {  	v20 =	vld [tilespmem:$0x460]  }
0x176: {  	s30 =	simm.s32 $0x2E0;
	v18 =	vld [tilespmem:$0x2E0]  }
0x177: {  	v17 =	vld [tilespmem:s30+$0x0];
	_ =	sdelay $0x1  }
0x178: {  	s17 =	simm.s32 $0x0;
	s31 =	simm.s32 $0x161;
	v16 =	vadd.f32 v16, v19  }
0x179: {  	vm0 =	vgt.s32 v20, s17;
	v22 =	vld [tilespmem:s31+$0x0]  }
0x17a: {  	v21 =	vimm.f32 $-9.999999860e+14;
	v23 =	vnsel vm0, $0xD8635FA9, v16  }
0x17b: {  	v24 =	vand.u32 $0x7FFFFFFF, v21;
	v16 =	vadd.f32 v17, v18;
	v17 =	vand.u32 $0x7FFFFFFF, v23  }
0x17c: {  	s20 =	simm.s32 $0x2E1;
	v24 =	vmul.f32 v24, v21;
	v17 =	vmul.f32 v17, v23  }
0x17d: {  	v26 =	vimm.f32 $1.000000000e+00;
	v25 =	vld [tilespmem:s20+$0x0];
	v27 =	vnsel vm0, $0x3F800000, v16  }
0x17e: {  	s18 =	simm.s32 $0x1;
	v22 =	vadd.f32 v22, v19;
	v24 =	vmul.f32 v27, v24;
	v63 =	vmul.f32 v17, v26  }
0x17f: {  	vm1 =	vgt.s32 v20, s18  }
0x180: {  	s21 =	simm.s32 $0x162;
	v22 =	vnsel vm1, $0xD8635FA9, v22;
	v16 =	vld [tilespmem:$0x560];
	vm0 =	vgt.f32 v63, v24  }
0x181: {  	s22 =	simm.s32 $0x3;
	s19 =	simm.s32 $0x2;
	v17 =	vimm.s32 $0x0;
	v24 =	vld [tilespmem:s21+$0x0];
	v23 =	vsel vm0, v23, v21;
	v21 =	vsel vm0, v27, v26  }
.LBB2_14:
0x182: {  	p0 =	sne.s32 s22, $0x1D;
	v26 =	vadd.f32 v25, v18;
	v25 =	vand.u32 $0x7FFFFFFF, v22;
	v27 =	vand.u32 $0x7FFFFFFF, v23  }
0x183: {  	s20 =	sadd.s32 $0x1, s20;
	v17 =	vsel vm0, s17, v17;
	s17 =	smov.u32 s18;
	s18 =	smov.u32 s19;
	v28 =	vmul.f32 v25, v22;
	v27 =	vmul.f32 v27, v23  }
.Ltmp6:
0x184: {  	s19 =	smov.u32 s22;
	v25 =	vld [tilespmem:s20+$0x0];
	v26 =	vnsel vm1, $0x3F800000, v26;
	(pc) =	sbr.rel @p0 .LBB2_14-.Ltmp6, $4  }
0x185: {  	v28 =	vmul.f32 v28, v21;
	v27 =	vmul.f32 v26, v27  }
0x186: {  	v29 =	vadd.f32 v24, v19  }
0x187: {  	s21 =	sadd.s32 $0x1, s21;
	vm1 =	vgt.s32 v20, s18;
	vm0 =	vgt.f32 v28, v27  }
0x188: {  	s22 =	sadd.s32 $0x1, s22;
	v24 =	vld [tilespmem:s21+$0x0];
	v23 =	vsel vm0, v22, v23;
	v22 =	vnsel vm1, $0xD8635FA9, v29;
	v21 =	vsel vm0, v26, v21  }
0x189: {  	v25 =	vadd.f32 v25, v18;
	v26 =	vand.u32 $0x7FFFFFFF, v22;
	v27 =	vand.u32 $0x7FFFFFFF, v23  }
0x18a: {  	s20 =	sadd.s32 $0x1, s20;
	v26 =	vmul.f32 v26, v22;
	v27 =	vmul.f32 v27, v23  }
0x18b: {  	v28 =	vld [tilespmem:s20+$0x0];
	v25 =	vnsel vm1, $0x3F800000, v25  }
0x18c: {  	v26 =	vmul.f32 v26, v21;
	v27 =	vmul.f32 v25, v27  }
0x18d: {  	v19 =	vadd.f32 v24, v19  }
0x18e: {  	vm2 =	vgt.s32 v20, s19;
	vm1 =	vgt.f32 v26, v27  }
0x18f: {  	v19 =	vnsel vm2, $0xD8635FA9, v19;
	v20 =	vsel vm1, v22, v23  }
0x190: {  	v18 =	vadd.f32 v28, v18;
	v22 =	vand.u32 $0x7FFFFFFF, v19;
	v23 =	vand.u32 $0x7FFFFFFF, v20  }
0x191: {  	v22 =	vmul.f32 v22, v19;
	v23 =	vmul.f32 v23, v20  }
0x192: {  	v21 =	vsel vm1, v25, v21;
	v18 =	vnsel vm2, $0x3F800000, v18  }
0x193: {  	v22 =	vmul.f32 v22, v21;
	v23 =	vmul.f32 v18, v23;
	_ =	sdelay $0x1  }
0x194: {  	vm2 =	vgt.f32 v22, v23  }
0x195: {  	v18 =	vsel vm2, v18, v21  }
0x196: {  	v18 =	vmax.f32 v18, $1.000000020e-16  }
0x197: {  	v21 =	vshrl.u32 v18, $0x1;
	v18 =	vmul.f32 $5.000000000e-01, v18  }
0x198: {  	v21 =	vsub.s32 $0x5F3759DF, v21  }
0x199: {  	v22 =	vmul.f32 v21, v18;
	_ =	sdelay $0x1  }
0x19a: {  	v22 =	vmul.f32 v21, v22;
	_ =	sdelay $0x1  }
0x19b: {  	v22 =	vsub.f32 $1.500000000e+00, v22;
	_ =	sdelay $0x1  }
0x19c: {  	v21 =	vmul.f32 v21, v22;
	_ =	sdelay $0x1  }
0x19d: {  	v22 =	vmul.f32 v21, v18;
	_ =	sdelay $0x1  }
0x19e: {  	v22 =	vmul.f32 v22, v21;
	_ =	sdelay $0x1  }
0x19f: {  	v22 =	vsub.f32 $1.500000000e+00, v22;
	_ =	sdelay $0x1  }
0x1a0: {  	v21 =	vmul.f32 v22, v21;
	_ =	sdelay $0x1  }
0x1a1: {  	v18 =	vmul.f32 v21, v18;
	_ =	sdelay $0x1  }
0x1a2: {  	v18 =	vmul.f32 v18, v21;
	_ =	sdelay $0x1  }
0x1a3: {  	v18 =	vsub.f32 $1.500000000e+00, v18;
	_ =	sdelay $0x1  }
0x1a4: {  	v18 =	vmul.f32 v18, v21;
	_ =	sdelay $0x1  }
0x1a5: {  	v17 =	vsel vm0, s17, v17;
	v19 =	vsel vm2, v19, v20;
	v18 =	vmin.f32 v18, $1.000000000e+08  }
0x1a6: {  	v17 =	vsel vm1, s18, v17;
	v18 =	vmul.f32 v18, v19  }
0x1a7: {  	vm0 =	vgt.s32 v16, $0x0;
	v17 =	vsel vm2, s19, v17  }
0x1a8: {  	v17 =	vadd.s32 v17, v6;
	v16 =	vnsel vm0, $0xC61C4000, v18  }
0x1a9: {  	[tilespmem:$0x660] =	vst v16;
	v16 =	vnsel vm0, $0xFFFFFFFF, v17  }
0x1aa: {  	s29 =	simm.s32 $0x170;
	v19 =	vld [tilespmem:$0x70];
	[tilespmem:$0x760] =	vst v16  }
0x1ab: {  	v16 =	vld [tilespmem:s29+$0x0]  }
0x1ac: {  	v20 =	vld [tilespmem:$0x470]  }
0x1ad: {  	s30 =	simm.s32 $0x2F0;
	v18 =	vld [tilespmem:$0x2F0]  }
0x1ae: {  	v17 =	vld [tilespmem:s30+$0x0];
	_ =	sdelay $0x1  }
0x1af: {  	s17 =	simm.s32 $0x0;
	s31 =	simm.s32 $0x171;
	v16 =	vadd.f32 v16, v19  }
0x1b0: {  	vm0 =	vgt.s32 v20, s17;
	v22 =	vld [tilespmem:s31+$0x0]  }
0x1b1: {  	v21 =	vimm.f32 $-9.999999860e+14;
	v23 =	vnsel vm0, $0xD8635FA9, v16  }
0x1b2: {  	v24 =	vand.u32 $0x7FFFFFFF, v21;
	v16 =	vadd.f32 v17, v18;
	v17 =	vand.u32 $0x7FFFFFFF, v23  }
0x1b3: {  	s20 =	simm.s32 $0x2F1;
	v24 =	vmul.f32 v24, v21;
	v17 =	vmul.f32 v17, v23  }
0x1b4: {  	v26 =	vimm.f32 $1.000000000e+00;
	v25 =	vld [tilespmem:s20+$0x0];
	v27 =	vnsel vm0, $0x3F800000, v16  }
0x1b5: {  	s18 =	simm.s32 $0x1;
	v22 =	vadd.f32 v22, v19;
	v24 =	vmul.f32 v27, v24;
	v63 =	vmul.f32 v17, v26  }
0x1b6: {  	vm1 =	vgt.s32 v20, s18  }
0x1b7: {  	s21 =	simm.s32 $0x172;
	v22 =	vnsel vm1, $0xD8635FA9, v22;
	v16 =	vld [tilespmem:$0x570];
	vm0 =	vgt.f32 v63, v24  }
0x1b8: {  	s22 =	simm.s32 $0x3;
	s19 =	simm.s32 $0x2;
	v17 =	vimm.s32 $0x0;
	v24 =	vld [tilespmem:s21+$0x0];
	v23 =	vsel vm0, v23, v21;
	v21 =	vsel vm0, v27, v26  }
.LBB2_16:
0x1b9: {  	p0 =	sne.s32 s22, $0x1D;
	v26 =	vadd.f32 v25, v18;
	v25 =	vand.u32 $0x7FFFFFFF, v22;
	v27 =	vand.u32 $0x7FFFFFFF, v23  }
0x1ba: {  	s20 =	sadd.s32 $0x1, s20;
	v17 =	vsel vm0, s17, v17;
	s17 =	smov.u32 s18;
	s18 =	smov.u32 s19;
	v28 =	vmul.f32 v25, v22;
	v27 =	vmul.f32 v27, v23  }
.Ltmp7:
0x1bb: {  	s19 =	smov.u32 s22;
	v25 =	vld [tilespmem:s20+$0x0];
	v26 =	vnsel vm1, $0x3F800000, v26;
	(pc) =	sbr.rel @p0 .LBB2_16-.Ltmp7, $4  }
0x1bc: {  	v28 =	vmul.f32 v28, v21;
	v27 =	vmul.f32 v26, v27  }
0x1bd: {  	v29 =	vadd.f32 v24, v19  }
0x1be: {  	s21 =	sadd.s32 $0x1, s21;
	vm1 =	vgt.s32 v20, s18;
	vm0 =	vgt.f32 v28, v27  }
0x1bf: {  	s22 =	sadd.s32 $0x1, s22;
	v24 =	vld [tilespmem:s21+$0x0];
	v23 =	vsel vm0, v22, v23;
	v22 =	vnsel vm1, $0xD8635FA9, v29;
	v21 =	vsel vm0, v26, v21  }
0x1c0: {  	v25 =	vadd.f32 v25, v18;
	v26 =	vand.u32 $0x7FFFFFFF, v22;
	v27 =	vand.u32 $0x7FFFFFFF, v23  }
0x1c1: {  	s20 =	sadd.s32 $0x1, s20;
	v26 =	vmul.f32 v26, v22;
	v27 =	vmul.f32 v27, v23  }
0x1c2: {  	v28 =	vld [tilespmem:s20+$0x0];
	v25 =	vnsel vm1, $0x3F800000, v25  }
0x1c3: {  	v26 =	vmul.f32 v26, v21;
	v27 =	vmul.f32 v25, v27  }
0x1c4: {  	v19 =	vadd.f32 v24, v19  }
0x1c5: {  	vm2 =	vgt.s32 v20, s19;
	vm1 =	vgt.f32 v26, v27  }
0x1c6: {  	v19 =	vnsel vm2, $0xD8635FA9, v19;
	v20 =	vsel vm1, v22, v23  }
0x1c7: {  	v18 =	vadd.f32 v28, v18;
	v22 =	vand.u32 $0x7FFFFFFF, v19;
	v23 =	vand.u32 $0x7FFFFFFF, v20  }
0x1c8: {  	v22 =	vmul.f32 v22, v19;
	v23 =	vmul.f32 v23, v20  }
0x1c9: {  	v21 =	vsel vm1, v25, v21;
	v18 =	vnsel vm2, $0x3F800000, v18  }
0x1ca: {  	v22 =	vmul.f32 v22, v21;
	v23 =	vmul.f32 v18, v23;
	_ =	sdelay $0x1  }
0x1cb: {  	vm2 =	vgt.f32 v22, v23  }
0x1cc: {  	v18 =	vsel vm2, v18, v21  }
0x1cd: {  	v18 =	vmax.f32 v18, $1.000000020e-16  }
0x1ce: {  	v21 =	vshrl.u32 v18, $0x1;
	v18 =	vmul.f32 $5.000000000e-01, v18  }
0x1cf: {  	v21 =	vsub.s32 $0x5F3759DF, v21  }
0x1d0: {  	v22 =	vmul.f32 v21, v18;
	_ =	sdelay $0x1  }
0x1d1: {  	v22 =	vmul.f32 v21, v22;
	_ =	sdelay $0x1  }
0x1d2: {  	v22 =	vsub.f32 $1.500000000e+00, v22;
	_ =	sdelay $0x1  }
0x1d3: {  	v21 =	vmul.f32 v21, v22;
	_ =	sdelay $0x1  }
0x1d4: {  	v22 =	vmul.f32 v21, v18;
	_ =	sdelay $0x1  }
0x1d5: {  	v22 =	vmul.f32 v22, v21;
	_ =	sdelay $0x1  }
0x1d6: {  	v22 =	vsub.f32 $1.500000000e+00, v22;
	_ =	sdelay $0x1  }
0x1d7: {  	v21 =	vmul.f32 v22, v21;
	_ =	sdelay $0x1  }
0x1d8: {  	v18 =	vmul.f32 v21, v18;
	_ =	sdelay $0x1  }
0x1d9: {  	v18 =	vmul.f32 v18, v21;
	_ =	sdelay $0x1  }
0x1da: {  	v18 =	vsub.f32 $1.500000000e+00, v18;
	_ =	sdelay $0x1  }
0x1db: {  	v18 =	vmul.f32 v18, v21;
	_ =	sdelay $0x1  }
0x1dc: {  	v17 =	vsel vm0, s17, v17;
	v19 =	vsel vm2, v19, v20;
	v18 =	vmin.f32 v18, $1.000000000e+08  }
0x1dd: {  	v17 =	vsel vm1, s18, v17;
	v18 =	vmul.f32 v18, v19  }
0x1de: {  	vm0 =	vgt.s32 v16, $0x0;
	v17 =	vsel vm2, s19, v17  }
0x1df: {  	v17 =	vadd.s32 v17, v7;
	v16 =	vnsel vm0, $0xC61C4000, v18  }
0x1e0: {  	[tilespmem:$0x670] =	vst v16;
	v16 =	vnsel vm0, $0xFFFFFFFF, v17  }
0x1e1: {  	s29 =	simm.s32 $0x180;
	v19 =	vld [tilespmem:$0x80];
	[tilespmem:$0x770] =	vst v16  }
0x1e2: {  	v16 =	vld [tilespmem:s29+$0x0]  }
0x1e3: {  	v20 =	vld [tilespmem:$0x480]  }
0x1e4: {  	s30 =	simm.s32 $0x300;
	v18 =	vld [tilespmem:$0x300]  }
0x1e5: {  	v17 =	vld [tilespmem:s30+$0x0];
	_ =	sdelay $0x1  }
0x1e6: {  	s17 =	simm.s32 $0x0;
	s31 =	simm.s32 $0x181;
	v16 =	vadd.f32 v16, v19  }
0x1e7: {  	vm0 =	vgt.s32 v20, s17;
	v22 =	vld [tilespmem:s31+$0x0]  }
0x1e8: {  	v21 =	vimm.f32 $-9.999999860e+14;
	v23 =	vnsel vm0, $0xD8635FA9, v16  }
0x1e9: {  	v24 =	vand.u32 $0x7FFFFFFF, v21;
	v16 =	vadd.f32 v17, v18;
	v17 =	vand.u32 $0x7FFFFFFF, v23  }
0x1ea: {  	s20 =	simm.s32 $0x301;
	v24 =	vmul.f32 v24, v21;
	v17 =	vmul.f32 v17, v23  }
0x1eb: {  	v26 =	vimm.f32 $1.000000000e+00;
	v25 =	vld [tilespmem:s20+$0x0];
	v27 =	vnsel vm0, $0x3F800000, v16  }
0x1ec: {  	s18 =	simm.s32 $0x1;
	v22 =	vadd.f32 v22, v19;
	v24 =	vmul.f32 v27, v24;
	v63 =	vmul.f32 v17, v26  }
0x1ed: {  	vm1 =	vgt.s32 v20, s18  }
0x1ee: {  	s21 =	simm.s32 $0x182;
	v22 =	vnsel vm1, $0xD8635FA9, v22;
	v16 =	vld [tilespmem:$0x580];
	vm0 =	vgt.f32 v63, v24  }
0x1ef: {  	s22 =	simm.s32 $0x3;
	s19 =	simm.s32 $0x2;
	v17 =	vimm.s32 $0x0;
	v24 =	vld [tilespmem:s21+$0x0];
	v23 =	vsel vm0, v23, v21;
	v21 =	vsel vm0, v27, v26  }
.LBB2_18:
0x1f0: {  	p0 =	sne.s32 s22, $0x1D;
	v26 =	vadd.f32 v25, v18;
	v25 =	vand.u32 $0x7FFFFFFF, v22;
	v27 =	vand.u32 $0x7FFFFFFF, v23  }
0x1f1: {  	s20 =	sadd.s32 $0x1, s20;
	v17 =	vsel vm0, s17, v17;
	s17 =	smov.u32 s18;
	s18 =	smov.u32 s19;
	v28 =	vmul.f32 v25, v22;
	v27 =	vmul.f32 v27, v23  }
.Ltmp8:
0x1f2: {  	s19 =	smov.u32 s22;
	v25 =	vld [tilespmem:s20+$0x0];
	v26 =	vnsel vm1, $0x3F800000, v26;
	(pc) =	sbr.rel @p0 .LBB2_18-.Ltmp8, $4  }
0x1f3: {  	v28 =	vmul.f32 v28, v21;
	v27 =	vmul.f32 v26, v27  }
0x1f4: {  	v29 =	vadd.f32 v24, v19  }
0x1f5: {  	s21 =	sadd.s32 $0x1, s21;
	vm1 =	vgt.s32 v20, s18;
	vm0 =	vgt.f32 v28, v27  }
0x1f6: {  	s22 =	sadd.s32 $0x1, s22;
	v24 =	vld [tilespmem:s21+$0x0];
	v23 =	vsel vm0, v22, v23;
	v22 =	vnsel vm1, $0xD8635FA9, v29;
	v21 =	vsel vm0, v26, v21  }
0x1f7: {  	v25 =	vadd.f32 v25, v18;
	v26 =	vand.u32 $0x7FFFFFFF, v22;
	v27 =	vand.u32 $0x7FFFFFFF, v23  }
0x1f8: {  	s20 =	sadd.s32 $0x1, s20;
	v26 =	vmul.f32 v26, v22;
	v27 =	vmul.f32 v27, v23  }
0x1f9: {  	v28 =	vld [tilespmem:s20+$0x0];
	v25 =	vnsel vm1, $0x3F800000, v25  }
0x1fa: {  	v26 =	vmul.f32 v26, v21;
	v27 =	vmul.f32 v25, v27  }
0x1fb: {  	v19 =	vadd.f32 v24, v19  }
0x1fc: {  	vm2 =	vgt.s32 v20, s19;
	vm1 =	vgt.f32 v26, v27  }
0x1fd: {  	v19 =	vnsel vm2, $0xD8635FA9, v19;
	v20 =	vsel vm1, v22, v23  }
0x1fe: {  	v18 =	vadd.f32 v28, v18;
	v22 =	vand.u32 $0x7FFFFFFF, v19;
	v23 =	vand.u32 $0x7FFFFFFF, v20  }
0x1ff: {  	v22 =	vmul.f32 v22, v19;
	v23 =	vmul.f32 v23, v20  }
0x200: {  	v21 =	vsel vm1, v25, v21;
	v18 =	vnsel vm2, $0x3F800000, v18  }
0x201: {  	v22 =	vmul.f32 v22, v21;
	v23 =	vmul.f32 v18, v23;
	_ =	sdelay $0x1  }
0x202: {  	vm2 =	vgt.f32 v22, v23  }
0x203: {  	v18 =	vsel vm2, v18, v21  }
0x204: {  	v18 =	vmax.f32 v18, $1.000000020e-16  }
0x205: {  	v21 =	vshrl.u32 v18, $0x1;
	v18 =	vmul.f32 $5.000000000e-01, v18  }
0x206: {  	v21 =	vsub.s32 $0x5F3759DF, v21  }
0x207: {  	v22 =	vmul.f32 v21, v18;
	_ =	sdelay $0x1  }
0x208: {  	v22 =	vmul.f32 v21, v22;
	_ =	sdelay $0x1  }
0x209: {  	v22 =	vsub.f32 $1.500000000e+00, v22;
	_ =	sdelay $0x1  }
0x20a: {  	v21 =	vmul.f32 v21, v22;
	_ =	sdelay $0x1  }
0x20b: {  	v22 =	vmul.f32 v21, v18;
	_ =	sdelay $0x1  }
0x20c: {  	v22 =	vmul.f32 v22, v21;
	_ =	sdelay $0x1  }
0x20d: {  	v22 =	vsub.f32 $1.500000000e+00, v22;
	_ =	sdelay $0x1  }
0x20e: {  	v21 =	vmul.f32 v22, v21;
	_ =	sdelay $0x1  }
0x20f: {  	v18 =	vmul.f32 v21, v18;
	_ =	sdelay $0x1  }
0x210: {  	v18 =	vmul.f32 v18, v21;
	_ =	sdelay $0x1  }
0x211: {  	v18 =	vsub.f32 $1.500000000e+00, v18;
	_ =	sdelay $0x1  }
0x212: {  	v18 =	vmul.f32 v18, v21;
	_ =	sdelay $0x1  }
0x213: {  	v17 =	vsel vm0, s17, v17;
	v19 =	vsel vm2, v19, v20;
	v18 =	vmin.f32 v18, $1.000000000e+08  }
0x214: {  	v17 =	vsel vm1, s18, v17;
	v18 =	vmul.f32 v18, v19  }
0x215: {  	vm0 =	vgt.s32 v16, $0x0;
	v17 =	vsel vm2, s19, v17  }
0x216: {  	v17 =	vadd.s32 v17, v8;
	v16 =	vnsel vm0, $0xC61C4000, v18  }
0x217: {  	[tilespmem:$0x680] =	vst v16;
	v16 =	vnsel vm0, $0xFFFFFFFF, v17  }
0x218: {  	s29 =	simm.s32 $0x190;
	v19 =	vld [tilespmem:$0x90];
	[tilespmem:$0x780] =	vst v16  }
0x219: {  	v16 =	vld [tilespmem:s29+$0x0]  }
0x21a: {  	v20 =	vld [tilespmem:$0x490]  }
0x21b: {  	s30 =	simm.s32 $0x310;
	v18 =	vld [tilespmem:$0x310]  }
0x21c: {  	v17 =	vld [tilespmem:s30+$0x0];
	_ =	sdelay $0x1  }
0x21d: {  	s17 =	simm.s32 $0x0;
	s31 =	simm.s32 $0x191;
	v16 =	vadd.f32 v16, v19  }
0x21e: {  	vm0 =	vgt.s32 v20, s17;
	v22 =	vld [tilespmem:s31+$0x0]  }
0x21f: {  	v21 =	vimm.f32 $-9.999999860e+14;
	v23 =	vnsel vm0, $0xD8635FA9, v16  }
0x220: {  	v24 =	vand.u32 $0x7FFFFFFF, v21;
	v16 =	vadd.f32 v17, v18;
	v17 =	vand.u32 $0x7FFFFFFF, v23  }
0x221: {  	s20 =	simm.s32 $0x311;
	v24 =	vmul.f32 v24, v21;
	v17 =	vmul.f32 v17, v23  }
0x222: {  	v26 =	vimm.f32 $1.000000000e+00;
	v25 =	vld [tilespmem:s20+$0x0];
	v27 =	vnsel vm0, $0x3F800000, v16  }
0x223: {  	s18 =	simm.s32 $0x1;
	v22 =	vadd.f32 v22, v19;
	v24 =	vmul.f32 v27, v24;
	v63 =	vmul.f32 v17, v26  }
0x224: {  	vm1 =	vgt.s32 v20, s18  }
0x225: {  	s21 =	simm.s32 $0x192;
	v22 =	vnsel vm1, $0xD8635FA9, v22;
	v16 =	vld [tilespmem:$0x590];
	vm0 =	vgt.f32 v63, v24  }
0x226: {  	s22 =	simm.s32 $0x3;
	s19 =	simm.s32 $0x2;
	v17 =	vimm.s32 $0x0;
	v24 =	vld [tilespmem:s21+$0x0];
	v23 =	vsel vm0, v23, v21;
	v21 =	vsel vm0, v27, v26  }
.LBB2_20:
0x227: {  	p0 =	sne.s32 s22, $0x1D;
	v26 =	vadd.f32 v25, v18;
	v25 =	vand.u32 $0x7FFFFFFF, v22;
	v27 =	vand.u32 $0x7FFFFFFF, v23  }
0x228: {  	s20 =	sadd.s32 $0x1, s20;
	v17 =	vsel vm0, s17, v17;
	s17 =	smov.u32 s18;
	s18 =	smov.u32 s19;
	v28 =	vmul.f32 v25, v22;
	v27 =	vmul.f32 v27, v23  }
.Ltmp9:
0x229: {  	s19 =	smov.u32 s22;
	v25 =	vld [tilespmem:s20+$0x0];
	v26 =	vnsel vm1, $0x3F800000, v26;
	(pc) =	sbr.rel @p0 .LBB2_20-.Ltmp9, $4  }
0x22a: {  	v28 =	vmul.f32 v28, v21;
	v27 =	vmul.f32 v26, v27  }
0x22b: {  	v29 =	vadd.f32 v24, v19  }
0x22c: {  	s21 =	sadd.s32 $0x1, s21;
	vm1 =	vgt.s32 v20, s18;
	vm0 =	vgt.f32 v28, v27  }
0x22d: {  	s22 =	sadd.s32 $0x1, s22;
	v24 =	vld [tilespmem:s21+$0x0];
	v23 =	vsel vm0, v22, v23;
	v22 =	vnsel vm1, $0xD8635FA9, v29;
	v21 =	vsel vm0, v26, v21  }
0x22e: {  	v25 =	vadd.f32 v25, v18;
	v26 =	vand.u32 $0x7FFFFFFF, v22;
	v27 =	vand.u32 $0x7FFFFFFF, v23  }
0x22f: {  	s20 =	sadd.s32 $0x1, s20;
	v26 =	vmul.f32 v26, v22;
	v27 =	vmul.f32 v27, v23  }
0x230: {  	v28 =	vld [tilespmem:s20+$0x0];
	v25 =	vnsel vm1, $0x3F800000, v25  }
0x231: {  	v26 =	vmul.f32 v26, v21;
	v27 =	vmul.f32 v25, v27  }
0x232: {  	v19 =	vadd.f32 v24, v19  }
0x233: {  	vm2 =	vgt.s32 v20, s19;
	vm1 =	vgt.f32 v26, v27  }
0x234: {  	v19 =	vnsel vm2, $0xD8635FA9, v19;
	v20 =	vsel vm1, v22, v23  }
0x235: {  	v18 =	vadd.f32 v28, v18;
	v22 =	vand.u32 $0x7FFFFFFF, v19;
	v23 =	vand.u32 $0x7FFFFFFF, v20  }
0x236: {  	v22 =	vmul.f32 v22, v19;
	v23 =	vmul.f32 v23, v20  }
0x237: {  	v21 =	vsel vm1, v25, v21;
	v18 =	vnsel vm2, $0x3F800000, v18  }
0x238: {  	v22 =	vmul.f32 v22, v21;
	v23 =	vmul.f32 v18, v23;
	_ =	sdelay $0x1  }
0x239: {  	vm2 =	vgt.f32 v22, v23  }
0x23a: {  	v18 =	vsel vm2, v18, v21  }
0x23b: {  	v18 =	vmax.f32 v18, $1.000000020e-16  }
0x23c: {  	v21 =	vshrl.u32 v18, $0x1;
	v18 =	vmul.f32 $5.000000000e-01, v18  }
0x23d: {  	v21 =	vsub.s32 $0x5F3759DF, v21  }
0x23e: {  	v22 =	vmul.f32 v21, v18;
	_ =	sdelay $0x1  }
0x23f: {  	v22 =	vmul.f32 v21, v22;
	_ =	sdelay $0x1  }
0x240: {  	v22 =	vsub.f32 $1.500000000e+00, v22;
	_ =	sdelay $0x1  }
0x241: {  	v21 =	vmul.f32 v21, v22;
	_ =	sdelay $0x1  }
0x242: {  	v22 =	vmul.f32 v21, v18;
	_ =	sdelay $0x1  }
0x243: {  	v22 =	vmul.f32 v22, v21;
	_ =	sdelay $0x1  }
0x244: {  	v22 =	vsub.f32 $1.500000000e+00, v22;
	_ =	sdelay $0x1  }
0x245: {  	v21 =	vmul.f32 v22, v21;
	_ =	sdelay $0x1  }
0x246: {  	v18 =	vmul.f32 v21, v18;
	_ =	sdelay $0x1  }
0x247: {  	v18 =	vmul.f32 v18, v21;
	_ =	sdelay $0x1  }
0x248: {  	v18 =	vsub.f32 $1.500000000e+00, v18;
	_ =	sdelay $0x1  }
0x249: {  	v18 =	vmul.f32 v18, v21;
	_ =	sdelay $0x1  }
0x24a: {  	v17 =	vsel vm0, s17, v17;
	v19 =	vsel vm2, v19, v20;
	v18 =	vmin.f32 v18, $1.000000000e+08  }
0x24b: {  	v17 =	vsel vm1, s18, v17;
	v18 =	vmul.f32 v18, v19  }
0x24c: {  	vm0 =	vgt.s32 v16, $0x0;
	v17 =	vsel vm2, s19, v17  }
0x24d: {  	v17 =	vadd.s32 v17, v9;
	v16 =	vnsel vm0, $0xC61C4000, v18  }
0x24e: {  	[tilespmem:$0x690] =	vst v16;
	v16 =	vnsel vm0, $0xFFFFFFFF, v17  }
0x24f: {  	s29 =	simm.s32 $0x1A0;
	v19 =	vld [tilespmem:$0xA0];
	[tilespmem:$0x790] =	vst v16  }
0x250: {  	v16 =	vld [tilespmem:s29+$0x0]  }
0x251: {  	v20 =	vld [tilespmem:$0x4A0]  }
0x252: {  	s30 =	simm.s32 $0x320;
	v18 =	vld [tilespmem:$0x320]  }
0x253: {  	v17 =	vld [tilespmem:s30+$0x0];
	_ =	sdelay $0x1  }
0x254: {  	s17 =	simm.s32 $0x0;
	s31 =	simm.s32 $0x1A1;
	v16 =	vadd.f32 v16, v19  }
0x255: {  	vm0 =	vgt.s32 v20, s17;
	v22 =	vld [tilespmem:s31+$0x0]  }
0x256: {  	v21 =	vimm.f32 $-9.999999860e+14;
	v23 =	vnsel vm0, $0xD8635FA9, v16  }
0x257: {  	v24 =	vand.u32 $0x7FFFFFFF, v21;
	v16 =	vadd.f32 v17, v18;
	v17 =	vand.u32 $0x7FFFFFFF, v23  }
0x258: {  	s20 =	simm.s32 $0x321;
	v24 =	vmul.f32 v24, v21;
	v17 =	vmul.f32 v17, v23  }
0x259: {  	v26 =	vimm.f32 $1.000000000e+00;
	v25 =	vld [tilespmem:s20+$0x0];
	v27 =	vnsel vm0, $0x3F800000, v16  }
0x25a: {  	s18 =	simm.s32 $0x1;
	v22 =	vadd.f32 v22, v19;
	v24 =	vmul.f32 v27, v24;
	v63 =	vmul.f32 v17, v26  }
0x25b: {  	vm1 =	vgt.s32 v20, s18  }
0x25c: {  	s21 =	simm.s32 $0x1A2;
	v22 =	vnsel vm1, $0xD8635FA9, v22;
	v16 =	vld [tilespmem:$0x5A0];
	vm0 =	vgt.f32 v63, v24  }
0x25d: {  	s22 =	simm.s32 $0x3;
	s19 =	simm.s32 $0x2;
	v17 =	vimm.s32 $0x0;
	v24 =	vld [tilespmem:s21+$0x0];
	v23 =	vsel vm0, v23, v21;
	v21 =	vsel vm0, v27, v26  }
.LBB2_22:
0x25e: {  	p0 =	sne.s32 s22, $0x1D;
	v26 =	vadd.f32 v25, v18;
	v25 =	vand.u32 $0x7FFFFFFF, v22;
	v27 =	vand.u32 $0x7FFFFFFF, v23  }
0x25f: {  	s20 =	sadd.s32 $0x1, s20;
	v17 =	vsel vm0, s17, v17;
	s17 =	smov.u32 s18;
	s18 =	smov.u32 s19;
	v28 =	vmul.f32 v25, v22;
	v27 =	vmul.f32 v27, v23  }
.Ltmp10:
0x260: {  	s19 =	smov.u32 s22;
	v25 =	vld [tilespmem:s20+$0x0];
	v26 =	vnsel vm1, $0x3F800000, v26;
	(pc) =	sbr.rel @p0 .LBB2_22-.Ltmp10, $4  }
0x261: {  	v28 =	vmul.f32 v28, v21;
	v27 =	vmul.f32 v26, v27  }
0x262: {  	v29 =	vadd.f32 v24, v19  }
0x263: {  	s21 =	sadd.s32 $0x1, s21;
	vm1 =	vgt.s32 v20, s18;
	vm0 =	vgt.f32 v28, v27  }
0x264: {  	s22 =	sadd.s32 $0x1, s22;
	v24 =	vld [tilespmem:s21+$0x0];
	v23 =	vsel vm0, v22, v23;
	v22 =	vnsel vm1, $0xD8635FA9, v29;
	v21 =	vsel vm0, v26, v21  }
0x265: {  	v25 =	vadd.f32 v25, v18;
	v26 =	vand.u32 $0x7FFFFFFF, v22;
	v27 =	vand.u32 $0x7FFFFFFF, v23  }
0x266: {  	s20 =	sadd.s32 $0x1, s20;
	v26 =	vmul.f32 v26, v22;
	v27 =	vmul.f32 v27, v23  }
0x267: {  	v28 =	vld [tilespmem:s20+$0x0];
	v25 =	vnsel vm1, $0x3F800000, v25  }
0x268: {  	v26 =	vmul.f32 v26, v21;
	v27 =	vmul.f32 v25, v27  }
0x269: {  	v19 =	vadd.f32 v24, v19  }
0x26a: {  	vm2 =	vgt.s32 v20, s19;
	vm1 =	vgt.f32 v26, v27  }
0x26b: {  	v19 =	vnsel vm2, $0xD8635FA9, v19;
	v20 =	vsel vm1, v22, v23  }
0x26c: {  	v18 =	vadd.f32 v28, v18;
	v22 =	vand.u32 $0x7FFFFFFF, v19;
	v23 =	vand.u32 $0x7FFFFFFF, v20  }
0x26d: {  	v22 =	vmul.f32 v22, v19;
	v23 =	vmul.f32 v23, v20  }
0x26e: {  	v21 =	vsel vm1, v25, v21;
	v18 =	vnsel vm2, $0x3F800000, v18  }
0x26f: {  	v22 =	vmul.f32 v22, v21;
	v23 =	vmul.f32 v18, v23;
	_ =	sdelay $0x1  }
0x270: {  	vm2 =	vgt.f32 v22, v23  }
0x271: {  	v18 =	vsel vm2, v18, v21  }
0x272: {  	v18 =	vmax.f32 v18, $1.000000020e-16  }
0x273: {  	v21 =	vshrl.u32 v18, $0x1;
	v18 =	vmul.f32 $5.000000000e-01, v18  }
0x274: {  	v21 =	vsub.s32 $0x5F3759DF, v21  }
0x275: {  	v22 =	vmul.f32 v21, v18;
	_ =	sdelay $0x1  }
0x276: {  	v22 =	vmul.f32 v21, v22;
	_ =	sdelay $0x1  }
0x277: {  	v22 =	vsub.f32 $1.500000000e+00, v22;
	_ =	sdelay $0x1  }
0x278: {  	v21 =	vmul.f32 v21, v22;
	_ =	sdelay $0x1  }
0x279: {  	v22 =	vmul.f32 v21, v18;
	_ =	sdelay $0x1  }
0x27a: {  	v22 =	vmul.f32 v22, v21;
	_ =	sdelay $0x1  }
0x27b: {  	v22 =	vsub.f32 $1.500000000e+00, v22;
	_ =	sdelay $0x1  }
0x27c: {  	v21 =	vmul.f32 v22, v21;
	_ =	sdelay $0x1  }
0x27d: {  	v18 =	vmul.f32 v21, v18;
	_ =	sdelay $0x1  }
0x27e: {  	v18 =	vmul.f32 v18, v21;
	_ =	sdelay $0x1  }
0x27f: {  	v18 =	vsub.f32 $1.500000000e+00, v18;
	_ =	sdelay $0x1  }
0x280: {  	v18 =	vmul.f32 v18, v21;
	_ =	sdelay $0x1  }
0x281: {  	v17 =	vsel vm0, s17, v17;
	v19 =	vsel vm2, v19, v20;
	v18 =	vmin.f32 v18, $1.000000000e+08  }
0x282: {  	v17 =	vsel vm1, s18, v17;
	v18 =	vmul.f32 v18, v19  }
0x283: {  	vm0 =	vgt.s32 v16, $0x0;
	v17 =	vsel vm2, s19, v17  }
0x284: {  	v17 =	vadd.s32 v17, v10;
	v16 =	vnsel vm0, $0xC61C4000, v18  }
0x285: {  	[tilespmem:$0x6A0] =	vst v16;
	v16 =	vnsel vm0, $0xFFFFFFFF, v17  }
0x286: {  	s29 =	simm.s32 $0x1B0;
	v19 =	vld [tilespmem:$0xB0];
	[tilespmem:$0x7A0] =	vst v16  }
0x287: {  	v16 =	vld [tilespmem:s29+$0x0]  }
0x288: {  	v20 =	vld [tilespmem:$0x4B0]  }
0x289: {  	s30 =	simm.s32 $0x330;
	v18 =	vld [tilespmem:$0x330]  }
0x28a: {  	v17 =	vld [tilespmem:s30+$0x0];
	_ =	sdelay $0x1  }
0x28b: {  	s17 =	simm.s32 $0x0;
	s31 =	simm.s32 $0x1B1;
	v16 =	vadd.f32 v16, v19  }
0x28c: {  	vm0 =	vgt.s32 v20, s17;
	v22 =	vld [tilespmem:s31+$0x0]  }
0x28d: {  	v21 =	vimm.f32 $-9.999999860e+14;
	v23 =	vnsel vm0, $0xD8635FA9, v16  }
0x28e: {  	v24 =	vand.u32 $0x7FFFFFFF, v21;
	v16 =	vadd.f32 v17, v18;
	v17 =	vand.u32 $0x7FFFFFFF, v23  }
0x28f: {  	s20 =	simm.s32 $0x331;
	v24 =	vmul.f32 v24, v21;
	v17 =	vmul.f32 v17, v23  }
0x290: {  	v26 =	vimm.f32 $1.000000000e+00;
	v25 =	vld [tilespmem:s20+$0x0];
	v27 =	vnsel vm0, $0x3F800000, v16  }
0x291: {  	s18 =	simm.s32 $0x1;
	v22 =	vadd.f32 v22, v19;
	v24 =	vmul.f32 v27, v24;
	v63 =	vmul.f32 v17, v26  }
0x292: {  	vm1 =	vgt.s32 v20, s18  }
0x293: {  	s21 =	simm.s32 $0x1B2;
	v22 =	vnsel vm1, $0xD8635FA9, v22;
	v16 =	vld [tilespmem:$0x5B0];
	vm0 =	vgt.f32 v63, v24  }
0x294: {  	s22 =	simm.s32 $0x3;
	s19 =	simm.s32 $0x2;
	v17 =	vimm.s32 $0x0;
	v24 =	vld [tilespmem:s21+$0x0];
	v23 =	vsel vm0, v23, v21;
	v21 =	vsel vm0, v27, v26  }
.LBB2_24:
0x295: {  	p0 =	sne.s32 s22, $0x1D;
	v26 =	vadd.f32 v25, v18;
	v25 =	vand.u32 $0x7FFFFFFF, v22;
	v27 =	vand.u32 $0x7FFFFFFF, v23  }
0x296: {  	s20 =	sadd.s32 $0x1, s20;
	v17 =	vsel vm0, s17, v17;
	s17 =	smov.u32 s18;
	s18 =	smov.u32 s19;
	v28 =	vmul.f32 v25, v22;
	v27 =	vmul.f32 v27, v23  }
.Ltmp11:
0x297: {  	s19 =	smov.u32 s22;
	v25 =	vld [tilespmem:s20+$0x0];
	v26 =	vnsel vm1, $0x3F800000, v26;
	(pc) =	sbr.rel @p0 .LBB2_24-.Ltmp11, $4  }
0x298: {  	v28 =	vmul.f32 v28, v21;
	v27 =	vmul.f32 v26, v27  }
0x299: {  	v29 =	vadd.f32 v24, v19  }
0x29a: {  	s21 =	sadd.s32 $0x1, s21;
	vm1 =	vgt.s32 v20, s18;
	vm0 =	vgt.f32 v28, v27  }
0x29b: {  	s22 =	sadd.s32 $0x1, s22;
	v24 =	vld [tilespmem:s21+$0x0];
	v23 =	vsel vm0, v22, v23;
	v22 =	vnsel vm1, $0xD8635FA9, v29;
	v21 =	vsel vm0, v26, v21  }
0x29c: {  	v25 =	vadd.f32 v25, v18;
	v26 =	vand.u32 $0x7FFFFFFF, v22;
	v27 =	vand.u32 $0x7FFFFFFF, v23  }
0x29d: {  	s20 =	sadd.s32 $0x1, s20;
	v26 =	vmul.f32 v26, v22;
	v27 =	vmul.f32 v27, v23  }
0x29e: {  	v28 =	vld [tilespmem:s20+$0x0];
	v25 =	vnsel vm1, $0x3F800000, v25  }
0x29f: {  	v26 =	vmul.f32 v26, v21;
	v27 =	vmul.f32 v25, v27  }
0x2a0: {  	v19 =	vadd.f32 v24, v19  }
0x2a1: {  	vm2 =	vgt.s32 v20, s19;
	vm1 =	vgt.f32 v26, v27  }
0x2a2: {  	v19 =	vnsel vm2, $0xD8635FA9, v19;
	v20 =	vsel vm1, v22, v23  }
0x2a3: {  	v18 =	vadd.f32 v28, v18;
	v22 =	vand.u32 $0x7FFFFFFF, v19;
	v23 =	vand.u32 $0x7FFFFFFF, v20  }
0x2a4: {  	v22 =	vmul.f32 v22, v19;
	v23 =	vmul.f32 v23, v20  }
0x2a5: {  	v21 =	vsel vm1, v25, v21;
	v18 =	vnsel vm2, $0x3F800000, v18  }
0x2a6: {  	v22 =	vmul.f32 v22, v21;
	v23 =	vmul.f32 v18, v23;
	_ =	sdelay $0x1  }
0x2a7: {  	vm2 =	vgt.f32 v22, v23  }
0x2a8: {  	v18 =	vsel vm2, v18, v21  }
0x2a9: {  	v18 =	vmax.f32 v18, $1.000000020e-16  }
0x2aa: {  	v21 =	vshrl.u32 v18, $0x1;
	v18 =	vmul.f32 $5.000000000e-01, v18  }
0x2ab: {  	v21 =	vsub.s32 $0x5F3759DF, v21  }
0x2ac: {  	v22 =	vmul.f32 v21, v18;
	_ =	sdelay $0x1  }
0x2ad: {  	v22 =	vmul.f32 v21, v22;
	_ =	sdelay $0x1  }
0x2ae: {  	v22 =	vsub.f32 $1.500000000e+00, v22;
	_ =	sdelay $0x1  }
0x2af: {  	v21 =	vmul.f32 v21, v22;
	_ =	sdelay $0x1  }
0x2b0: {  	v22 =	vmul.f32 v21, v18;
	_ =	sdelay $0x1  }
0x2b1: {  	v22 =	vmul.f32 v22, v21;
	_ =	sdelay $0x1  }
0x2b2: {  	v22 =	vsub.f32 $1.500000000e+00, v22;
	_ =	sdelay $0x1  }
0x2b3: {  	v21 =	vmul.f32 v22, v21;
	_ =	sdelay $0x1  }
0x2b4: {  	v18 =	vmul.f32 v21, v18;
	_ =	sdelay $0x1  }
0x2b5: {  	v18 =	vmul.f32 v18, v21;
	_ =	sdelay $0x1  }
0x2b6: {  	v18 =	vsub.f32 $1.500000000e+00, v18;
	_ =	sdelay $0x1  }
0x2b7: {  	v18 =	vmul.f32 v18, v21;
	_ =	sdelay $0x1  }
0x2b8: {  	v17 =	vsel vm0, s17, v17;
	v19 =	vsel vm2, v19, v20;
	v18 =	vmin.f32 v18, $1.000000000e+08  }
0x2b9: {  	v17 =	vsel vm1, s18, v17;
	v18 =	vmul.f32 v18, v19  }
0x2ba: {  	vm0 =	vgt.s32 v16, $0x0;
	v17 =	vsel vm2, s19, v17  }
0x2bb: {  	v17 =	vadd.s32 v17, v11;
	v16 =	vnsel vm0, $0xC61C4000, v18  }
0x2bc: {  	[tilespmem:$0x6B0] =	vst v16;
	v16 =	vnsel vm0, $0xFFFFFFFF, v17  }
0x2bd: {  	s29 =	simm.s32 $0x1C0;
	v19 =	vld [tilespmem:$0xC0];
	[tilespmem:$0x7B0] =	vst v16  }
0x2be: {  	v16 =	vld [tilespmem:s29+$0x0]  }
0x2bf: {  	v20 =	vld [tilespmem:$0x4C0]  }
0x2c0: {  	s30 =	simm.s32 $0x340;
	v18 =	vld [tilespmem:$0x340]  }
0x2c1: {  	v17 =	vld [tilespmem:s30+$0x0];
	_ =	sdelay $0x1  }
0x2c2: {  	s17 =	simm.s32 $0x0;
	s31 =	simm.s32 $0x1C1;
	v16 =	vadd.f32 v16, v19  }
0x2c3: {  	vm0 =	vgt.s32 v20, s17;
	v22 =	vld [tilespmem:s31+$0x0]  }
0x2c4: {  	v21 =	vimm.f32 $-9.999999860e+14;
	v23 =	vnsel vm0, $0xD8635FA9, v16  }
0x2c5: {  	v24 =	vand.u32 $0x7FFFFFFF, v21;
	v16 =	vadd.f32 v17, v18;
	v17 =	vand.u32 $0x7FFFFFFF, v23  }
0x2c6: {  	s20 =	simm.s32 $0x341;
	v24 =	vmul.f32 v24, v21;
	v17 =	vmul.f32 v17, v23  }
0x2c7: {  	v26 =	vimm.f32 $1.000000000e+00;
	v25 =	vld [tilespmem:s20+$0x0];
	v27 =	vnsel vm0, $0x3F800000, v16  }
0x2c8: {  	s18 =	simm.s32 $0x1;
	v22 =	vadd.f32 v22, v19;
	v24 =	vmul.f32 v27, v24;
	v63 =	vmul.f32 v17, v26  }
0x2c9: {  	vm1 =	vgt.s32 v20, s18  }
0x2ca: {  	s21 =	simm.s32 $0x1C2;
	v22 =	vnsel vm1, $0xD8635FA9, v22;
	v16 =	vld [tilespmem:$0x5C0];
	vm0 =	vgt.f32 v63, v24  }
0x2cb: {  	s22 =	simm.s32 $0x3;
	s19 =	simm.s32 $0x2;
	v17 =	vimm.s32 $0x0;
	v24 =	vld [tilespmem:s21+$0x0];
	v23 =	vsel vm0, v23, v21;
	v21 =	vsel vm0, v27, v26  }
.LBB2_26:
0x2cc: {  	p0 =	sne.s32 s22, $0x1D;
	v26 =	vadd.f32 v25, v18;
	v25 =	vand.u32 $0x7FFFFFFF, v22;
	v27 =	vand.u32 $0x7FFFFFFF, v23  }
0x2cd: {  	s20 =	sadd.s32 $0x1, s20;
	v17 =	vsel vm0, s17, v17;
	s17 =	smov.u32 s18;
	s18 =	smov.u32 s19;
	v28 =	vmul.f32 v25, v22;
	v27 =	vmul.f32 v27, v23  }
.Ltmp12:
0x2ce: {  	s19 =	smov.u32 s22;
	v25 =	vld [tilespmem:s20+$0x0];
	v26 =	vnsel vm1, $0x3F800000, v26;
	(pc) =	sbr.rel @p0 .LBB2_26-.Ltmp12, $4  }
0x2cf: {  	v28 =	vmul.f32 v28, v21;
	v27 =	vmul.f32 v26, v27  }
0x2d0: {  	v29 =	vadd.f32 v24, v19  }
0x2d1: {  	s21 =	sadd.s32 $0x1, s21;
	vm1 =	vgt.s32 v20, s18;
	vm0 =	vgt.f32 v28, v27  }
0x2d2: {  	s22 =	sadd.s32 $0x1, s22;
	v24 =	vld [tilespmem:s21+$0x0];
	v23 =	vsel vm0, v22, v23;
	v22 =	vnsel vm1, $0xD8635FA9, v29;
	v21 =	vsel vm0, v26, v21  }
0x2d3: {  	v25 =	vadd.f32 v25, v18;
	v26 =	vand.u32 $0x7FFFFFFF, v22;
	v27 =	vand.u32 $0x7FFFFFFF, v23  }
0x2d4: {  	s20 =	sadd.s32 $0x1, s20;
	v26 =	vmul.f32 v26, v22;
	v27 =	vmul.f32 v27, v23  }
0x2d5: {  	v28 =	vld [tilespmem:s20+$0x0];
	v25 =	vnsel vm1, $0x3F800000, v25  }
0x2d6: {  	v26 =	vmul.f32 v26, v21;
	v27 =	vmul.f32 v25, v27  }
0x2d7: {  	v19 =	vadd.f32 v24, v19  }
0x2d8: {  	vm2 =	vgt.s32 v20, s19;
	vm1 =	vgt.f32 v26, v27  }
0x2d9: {  	v19 =	vnsel vm2, $0xD8635FA9, v19;
	v20 =	vsel vm1, v22, v23  }
0x2da: {  	v18 =	vadd.f32 v28, v18;
	v22 =	vand.u32 $0x7FFFFFFF, v19;
	v23 =	vand.u32 $0x7FFFFFFF, v20  }
0x2db: {  	v22 =	vmul.f32 v22, v19;
	v23 =	vmul.f32 v23, v20  }
0x2dc: {  	v21 =	vsel vm1, v25, v21;
	v18 =	vnsel vm2, $0x3F800000, v18  }
0x2dd: {  	v22 =	vmul.f32 v22, v21;
	v23 =	vmul.f32 v18, v23;
	_ =	sdelay $0x1  }
0x2de: {  	vm2 =	vgt.f32 v22, v23  }
0x2df: {  	v18 =	vsel vm2, v18, v21  }
0x2e0: {  	v18 =	vmax.f32 v18, $1.000000020e-16  }
0x2e1: {  	v21 =	vshrl.u32 v18, $0x1;
	v18 =	vmul.f32 $5.000000000e-01, v18  }
0x2e2: {  	v21 =	vsub.s32 $0x5F3759DF, v21  }
0x2e3: {  	v22 =	vmul.f32 v21, v18;
	_ =	sdelay $0x1  }
0x2e4: {  	v22 =	vmul.f32 v21, v22;
	_ =	sdelay $0x1  }
0x2e5: {  	v22 =	vsub.f32 $1.500000000e+00, v22;
	_ =	sdelay $0x1  }
0x2e6: {  	v21 =	vmul.f32 v21, v22;
	_ =	sdelay $0x1  }
0x2e7: {  	v22 =	vmul.f32 v21, v18;
	_ =	sdelay $0x1  }
0x2e8: {  	v22 =	vmul.f32 v22, v21;
	_ =	sdelay $0x1  }
0x2e9: {  	v22 =	vsub.f32 $1.500000000e+00, v22;
	_ =	sdelay $0x1  }
0x2ea: {  	v21 =	vmul.f32 v22, v21;
	_ =	sdelay $0x1  }
0x2eb: {  	v18 =	vmul.f32 v21, v18;
	_ =	sdelay $0x1  }
0x2ec: {  	v18 =	vmul.f32 v18, v21;
	_ =	sdelay $0x1  }
0x2ed: {  	v18 =	vsub.f32 $1.500000000e+00, v18;
	_ =	sdelay $0x1  }
0x2ee: {  	v18 =	vmul.f32 v18, v21;
	_ =	sdelay $0x1  }
0x2ef: {  	v17 =	vsel vm0, s17, v17;
	v19 =	vsel vm2, v19, v20;
	v18 =	vmin.f32 v18, $1.000000000e+08  }
0x2f0: {  	v17 =	vsel vm1, s18, v17;
	v18 =	vmul.f32 v18, v19  }
0x2f1: {  	vm0 =	vgt.s32 v16, $0x0;
	v17 =	vsel vm2, s19, v17  }
0x2f2: {  	v17 =	vadd.s32 v17, v12;
	v16 =	vnsel vm0, $0xC61C4000, v18  }
0x2f3: {  	[tilespmem:$0x6C0] =	vst v16;
	v16 =	vnsel vm0, $0xFFFFFFFF, v17  }
0x2f4: {  	s29 =	simm.s32 $0x1D0;
	v19 =	vld [tilespmem:$0xD0];
	[tilespmem:$0x7C0] =	vst v16  }
0x2f5: {  	v16 =	vld [tilespmem:s29+$0x0]  }
0x2f6: {  	v20 =	vld [tilespmem:$0x4D0]  }
0x2f7: {  	s30 =	simm.s32 $0x350;
	v18 =	vld [tilespmem:$0x350]  }
0x2f8: {  	v17 =	vld [tilespmem:s30+$0x0];
	_ =	sdelay $0x1  }
0x2f9: {  	s17 =	simm.s32 $0x0;
	s31 =	simm.s32 $0x1D1;
	v16 =	vadd.f32 v16, v19  }
0x2fa: {  	vm0 =	vgt.s32 v20, s17;
	v22 =	vld [tilespmem:s31+$0x0]  }
0x2fb: {  	v21 =	vimm.f32 $-9.999999860e+14;
	v23 =	vnsel vm0, $0xD8635FA9, v16  }
0x2fc: {  	v24 =	vand.u32 $0x7FFFFFFF, v21;
	v16 =	vadd.f32 v17, v18;
	v17 =	vand.u32 $0x7FFFFFFF, v23  }
0x2fd: {  	s20 =	simm.s32 $0x351;
	v24 =	vmul.f32 v24, v21;
	v17 =	vmul.f32 v17, v23  }
0x2fe: {  	v26 =	vimm.f32 $1.000000000e+00;
	v25 =	vld [tilespmem:s20+$0x0];
	v27 =	vnsel vm0, $0x3F800000, v16  }
0x2ff: {  	s18 =	simm.s32 $0x1;
	v22 =	vadd.f32 v22, v19;
	v24 =	vmul.f32 v27, v24;
	v63 =	vmul.f32 v17, v26  }
0x300: {  	vm1 =	vgt.s32 v20, s18  }
0x301: {  	s21 =	simm.s32 $0x1D2;
	v22 =	vnsel vm1, $0xD8635FA9, v22;
	v16 =	vld [tilespmem:$0x5D0];
	vm0 =	vgt.f32 v63, v24  }
0x302: {  	s22 =	simm.s32 $0x3;
	s19 =	simm.s32 $0x2;
	v17 =	vimm.s32 $0x0;
	v24 =	vld [tilespmem:s21+$0x0];
	v23 =	vsel vm0, v23, v21;
	v21 =	vsel vm0, v27, v26  }
.LBB2_28:
0x303: {  	p0 =	sne.s32 s22, $0x1D;
	v26 =	vadd.f32 v25, v18;
	v25 =	vand.u32 $0x7FFFFFFF, v22;
	v27 =	vand.u32 $0x7FFFFFFF, v23  }
0x304: {  	s20 =	sadd.s32 $0x1, s20;
	v17 =	vsel vm0, s17, v17;
	s17 =	smov.u32 s18;
	s18 =	smov.u32 s19;
	v28 =	vmul.f32 v25, v22;
	v27 =	vmul.f32 v27, v23  }
.Ltmp13:
0x305: {  	s19 =	smov.u32 s22;
	v25 =	vld [tilespmem:s20+$0x0];
	v26 =	vnsel vm1, $0x3F800000, v26;
	(pc) =	sbr.rel @p0 .LBB2_28-.Ltmp13, $4  }
0x306: {  	v28 =	vmul.f32 v28, v21;
	v27 =	vmul.f32 v26, v27  }
0x307: {  	v29 =	vadd.f32 v24, v19  }
0x308: {  	s21 =	sadd.s32 $0x1, s21;
	vm1 =	vgt.s32 v20, s18;
	vm0 =	vgt.f32 v28, v27  }
0x309: {  	s22 =	sadd.s32 $0x1, s22;
	v24 =	vld [tilespmem:s21+$0x0];
	v23 =	vsel vm0, v22, v23;
	v22 =	vnsel vm1, $0xD8635FA9, v29;
	v21 =	vsel vm0, v26, v21  }
0x30a: {  	v25 =	vadd.f32 v25, v18;
	v26 =	vand.u32 $0x7FFFFFFF, v22;
	v27 =	vand.u32 $0x7FFFFFFF, v23  }
0x30b: {  	s20 =	sadd.s32 $0x1, s20;
	v26 =	vmul.f32 v26, v22;
	v27 =	vmul.f32 v27, v23  }
0x30c: {  	v28 =	vld [tilespmem:s20+$0x0];
	v25 =	vnsel vm1, $0x3F800000, v25  }
0x30d: {  	v26 =	vmul.f32 v26, v21;
	v27 =	vmul.f32 v25, v27  }
0x30e: {  	v19 =	vadd.f32 v24, v19  }
0x30f: {  	vm2 =	vgt.s32 v20, s19;
	vm1 =	vgt.f32 v26, v27  }
0x310: {  	v19 =	vnsel vm2, $0xD8635FA9, v19;
	v20 =	vsel vm1, v22, v23  }
0x311: {  	v18 =	vadd.f32 v28, v18;
	v22 =	vand.u32 $0x7FFFFFFF, v19;
	v23 =	vand.u32 $0x7FFFFFFF, v20  }
0x312: {  	v22 =	vmul.f32 v22, v19;
	v23 =	vmul.f32 v23, v20  }
0x313: {  	v21 =	vsel vm1, v25, v21;
	v18 =	vnsel vm2, $0x3F800000, v18  }
0x314: {  	v22 =	vmul.f32 v22, v21;
	v23 =	vmul.f32 v18, v23;
	_ =	sdelay $0x1  }
0x315: {  	vm2 =	vgt.f32 v22, v23  }
0x316: {  	v18 =	vsel vm2, v18, v21  }
0x317: {  	v18 =	vmax.f32 v18, $1.000000020e-16  }
0x318: {  	v21 =	vshrl.u32 v18, $0x1;
	v18 =	vmul.f32 $5.000000000e-01, v18  }
0x319: {  	v21 =	vsub.s32 $0x5F3759DF, v21  }
0x31a: {  	v22 =	vmul.f32 v21, v18;
	_ =	sdelay $0x1  }
0x31b: {  	v22 =	vmul.f32 v21, v22;
	_ =	sdelay $0x1  }
0x31c: {  	v22 =	vsub.f32 $1.500000000e+00, v22;
	_ =	sdelay $0x1  }
0x31d: {  	v21 =	vmul.f32 v21, v22;
	_ =	sdelay $0x1  }
0x31e: {  	v22 =	vmul.f32 v21, v18;
	_ =	sdelay $0x1  }
0x31f: {  	v22 =	vmul.f32 v22, v21;
	_ =	sdelay $0x1  }
0x320: {  	v22 =	vsub.f32 $1.500000000e+00, v22;
	_ =	sdelay $0x1  }
0x321: {  	v21 =	vmul.f32 v22, v21;
	_ =	sdelay $0x1  }
0x322: {  	v18 =	vmul.f32 v21, v18;
	_ =	sdelay $0x1  }
0x323: {  	v18 =	vmul.f32 v18, v21;
	_ =	sdelay $0x1  }
0x324: {  	v18 =	vsub.f32 $1.500000000e+00, v18;
	_ =	sdelay $0x1  }
0x325: {  	v18 =	vmul.f32 v18, v21;
	_ =	sdelay $0x1  }
0x326: {  	v17 =	vsel vm0, s17, v17;
	v19 =	vsel vm2, v19, v20;
	v18 =	vmin.f32 v18, $1.000000000e+08  }
0x327: {  	v17 =	vsel vm1, s18, v17;
	v18 =	vmul.f32 v18, v19  }
0x328: {  	vm0 =	vgt.s32 v16, $0x0;
	v17 =	vsel vm2, s19, v17  }
0x329: {  	v17 =	vadd.s32 v17, v13;
	v16 =	vnsel vm0, $0xC61C4000, v18  }
0x32a: {  	[tilespmem:$0x6D0] =	vst v16;
	v16 =	vnsel vm0, $0xFFFFFFFF, v17  }
0x32b: {  	s29 =	simm.s32 $0x1E0;
	v19 =	vld [tilespmem:$0xE0];
	[tilespmem:$0x7D0] =	vst v16  }
0x32c: {  	v16 =	vld [tilespmem:s29+$0x0]  }
0x32d: {  	v20 =	vld [tilespmem:$0x4E0]  }
0x32e: {  	s30 =	simm.s32 $0x360;
	v18 =	vld [tilespmem:$0x360]  }
0x32f: {  	v17 =	vld [tilespmem:s30+$0x0];
	_ =	sdelay $0x1  }
0x330: {  	s17 =	simm.s32 $0x0;
	s31 =	simm.s32 $0x1E1;
	v16 =	vadd.f32 v16, v19  }
0x331: {  	vm0 =	vgt.s32 v20, s17;
	v22 =	vld [tilespmem:s31+$0x0]  }
0x332: {  	v21 =	vimm.f32 $-9.999999860e+14;
	v23 =	vnsel vm0, $0xD8635FA9, v16  }
0x333: {  	v24 =	vand.u32 $0x7FFFFFFF, v21;
	v16 =	vadd.f32 v17, v18;
	v17 =	vand.u32 $0x7FFFFFFF, v23  }
0x334: {  	s20 =	simm.s32 $0x361;
	v24 =	vmul.f32 v24, v21;
	v17 =	vmul.f32 v17, v23  }
0x335: {  	v26 =	vimm.f32 $1.000000000e+00;
	v25 =	vld [tilespmem:s20+$0x0];
	v27 =	vnsel vm0, $0x3F800000, v16  }
0x336: {  	s18 =	simm.s32 $0x1;
	v22 =	vadd.f32 v22, v19;
	v24 =	vmul.f32 v27, v24;
	v63 =	vmul.f32 v17, v26  }
0x337: {  	vm1 =	vgt.s32 v20, s18  }
0x338: {  	s21 =	simm.s32 $0x1E2;
	v22 =	vnsel vm1, $0xD8635FA9, v22;
	v16 =	vld [tilespmem:$0x5E0];
	vm0 =	vgt.f32 v63, v24  }
0x339: {  	s22 =	simm.s32 $0x3;
	s19 =	simm.s32 $0x2;
	v17 =	vimm.s32 $0x0;
	v24 =	vld [tilespmem:s21+$0x0];
	v23 =	vsel vm0, v23, v21;
	v21 =	vsel vm0, v27, v26  }
.LBB2_30:
0x33a: {  	p0 =	sne.s32 s22, $0x1D;
	v26 =	vadd.f32 v25, v18;
	v25 =	vand.u32 $0x7FFFFFFF, v22;
	v27 =	vand.u32 $0x7FFFFFFF, v23  }
0x33b: {  	s20 =	sadd.s32 $0x1, s20;
	v17 =	vsel vm0, s17, v17;
	s17 =	smov.u32 s18;
	s18 =	smov.u32 s19;
	v28 =	vmul.f32 v25, v22;
	v27 =	vmul.f32 v27, v23  }
.Ltmp14:
0x33c: {  	s19 =	smov.u32 s22;
	v25 =	vld [tilespmem:s20+$0x0];
	v26 =	vnsel vm1, $0x3F800000, v26;
	(pc) =	sbr.rel @p0 .LBB2_30-.Ltmp14, $4  }
0x33d: {  	v28 =	vmul.f32 v28, v21;
	v27 =	vmul.f32 v26, v27  }
0x33e: {  	v29 =	vadd.f32 v24, v19  }
0x33f: {  	s21 =	sadd.s32 $0x1, s21;
	vm1 =	vgt.s32 v20, s18;
	vm0 =	vgt.f32 v28, v27  }
0x340: {  	s22 =	sadd.s32 $0x1, s22;
	v24 =	vld [tilespmem:s21+$0x0];
	v23 =	vsel vm0, v22, v23;
	v22 =	vnsel vm1, $0xD8635FA9, v29;
	v21 =	vsel vm0, v26, v21  }
0x341: {  	v25 =	vadd.f32 v25, v18;
	v26 =	vand.u32 $0x7FFFFFFF, v22;
	v27 =	vand.u32 $0x7FFFFFFF, v23  }
0x342: {  	s20 =	sadd.s32 $0x1, s20;
	v26 =	vmul.f32 v26, v22;
	v27 =	vmul.f32 v27, v23  }
0x343: {  	v28 =	vld [tilespmem:s20+$0x0];
	v25 =	vnsel vm1, $0x3F800000, v25  }
0x344: {  	v26 =	vmul.f32 v26, v21;
	v27 =	vmul.f32 v25, v27  }
0x345: {  	v19 =	vadd.f32 v24, v19  }
0x346: {  	vm2 =	vgt.s32 v20, s19;
	vm1 =	vgt.f32 v26, v27  }
0x347: {  	v19 =	vnsel vm2, $0xD8635FA9, v19;
	v20 =	vsel vm1, v22, v23  }
0x348: {  	v18 =	vadd.f32 v28, v18;
	v22 =	vand.u32 $0x7FFFFFFF, v19;
	v23 =	vand.u32 $0x7FFFFFFF, v20  }
0x349: {  	v22 =	vmul.f32 v22, v19;
	v23 =	vmul.f32 v23, v20  }
0x34a: {  	v21 =	vsel vm1, v25, v21;
	v18 =	vnsel vm2, $0x3F800000, v18  }
0x34b: {  	v22 =	vmul.f32 v22, v21;
	v23 =	vmul.f32 v18, v23;
	_ =	sdelay $0x1  }
0x34c: {  	vm2 =	vgt.f32 v22, v23  }
0x34d: {  	v18 =	vsel vm2, v18, v21  }
0x34e: {  	v18 =	vmax.f32 v18, $1.000000020e-16  }
0x34f: {  	v21 =	vshrl.u32 v18, $0x1;
	v18 =	vmul.f32 $5.000000000e-01, v18  }
0x350: {  	v21 =	vsub.s32 $0x5F3759DF, v21  }
0x351: {  	v22 =	vmul.f32 v21, v18;
	_ =	sdelay $0x1  }
0x352: {  	v22 =	vmul.f32 v21, v22;
	_ =	sdelay $0x1  }
0x353: {  	v22 =	vsub.f32 $1.500000000e+00, v22;
	_ =	sdelay $0x1  }
0x354: {  	v21 =	vmul.f32 v21, v22;
	_ =	sdelay $0x1  }
0x355: {  	v22 =	vmul.f32 v21, v18;
	_ =	sdelay $0x1  }
0x356: {  	v22 =	vmul.f32 v22, v21;
	_ =	sdelay $0x1  }
0x357: {  	v22 =	vsub.f32 $1.500000000e+00, v22;
	_ =	sdelay $0x1  }
0x358: {  	v21 =	vmul.f32 v22, v21;
	_ =	sdelay $0x1  }
0x359: {  	v18 =	vmul.f32 v21, v18;
	_ =	sdelay $0x1  }
0x35a: {  	v18 =	vmul.f32 v18, v21;
	_ =	sdelay $0x1  }
0x35b: {  	v18 =	vsub.f32 $1.500000000e+00, v18;
	_ =	sdelay $0x1  }
0x35c: {  	v18 =	vmul.f32 v18, v21;
	_ =	sdelay $0x1  }
0x35d: {  	v17 =	vsel vm0, s17, v17;
	v19 =	vsel vm2, v19, v20;
	v18 =	vmin.f32 v18, $1.000000000e+08  }
0x35e: {  	v17 =	vsel vm1, s18, v17;
	v18 =	vmul.f32 v18, v19  }
0x35f: {  	vm0 =	vgt.s32 v16, $0x0;
	v17 =	vsel vm2, s19, v17  }
0x360: {  	v17 =	vadd.s32 v17, v14;
	v16 =	vnsel vm0, $0xC61C4000, v18  }
0x361: {  	[tilespmem:$0x6E0] =	vst v16;
	v16 =	vnsel vm0, $0xFFFFFFFF, v17  }
0x362: {  	s29 =	simm.s32 $0x1F0;
	v19 =	vld [tilespmem:$0xF0];
	[tilespmem:$0x7E0] =	vst v16  }
0x363: {  	v16 =	vld [tilespmem:s29+$0x0]  }
0x364: {  	v20 =	vld [tilespmem:$0x4F0]  }
0x365: {  	s30 =	simm.s32 $0x370;
	v18 =	vld [tilespmem:$0x370]  }
0x366: {  	v17 =	vld [tilespmem:s30+$0x0];
	_ =	sdelay $0x1  }
0x367: {  	s17 =	simm.s32 $0x0;
	s31 =	simm.s32 $0x1F1;
	v16 =	vadd.f32 v16, v19  }
0x368: {  	vm0 =	vgt.s32 v20, s17;
	v22 =	vld [tilespmem:s31+$0x0]  }
0x369: {  	v21 =	vimm.f32 $-9.999999860e+14;
	v23 =	vnsel vm0, $0xD8635FA9, v16  }
0x36a: {  	v24 =	vand.u32 $0x7FFFFFFF, v21;
	v16 =	vadd.f32 v17, v18;
	v17 =	vand.u32 $0x7FFFFFFF, v23  }
0x36b: {  	s20 =	simm.s32 $0x371;
	v24 =	vmul.f32 v24, v21;
	v17 =	vmul.f32 v17, v23  }
0x36c: {  	v26 =	vimm.f32 $1.000000000e+00;
	v25 =	vld [tilespmem:s20+$0x0];
	v27 =	vnsel vm0, $0x3F800000, v16  }
0x36d: {  	s18 =	simm.s32 $0x1;
	v22 =	vadd.f32 v22, v19;
	v24 =	vmul.f32 v27, v24;
	v63 =	vmul.f32 v17, v26  }
0x36e: {  	vm1 =	vgt.s32 v20, s18  }
0x36f: {  	s21 =	simm.s32 $0x1F2;
	v22 =	vnsel vm1, $0xD8635FA9, v22;
	v16 =	vld [tilespmem:$0x5F0];
	vm0 =	vgt.f32 v63, v24  }
0x370: {  	s22 =	simm.s32 $0x3;
	s19 =	simm.s32 $0x2;
	v17 =	vimm.s32 $0x0;
	v24 =	vld [tilespmem:s21+$0x0];
	v23 =	vsel vm0, v23, v21;
	v21 =	vsel vm0, v27, v26  }
.LBB2_32:
0x371: {  	p0 =	sne.s32 s22, $0x1D;
	v26 =	vadd.f32 v25, v18;
	v25 =	vand.u32 $0x7FFFFFFF, v22;
	v27 =	vand.u32 $0x7FFFFFFF, v23  }
0x372: {  	s20 =	sadd.s32 $0x1, s20;
	v17 =	vsel vm0, s17, v17;
	s17 =	smov.u32 s18;
	s18 =	smov.u32 s19;
	v28 =	vmul.f32 v25, v22;
	v27 =	vmul.f32 v27, v23  }
.Ltmp15:
0x373: {  	s19 =	smov.u32 s22;
	v25 =	vld [tilespmem:s20+$0x0];
	v26 =	vnsel vm1, $0x3F800000, v26;
	(pc) =	sbr.rel @p0 .LBB2_32-.Ltmp15, $4  }
0x374: {  	v28 =	vmul.f32 v28, v21;
	v27 =	vmul.f32 v26, v27  }
0x375: {  	v29 =	vadd.f32 v24, v19  }
0x376: {  	s21 =	sadd.s32 $0x1, s21;
	vm1 =	vgt.s32 v20, s18;
	vm0 =	vgt.f32 v28, v27  }
0x377: {  	s22 =	sadd.s32 $0x1, s22;
	v24 =	vld [tilespmem:s21+$0x0];
	v23 =	vsel vm0, v22, v23;
	v22 =	vnsel vm1, $0xD8635FA9, v29;
	v21 =	vsel vm0, v26, v21  }
0x378: {  	v25 =	vadd.f32 v25, v18;
	v26 =	vand.u32 $0x7FFFFFFF, v22;
	v27 =	vand.u32 $0x7FFFFFFF, v23  }
0x379: {  	s20 =	sadd.s32 $0x1, s20;
	v26 =	vmul.f32 v26, v22;
	v27 =	vmul.f32 v27, v23  }
0x37a: {  	v28 =	vld [tilespmem:s20+$0x0];
	v25 =	vnsel vm1, $0x3F800000, v25  }
0x37b: {  	v26 =	vmul.f32 v26, v21;
	v27 =	vmul.f32 v25, v27  }
0x37c: {  	v19 =	vadd.f32 v24, v19  }
0x37d: {  	vm2 =	vgt.s32 v20, s19;
	vm13 =	vgt.f32 v26, v27  }
0x37e: {  	v19 =	vnsel vm2, $0xD8635FA9, v19;
	v58 =	vsel vm13, v22, v23  }
0x37f: {  	v59 =	vadd.f32 v28, v18;
	v60 =	vand.u32 $0x7FFFFFFF, v19;
	v23 =	vand.u32 $0x7FFFFFFF, v58  }
0x380: {  	v22 =	vmul.f32 v60, v19;
	v23 =	vmul.f32 v23, v58  }
0x381: {  	v61 =	vsel vm13, v25, v21;
	v18 =	vnsel vm2, $0x3F800000, v59  }
0x382: {  	v22 =	vmul.f32 v22, v61;
	v23 =	vmul.f32 v18, v23;
	_ =	sdelay $0x1  }
0x383: {  	vm14 =	vgt.f32 v22, v23  }
0x384: {  	v18 =	vsel vm14, v18, v61  }
0x385: {  	v18 =	vmax.f32 v18, $1.000000020e-16  }
0x386: {  	v62 =	vshrl.u32 v18, $0x1;
	v18 =	vmul.f32 $5.000000000e-01, v18  }
0x387: {  	v21 =	vsub.s32 $0x5F3759DF, v62  }
0x388: {  	v63 =	vmul.f32 v21, v18;
	_ =	sdelay $0x1  }
0x389: {  	v22 =	vmul.f32 v21, v63;
	_ =	sdelay $0x1  }
0x38a: {  	v22 =	vsub.f32 $1.500000000e+00, v22;
	_ =	sdelay $0x1  }
0x38b: {  	v21 =	vmul.f32 v21, v22;
	_ =	sdelay $0x1  }
0x38c: {  	v22 =	vmul.f32 v21, v18;
	_ =	sdelay $0x1  }
0x38d: {  	v22 =	vmul.f32 v22, v21;
	_ =	sdelay $0x1  }
0x38e: {  	v22 =	vsub.f32 $1.500000000e+00, v22;
	_ =	sdelay $0x1  }
0x38f: {  	v21 =	vmul.f32 v22, v21;
	_ =	sdelay $0x1  }
0x390: {  	v18 =	vmul.f32 v21, v18;
	_ =	sdelay $0x1  }
0x391: {  	v18 =	vmul.f32 v18, v21;
	_ =	sdelay $0x1  }
0x392: {  	v18 =	vsub.f32 $1.500000000e+00, v18;
	_ =	sdelay $0x1  }
0x393: {  	v18 =	vmul.f32 v18, v21;
	_ =	sdelay $0x1  }
0x394: {  	v17 =	vsel vm0, s17, v17;
	v19 =	vsel vm14, v19, v58;
	v18 =	vmin.f32 v18, $1.000000000e+08  }
0x395: {  	v17 =	vsel vm13, s18, v17;
	v18 =	vmul.f32 v18, v19  }
0x396: {  	vm15 =	vgt.s32 v16, $0x0;
	v17 =	vsel vm14, s19, v17  }
0x397: {  	v17 =	vadd.s32 v17, v15;
	v16 =	vnsel vm15, $0xC61C4000, v18  }
0x398: {  	[tilespmem:$0x6F0] =	vst v16;
	v16 =	vnsel vm15, $0xFFFFFFFF, v17  }
0x399: {  	[tilespmem:$0x7F0] =	vst v16  }
0x39a: {  	[hbm4b:s8+s2] =	stream.linear.scatter [tilespmem:s14], [sflag:$0x1], $0x100, $0x38;
	[tilespmem:$0x800] =	vst v63  }
0x39b: {  	s16 =	sadd.s32 $0x1, s16;
	_ =	swait.ge [sflag:s11], $0x100  }
0x39c: {  	p0 =	sne.s32 s16, s10;
	[sflag:s11] =	ssyncset.done $0x0  }
.Ltmp16:
0x39d: {  	[sflag:s11] =	ssyncadd.s32 $0xFFFFFF00;
	(pc) =	sbr.rel @p0 .LBB2_1-.Ltmp16, $4  }
0x39e: {  	[hbm4b:s9+s2] =	stream.linear.scatter [tilespmem:s15], [sflag:$0x1], $0x100, $0x38;
	[tilespmem:$0x800] =	vst v63  }
0x39f: {  	_ =	swait.ge [sflag:s11], $0x100  }
0x3a0: {  	[sflag:s11] =	ssyncset.done $0x0  }
0x3a1: {  	[sflag:s11] =	ssyncadd.s32 $0xFFFFFF00  }
0x3a2: {  	_ =	sfence.sel $0x180000  }
0x3a3: {  	[bflag:$0x0] =	sbarrier.arrive $0xFFFF  }
0x3a4: {  	p0 =	sne.s32 s1, $0x0;
	_ =	strace $0x90000047  }
0x3a5: {  	s0 =	sadd.s32 @!p0 $0x100000, s0;
	[bflag:$0x2] =	sbarrier.arrive $0xFFFF  }
0x3a6: {  	[sflag:s0] =	ssyncadd.tile.s32 @!p0 $0x1;
	_ =	shalt  }
.Lfunc_end2:
_tile_overlayer_lowered:
.L_overlay_start_2:
0x3a7: {  	(tag) =	ssettag $0x2  }
0x3a8: {  	s0 =	rddreg [dreg:$0x0];
	s2 =	stileid.u32  }
0x3a9: {  	s1 =	rddreg [dreg:$0x1];
	p0 =	sne.s32 s2, $0x0  }
0x3aa: {  	s3 =	rddreg [dreg:$0x2];
	[bflag:$0x3] =	sbarrier.arrive $0xFFFF;
	s2 =	simm.s32 @!p0 $0x1C01  }
0x3ab: {  	[timem:s3], [sflag:s2] =	dma.local @!p0 [hbm:s0], s1  }
0x3ac: {  	s0 =	simm.s32 @!p0 $0x1  }
0x3ad: {  	_ =	swait.ge @!p0 [sflag:s0], s1  }
0x3ae: {  	s1 =	ssub.s32 @!p0 $0x0, s1;
	[sflag:s0] =	ssyncset.done @!p0 $0x0  }
0x3af: {  	[sflag:s0] =	ssyncadd.s32 @!p0 s1  }
0x3b0: {  	[bflag:$0x3] =	sbarrier.arrive $0xFFFF  }
0x3b1: {  	_ =	shalt  }

</sc_bundles>
